<compile_context>
chip_gen: v7x
topology: tpu7x:2x2x1
jax: 0.10.2.dev20260603
libtpu: 0.0.44.dev20260713+nightly
codegen_flags: <defaults>
</compile_context>

<pallas_src>
import functools

import jax
import jax.numpy as jnp
from jax import lax
from jax.experimental import pallas as pl
from jax.experimental.pallas import tpu as pltpu
from jax.experimental.pallas import tpu_sc as plsc

N = 10000
NP = 10240
E = 320000
D1 = 128
D2 = 64
BLK = 256

NC, NS, L = 2, 16, 16
NW = NC * NS
CH = 128
CPT = 80
EPAD = NW * CPT * CH
DUMP = NP - 1
RPT = NP // NS

_mesh = lambda: plsc.VectorSubcoreMesh(core_axis_name="c", subcore_axis_name="s")


def _deg_body(dst_hbm, out_hbm, dst_v, ones_v, acc_sp, *_):
    cid = lax.axis_index("c")
    sid = lax.axis_index("s")
    wid = cid * NS + sid

    ones = jnp.full((L,), 1.0, dtype=jnp.float32)

    def _fill(r, _):
        ones_v[r, pl.ds(0, L)] = ones
        return _
    lax.fori_loop(0, CH, _fill, None)

    for k in range(RPT // CH):
        pltpu.sync_copy(ones_v, acc_sp.at[pl.ds(sid * RPT + k * CH, CH)])

    pltpu.sync_copy(dst_hbm.at[wid], dst_v)
    plsc.subcore_barrier()

    def _chunk(c, _):
        pltpu.sync_copy(ones_v, acc_sp.at[dst_v.at[c]], add=True)
        return _
    lax.fori_loop(0, CPT, _chunk, None)
    plsc.subcore_barrier()

    pltpu.sync_copy(acc_sp.at[pl.ds(sid * RPT, RPT)],
                    out_hbm.at[cid, pl.ds(sid * RPT, RPT)])


def _deg_sc(dst3):
    k = pl.kernel(
        _deg_body,
        out_type=jax.ShapeDtypeStruct((NC, NP, L), jnp.float32),
        mesh=_mesh(),
        scratch_types=[
            pltpu.VMEM((CPT, CH), jnp.int32),
            pltpu.VMEM((CH, L), jnp.float32),
            pltpu.VMEM_SHARED((NP, L), jnp.float32),
        ],
    )
    return k(dst3)


def _mm1_body(x_ref, w_ref, b_ref, d0_ref, d1_ref, o_ref, dv_ref):
    i = pl.program_id(0)
    deg = d0_ref[:, 0:1] + d1_ref[:, 0:1]
    rows = i * BLK + lax.broadcasted_iota(jnp.int32, (BLK, 1), 0)
    dcol = jnp.where(rows < N, lax.rsqrt(deg - 1.0), 0.0)
    dv = jnp.broadcast_to(dcol, (BLK, D1))
    dv_ref[...] = dv
    acc = jnp.dot(x_ref[...], w_ref[...], preferred_element_type=jnp.float32)
    o_ref[...] = (acc + b_ref[0:1, :]) * dv


def _mm1_tc(xp, W1, b1, deg0, deg1):
    b1b = jnp.broadcast_to(b1[None, :], (8, D1))
    return pl.pallas_call(
        _mm1_body,
        grid=(NP // BLK,),
        in_specs=[
            pl.BlockSpec((BLK, D1), lambda i: (i, 0)),
            pl.BlockSpec((D1, D1), lambda i: (0, 0)),
            pl.BlockSpec((8, D1), lambda i: (0, 0)),
            pl.BlockSpec((BLK, L), lambda i: (i, 0)),
            pl.BlockSpec((BLK, L), lambda i: (i, 0)),
        ],
        out_specs=[
            pl.BlockSpec((BLK, D1), lambda i: (i, 0)),
            pl.BlockSpec((BLK, D1), lambda i: (i, 0)),
        ],
        out_shape=[
            jax.ShapeDtypeStruct((NP, D1), jnp.float32),
            jax.ShapeDtypeStruct((NP, D1), jnp.float32),
        ],
    )(xp, W1, b1b, deg0, deg1)


SCH = 64
NBUF = 4
CPT0 = 192
CPT1 = 128
G = 64
TOTC = EPAD // SCH


def _spmm_body(D, table_hbm, src_hbm, dst_hbm, out_hbm, src_v, dst_v,
               rows_v, acc_sp, sems, *_):
    cid = lax.axis_index("c")
    sid = lax.axis_index("s")

    zeros = jnp.zeros((L,), dtype=jnp.float32)

    def _zfill(r, _):
        for b in range(2):
            for c in range(D // L):
                rows_v[b][r, pl.ds(c * L, L)] = zeros
        return _
    lax.fori_loop(0, SCH, _zfill, None)
    for k in range(RPT // (2 * SCH)):
        pltpu.sync_copy(rows_v[0],
                        acc_sp.at[pl.ds(sid * RPT + 2 * k * SCH, SCH)])
        pltpu.sync_copy(rows_v[1],
                        acc_sp.at[pl.ds(sid * RPT + (2 * k + 1) * SCH, SCH)])
    plsc.subcore_barrier()

    n_groups = jnp.where(cid == 0, CPT0 // G, CPT1 // G)
    base = jnp.where(cid == 0, sid * CPT0, NS * CPT0 + sid * CPT1)

    def _group(g, _):
        pltpu.sync_copy(src_hbm.at[pl.ds(base + g * G, G)], src_v)
        pltpu.sync_copy(dst_hbm.at[pl.ds(base + g * G, G)], dst_v)
        for b in range(NBUF - 1):
            pltpu.async_copy(table_hbm.at[src_v.at[b]], rows_v[b], sems[b])

        def _quad(i, _):
            for b in range(NBUF):
                c = NBUF * i + b
                pltpu.make_async_copy(table_hbm.at[src_v.at[c]],
                                      rows_v[b], sems[b]).wait()

                @pl.when(c + NBUF - 1 < G)
                def _():
                    nb = (b + NBUF - 1) % NBUF
                    pltpu.async_copy(table_hbm.at[src_v.at[c + NBUF - 1]],
                                     rows_v[nb], sems[nb])

                pltpu.sync_copy(rows_v[b], acc_sp.at[dst_v.at[c]], add=True)
            return _
        lax.fori_loop(0, G // NBUF, _quad, None)
        return _
    lax.fori_loop(0, n_groups, _group, None)
    plsc.subcore_barrier()

    pltpu.sync_copy(acc_sp.at[pl.ds(sid * RPT, RPT)],
                    out_hbm.at[cid, pl.ds(sid * RPT, RPT)])


def _spmm_sc(table, srcC, dstC, D):
    def body(table_hbm, src_hbm, dst_hbm, out_hbm, src_v, dst_v,
             r0, r1, r2, r3, acc_sp, s0, s1, s2, s3):
        _spmm_body(D, table_hbm, src_hbm, dst_hbm, out_hbm, src_v, dst_v,
                   [r0, r1, r2, r3], acc_sp, [s0, s1, s2, s3])

    k = pl.kernel(
        body,
        out_type=jax.ShapeDtypeStruct((NC, NP, D), jnp.float32),
        mesh=_mesh(),
        compiler_params=pltpu.CompilerParams(use_tc_tiling_on_sc=False)
        if D != 128 else None,
        scratch_types=[
            pltpu.VMEM((G, SCH), jnp.int32),
            pltpu.VMEM((G, SCH), jnp.int32),
            pltpu.VMEM((SCH, D), jnp.float32),
            pltpu.VMEM((SCH, D), jnp.float32),
            pltpu.VMEM((SCH, D), jnp.float32),
            pltpu.VMEM((SCH, D), jnp.float32),
            pltpu.VMEM_SHARED((NP, D), jnp.float32),
            pltpu.SemaphoreType.DMA,
            pltpu.SemaphoreType.DMA,
            pltpu.SemaphoreType.DMA,
            pltpu.SemaphoreType.DMA,
        ],
    )
    return k(table, srcC, dstC)


def _mm2_body(a_ref, b_ref, t_ref, w_ref, bias_ref, dv_ref, o_ref):
    dv = dv_ref[...]
    h = jnp.maximum((a_ref[...] + b_ref[...] + t_ref[...]) * dv, 0.0)
    acc = jnp.dot(h, w_ref[...], preferred_element_type=jnp.float32)
    o_ref[...] = (acc + bias_ref[0:1, :]) * dv[:, :D2]


def _mm2_tc(acc0, acc1, table1, W2, b2, dinv_b):
    b2b = jnp.broadcast_to(b2[None, :], (8, D2))
    return pl.pallas_call(
        _mm2_body,
        grid=(NP // BLK,),
        in_specs=[
            pl.BlockSpec((BLK, D1), lambda i: (i, 0)),
            pl.BlockSpec((BLK, D1), lambda i: (i, 0)),
            pl.BlockSpec((BLK, D1), lambda i: (i, 0)),
            pl.BlockSpec((D1, D2), lambda i: (0, 0)),
            pl.BlockSpec((8, D2), lambda i: (0, 0)),
            pl.BlockSpec((BLK, D1), lambda i: (i, 0)),
        ],
        out_specs=pl.BlockSpec((BLK, D2), lambda i: (i, 0)),
        out_shape=jax.ShapeDtypeStruct((NP, D2), jnp.float32),
    )(acc0, acc1, table1, W2, b2b, dinv_b)


FBLK = 200


def _fin_body(a_ref, b_ref, t_ref, dv_ref, o_ref):
    o_ref[...] = (a_ref[...] + b_ref[...] + t_ref[...]) * dv_ref[:, :D2]


def _fin_tc(acc0, acc1, table2, dinv_b):
    return pl.pallas_call(
        _fin_body,
        grid=(N // FBLK,),
        in_specs=[
            pl.BlockSpec((FBLK, D2), lambda i: (i, 0)),
            pl.BlockSpec((FBLK, D2), lambda i: (i, 0)),
            pl.BlockSpec((FBLK, D2), lambda i: (i, 0)),
            pl.BlockSpec((FBLK, D1), lambda i: (i, 0)),
        ],
        out_specs=pl.BlockSpec((FBLK, D2), lambda i: (i, 0)),
        out_shape=jax.ShapeDtypeStruct((N, D2), jnp.float32),
    )(acc0, acc1, table2, dinv_b)


@jax.jit
def kernel(x, edge_index, W1, b1, W2, b2):
    src = edge_index[0].astype(jnp.int32)
    dst = edge_index[1].astype(jnp.int32)

    pad = EPAD - E
    src_p = jnp.concatenate([src, jnp.full((pad,), DUMP, jnp.int32)])
    dst_p = jnp.concatenate([dst, jnp.full((pad,), DUMP, jnp.int32)])
    dst3 = dst_p.reshape(NW, CPT, CH)
    srcC = src_p.reshape(TOTC, SCH)
    dstC = dst_p.reshape(TOTC, SCH)

    xp = jnp.zeros((NP, x.shape[1]), x.dtype).at[:N].set(x)

    cnt = _deg_sc(dst3)
    table1, dinv_b = _mm1_tc(xp, W1, b1, cnt[0], cnt[1])
    acc1 = _spmm_sc(table1, srcC, dstC, D1)
    table2 = _mm2_tc(acc1[0], acc1[1], table1, W2, b2, dinv_b)
    acc2 = _spmm_sc(table2, srcC, dstC, D2)
    return _fin_tc(acc2[0], acc2[1], table2, dinv_b)

# --- scband reference (transcript-rebuilt; emitter-appended) ---
"""Pipeline reference for scband-flag-16346645528582 (READ-ONLY COPY).

The authoritative reference and input builder live on the scoring server;
editing this copy changes nothing except your own understanding.
"""

import jax, jax.numpy as jnp
import numpy as np

N_NODES = 10000
N_EDGES = 320000
IN_DIM = 128
HIDDEN_DIM = 128
N_CLASSES = 64


def setup_inputs(seed: int = 0) -> dict:
    key = jax.random.key(seed)
    k1, k2, k3, k4, k5, k6 = jax.random.split(key, 6)
    x = jax.random.normal(k1, (N_NODES, IN_DIM), dtype=jnp.float32)
    edge_index = jax.random.randint(k2, (2, N_EDGES), 0, N_NODES, dtype=jnp.int64)
    # GCN backbone parameters (2 layers)
    W1 = jax.random.normal(k3, (IN_DIM, HIDDEN_DIM), dtype=jnp.float32) * (1.0 / np.sqrt(IN_DIM))
    b1 = jnp.zeros((HIDDEN_DIM,), dtype=jnp.float32)
    W2 = jax.random.normal(k4, (HIDDEN_DIM, N_CLASSES), dtype=jnp.float32) * (1.0 / np.sqrt(HIDDEN_DIM))
    b2 = jnp.zeros((N_CLASSES,), dtype=jnp.float32)
    return {"x": x, "edge_index": edge_index, "W1": W1, "b1": b1, "W2": W2, "b2": b2}


def reference(x, edge_index, W1, b1, W2, b2):
    # FLAG.forward(x, adj) -> GCN backbone forward (eval mode, dropout off).
    # adj is the symmetrically normalized Laplacian graph op: D^{-1/2} (A + I) D^{-1/2},
    # materialized here from edge_index with self-loops.
    N = x.shape[0]
    loop = jnp.arange(N, dtype=edge_index.dtype)
    src = jnp.concatenate([edge_index[0], loop])
    dst = jnp.concatenate([edge_index[1], loop])
    deg = jnp.zeros((N,), dtype=jnp.float32).at[dst].add(1.0)
    dinv = jax.lax.rsqrt(jnp.maximum(deg, 1.0))
    w = dinv[src] * dinv[dst]

    def spmm(h):
        gathered = h[src] * w[:, None]
        return jnp.zeros((N, h.shape[1]), dtype=h.dtype).at[dst].add(gathered)

    h = spmm(x @ W1 + b1)
    h = jax.nn.relu(h)
    out = spmm(h @ W2 + b2)
    return out

if __name__ == "__main__":
    import jax
    _d = setup_inputs()
    print(jax.jit(kernel)(*tuple(_d.values())))

</pallas_src>

<mosaic_0001>
#map = affine_map<(d0, d1) -> (0, 0)>
#map1 = affine_map<(d0, d1) -> (0, 0, 0)>
module attributes {stable_mosaic.version = 14 : i64} {
  func.func @body(%arg0: i32, %arg1: i32, %arg2: memref<10240x128xf32, #tpu.memory_space<hbm>>, %arg3: memref<5120x64xi32, #tpu.memory_space<hbm>>, %arg4: memref<5120x64xi32, #tpu.memory_space<hbm>>, %arg5: memref<2x10240x128xf32, #tpu.memory_space<hbm>>, %arg6: memref<64x64xi32, #tpu.memory_space<vmem>>, %arg7: memref<64x64xi32, #tpu.memory_space<vmem>>, %arg8: memref<64x128xf32, #tpu.memory_space<vmem>>, %arg9: memref<64x128xf32, #tpu.memory_space<vmem>>, %arg10: memref<64x128xf32, #tpu.memory_space<vmem>>, %arg11: memref<64x128xf32, #tpu.memory_space<vmem>>, %arg12: memref<10240x128xf32, #tpu.memory_space<vmem_shared>>, %arg13: memref<!tpu.dma_semaphore, #tpu.memory_space<semaphore_mem>>, %arg14: memref<!tpu.dma_semaphore, #tpu.memory_space<semaphore_mem>>, %arg15: memref<!tpu.dma_semaphore, #tpu.memory_space<semaphore_mem>>, %arg16: memref<!tpu.dma_semaphore, #tpu.memory_space<semaphore_mem>>) attributes {dimension_semantics = [#tpu.dimension_semantics<core_parallel>, #tpu.dimension_semantics<subcore_parallel>], iteration_bounds = array<i64: 2, 16>, scalar_prefetch = 0 : i64, scratch_operands = 11 : i64, tpu.core_type = #tpu.core_type<sc_vector_subcore>, window_params = [{transform_indices = #map}, {transform_indices = #map}, {transform_indices = #map}, {transform_indices = #map1}]} {
    %broadcast_in_dim3A = arith.constant 0.000000e+00 : f32
    %broadcast_in_dim3A_0 = vector.broadcast %broadcast_in_dim3A : f32 to vector<16xf32>
    %scan3A = arith.constant 0 : i32
    %scan3A_1 = arith.constant 64 : i32
    %scan3A_2 = arith.addi %scan3A, %scan3A_1 : i32
    %scan3A_3 = arith.constant 1 : i32
    scf.for %scan3A_67 = %scan3A to %scan3A_2 step %scan3A_3  : i32 {
      %swap3A = arith.index_cast %scan3A_67 : i32 to index
      %swap3A_68 = arith.constant 0 : index
      %swap3A_69 = tpu.vector_load %arg8[%swap3A, %swap3A_68] {strides = array<i32>} : memref<64x128xf32, #tpu.memory_space<vmem>>, vector<1x16xf32>,
      %swap3A_70 = vector.shape_cast %swap3A_69 : vector<1x16xf32> to vector<16xf32>
      %swap3A_71 = vector.shape_cast %broadcast_in_dim3A_0 : vector<16xf32> to vector<1x16xf32>
      tpu.vector_store %arg8[%swap3A, %swap3A_68], %swap3A_71 {strides = array<i32>} : memref<64x128xf32, #tpu.memory_space<vmem>>, vector<1x16xf32>,
      %swap3A_72 = arith.index_cast %scan3A_67 : i32 to index
      %swap3A_73 = arith.constant 16 : index
      %swap3A_74 = tpu.vector_load %arg8[%swap3A_72, %swap3A_73] {strides = array<i32>} : memref<64x128xf32, #tpu.memory_space<vmem>>, vector<1x16xf32>,
      %swap3A_75 = vector.shape_cast %swap3A_74 : vector<1x16xf32> to vector<16xf32>
      %swap3A_76 = vector.shape_cast %broadcast_in_dim3A_0 : vector<16xf32> to vector<1x16xf32>
      tpu.vector_store %arg8[%swap3A_72, %swap3A_73], %swap3A_76 {strides = array<i32>} : memref<64x128xf32, #tpu.memory_space<vmem>>, vector<1x16xf32>,
      %swap3A_77 = arith.index_cast %scan3A_67 : i32 to index
      %swap3A_78 = arith.constant 32 : index
      %swap3A_79 = tpu.vector_load %arg8[%swap3A_77, %swap3A_78] {strides = array<i32>} : memref<64x128xf32, #tpu.memory_space<vmem>>, vector<1x16xf32>,
      %swap3A_80 = vector.shape_cast %swap3A_79 : vector<1x16xf32> to vector<16xf32>
      %swap3A_81 = vector.shape_cast %broadcast_in_dim3A_0 : vector<16xf32> to vector<1x16xf32>
      tpu.vector_store %arg8[%swap3A_77, %swap3A_78], %swap3A_81 {strides = array<i32>} : memref<64x128xf32, #tpu.memory_space<vmem>>, vector<1x16xf32>,
      %swap3A_82 = arith.index_cast %scan3A_67 : i32 to index
      %swap3A_83 = arith.constant 48 : index
      %swap3A_84 = tpu.vector_load %arg8[%swap3A_82, %swap3A_83] {strides = array<i32>} : memref<64x128xf32, #tpu.memory_space<vmem>>, vector<1x16xf32>,
      %swap3A_85 = vector.shape_cast %swap3A_84 : vector<1x16xf32> to vector<16xf32>
      %swap3A_86 = vector.shape_cast %broadcast_in_dim3A_0 : vector<16xf32> to vector<1x16xf32>
      tpu.vector_store %arg8[%swap3A_82, %swap3A_83], %swap3A_86 {strides = array<i32>} : memref<64x128xf32, #tpu.memory_space<vmem>>, vector<1x16xf32>,
      %swap3A_87 = arith.index_cast %scan3A_67 : i32 to index
      %swap3A_88 = arith.constant 64 : index
      %swap3A_89 = tpu.vector_load %arg8[%swap3A_87, %swap3A_88] {strides = array<i32>} : memref<64x128xf32, #tpu.memory_space<vmem>>, vector<1x16xf32>,
      %swap3A_90 = vector.shape_cast %swap3A_89 : vector<1x16xf32> to vector<16xf32>
      %swap3A_91 = vector.shape_cast %broadcast_in_dim3A_0 : vector<16xf32> to vector<1x16xf32>
      tpu.vector_store %arg8[%swap3A_87, %swap3A_88], %swap3A_91 {strides = array<i32>} : memref<64x128xf32, #tpu.memory_space<vmem>>, vector<1x16xf32>,
      %swap3A_92 = arith.index_cast %scan3A_67 : i32 to index
      %swap3A_93 = arith.constant 80 : index
      %swap3A_94 = tpu.vector_load %arg8[%swap3A_92, %swap3A_93] {strides = array<i32>} : memref<64x128xf32, #tpu.memory_space<vmem>>, vector<1x16xf32>,
      %swap3A_95 = vector.shape_cast %swap3A_94 : vector<1x16xf32> to vector<16xf32>
      %swap3A_96 = vector.shape_cast %broadcast_in_dim3A_0 : vector<16xf32> to vector<1x16xf32>
      tpu.vector_store %arg8[%swap3A_92, %swap3A_93], %swap3A_96 {strides = array<i32>} : memref<64x128xf32, #tpu.memory_space<vmem>>, vector<1x16xf32>,
      %swap3A_97 = arith.index_cast %scan3A_67 : i32 to index
      %swap3A_98 = arith.constant 96 : index
      %swap3A_99 = tpu.vector_load %arg8[%swap3A_97, %swap3A_98] {strides = array<i32>} : memref<64x128xf32, #tpu.memory_space<vmem>>, vector<1x16xf32>,
      %swap3A_100 = vector.shape_cast %swap3A_99 : vector<1x16xf32> to vector<16xf32>
      %swap3A_101 = vector.shape_cast %broadcast_in_dim3A_0 : vector<16xf32> to vector<1x16xf32>
      tpu.vector_store %arg8[%swap3A_97, %swap3A_98], %swap3A_101 {strides = array<i32>} : memref<64x128xf32, #tpu.memory_space<vmem>>, vector<1x16xf32>,
      %swap3A_102 = arith.index_cast %scan3A_67 : i32 to index
      %swap3A_103 = arith.constant 112 : index
      %swap3A_104 = tpu.vector_load %arg8[%swap3A_102, %swap3A_103] {strides = array<i32>} : memref<64x128xf32, #tpu.memory_space<vmem>>, vector<1x16xf32>,
      %swap3A_105 = vector.shape_cast %swap3A_104 : vector<1x16xf32> to vector<16xf32>
      %swap3A_106 = vector.shape_cast %broadcast_in_dim3A_0 : vector<16xf32> to vector<1x16xf32>
      tpu.vector_store %arg8[%swap3A_102, %swap3A_103], %swap3A_106 {strides = array<i32>} : memref<64x128xf32, #tpu.memory_space<vmem>>, vector<1x16xf32>,
      %swap3A_107 = arith.index_cast %scan3A_67 : i32 to index
      %swap3A_108 = arith.constant 0 : index
      %swap3A_109 = tpu.vector_load %arg9[%swap3A_107, %swap3A_108] {strides = array<i32>} : memref<64x128xf32, #tpu.memory_space<vmem>>, vector<1x16xf32>,
      %swap3A_110 = vector.shape_cast %swap3A_109 : vector<1x16xf32> to vector<16xf32>
      %swap3A_111 = vector.shape_cast %broadcast_in_dim3A_0 : vector<16xf32> to vector<1x16xf32>
      tpu.vector_store %arg9[%swap3A_107, %swap3A_108], %swap3A_111 {strides = array<i32>} : memref<64x128xf32, #tpu.memory_space<vmem>>, vector<1x16xf32>,
      %swap3A_112 = arith.index_cast %scan3A_67 : i32 to index
      %swap3A_113 = arith.constant 16 : index
      %swap3A_114 = tpu.vector_load %arg9[%swap3A_112, %swap3A_113] {strides = array<i32>} : memref<64x128xf32, #tpu.memory_space<vmem>>, vector<1x16xf32>,
      %swap3A_115 = vector.shape_cast %swap3A_114 : vector<1x16xf32> to vector<16xf32>
      %swap3A_116 = vector.shape_cast %broadcast_in_dim3A_0 : vector<16xf32> to vector<1x16xf32>
      tpu.vector_store %arg9[%swap3A_112, %swap3A_113], %swap3A_116 {strides = array<i32>} : memref<64x128xf32, #tpu.memory_space<vmem>>, vector<1x16xf32>,
      %swap3A_117 = arith.index_cast %scan3A_67 : i32 to index
      %swap3A_118 = arith.constant 32 : index
      %swap3A_119 = tpu.vector_load %arg9[%swap3A_117, %swap3A_118] {strides = array<i32>} : memref<64x128xf32, #tpu.memory_space<vmem>>, vector<1x16xf32>,
      %swap3A_120 = vector.shape_cast %swap3A_119 : vector<1x16xf32> to vector<16xf32>
      %swap3A_121 = vector.shape_cast %broadcast_in_dim3A_0 : vector<16xf32> to vector<1x16xf32>
      tpu.vector_store %arg9[%swap3A_117, %swap3A_118], %swap3A_121 {strides = array<i32>} : memref<64x128xf32, #tpu.memory_space<vmem>>, vector<1x16xf32>,
      %swap3A_122 = arith.index_cast %scan3A_67 : i32 to index
      %swap3A_123 = arith.constant 48 : index
      %swap3A_124 = tpu.vector_load %arg9[%swap3A_122, %swap3A_123] {strides = array<i32>} : memref<64x128xf32, #tpu.memory_space<vmem>>, vector<1x16xf32>,
      %swap3A_125 = vector.shape_cast %swap3A_124 : vector<1x16xf32> to vector<16xf32>
      %swap3A_126 = vector.shape_cast %broadcast_in_dim3A_0 : vector<16xf32> to vector<1x16xf32>
      tpu.vector_store %arg9[%swap3A_122, %swap3A_123], %swap3A_126 {strides = array<i32>} : memref<64x128xf32, #tpu.memory_space<vmem>>, vector<1x16xf32>,
      %swap3A_127 = arith.index_cast %scan3A_67 : i32 to index
      %swap3A_128 = arith.constant 64 : index
      %swap3A_129 = tpu.vector_load %arg9[%swap3A_127, %swap3A_128] {strides = array<i32>} : memref<64x128xf32, #tpu.memory_space<vmem>>, vector<1x16xf32>,
      %swap3A_130 = vector.shape_cast %swap3A_129 : vector<1x16xf32> to vector<16xf32>
      %swap3A_131 = vector.shape_cast %broadcast_in_dim3A_0 : vector<16xf32> to vector<1x16xf32>
      tpu.vector_store %arg9[%swap3A_127, %swap3A_128], %swap3A_131 {strides = array<i32>} : memref<64x128xf32, #tpu.memory_space<vmem>>, vector<1x16xf32>,
      %swap3A_132 = arith.index_cast %scan3A_67 : i32 to index
      %swap3A_133 = arith.constant 80 : index
      %swap3A_134 = tpu.vector_load %arg9[%swap3A_132, %swap3A_133] {strides = array<i32>} : memref<64x128xf32, #tpu.memory_space<vmem>>, vector<1x16xf32>,
      %swap3A_135 = vector.shape_cast %swap3A_134 : vector<1x16xf32> to vector<16xf32>
      %swap3A_136 = vector.shape_cast %broadcast_in_dim3A_0 : vector<16xf32> to vector<1x16xf32>
      tpu.vector_store %arg9[%swap3A_132, %swap3A_133], %swap3A_136 {strides = array<i32>} : memref<64x128xf32, #tpu.memory_space<vmem>>, vector<1x16xf32>,
      %swap3A_137 = arith.index_cast %scan3A_67 : i32 to index
      %swap3A_138 = arith.constant 96 : index
      %swap3A_139 = tpu.vector_load %arg9[%swap3A_137, %swap3A_138] {strides = array<i32>} : memref<64x128xf32, #tpu.memory_space<vmem>>, vector<1x16xf32>,
      %swap3A_140 = vector.shape_cast %swap3A_139 : vector<1x16xf32> to vector<16xf32>
      %swap3A_141 = vector.shape_cast %broadcast_in_dim3A_0 : vector<16xf32> to vector<1x16xf32>
      tpu.vector_store %arg9[%swap3A_137, %swap3A_138], %swap3A_141 {strides = array<i32>} : memref<64x128xf32, #tpu.memory_space<vmem>>, vector<1x16xf32>,
      %swap3A_142 = arith.index_cast %scan3A_67 : i32 to index
      %swap3A_143 = arith.constant 112 : index
      %swap3A_144 = tpu.vector_load %arg9[%swap3A_142, %swap3A_143] {strides = array<i32>} : memref<64x128xf32, #tpu.memory_space<vmem>>, vector<1x16xf32>,
      %swap3A_145 = vector.shape_cast %swap3A_144 : vector<1x16xf32> to vector<16xf32>
      %swap3A_146 = vector.shape_cast %broadcast_in_dim3A_0 : vector<16xf32> to vector<1x16xf32>
      tpu.vector_store %arg9[%swap3A_142, %swap3A_143], %swap3A_146 {strides = array<i32>} : memref<64x128xf32, #tpu.memory_space<vmem>>, vector<1x16xf32>,
    }
    %scan3A_4 = arith.constant 64 : i32
    %mul3A = arith.constant 640 : i32
    %mul3A_5 = arith.muli %arg1, %mul3A : i32
    %add3A = arith.constant 0 : i32
    %add3A_6 = arith.addi %mul3A_5, %add3A : i32
    "tpu.region"() ({
      %run_scoped3A = tpu.sem_alloc : memref<!tpu.dma_semaphore, #tpu.memory_space<semaphore_mem>>
      %dma_start3A = arith.constant 0 : i32
      %dma_start3A_67 = tpu.memref_slice %arg12[%add3A_6, %dma_start3A] : memref<10240x128xf32, #tpu.memory_space<vmem_shared>> -> memref<64x128xf32, #tpu.memory_space<vmem_shared>>
      %dma_start3A_68 = arith.constant 0 : i32
      %dma_start3A_69 = tpu.memref_slice %arg12[%add3A_6, %dma_start3A_68] : memref<10240x128xf32, #tpu.memory_space<vmem_shared>> -> memref<64x128xf32, #tpu.memory_space<vmem_shared>>
      tpu.enqueue_dma source(%arg8 : memref<64x128xf32, #tpu.memory_space<vmem>>) target(%dma_start3A_69 : memref<64x128xf32, #tpu.memory_space<vmem_shared>>) target_semaphore(%run_scoped3A : memref<!tpu.dma_semaphore, #tpu.memory_space<semaphore_mem>>)
      %dma_wait3A = arith.constant 0 : i32
      %dma_wait3A_70 = tpu.memref_slice %arg12[%add3A_6, %dma_wait3A] : memref<10240x128xf32, #tpu.memory_space<vmem_shared>> -> memref<64x128xf32, #tpu.memory_space<vmem_shared>>
      %dma_wait3A_71 = arith.constant 0 : i32
      %dma_wait3A_72 = tpu.memref_slice %arg12[%add3A_6, %dma_wait3A_71] : memref<10240x128xf32, #tpu.memory_space<vmem_shared>> -> memref<64x128xf32, #tpu.memory_space<vmem_shared>>
      tpu.wait_dma2 semaphore(%run_scoped3A : memref<!tpu.dma_semaphore, #tpu.memory_space<semaphore_mem>>) src(%arg8 : memref<64x128xf32, #tpu.memory_space<vmem>>) dst(%dma_wait3A_72 : memref<64x128xf32, #tpu.memory_space<vmem_shared>>)
      tpu.yield
    }) : () -> ()
    %mul3A_7 = arith.constant 640 : i32
    %mul3A_8 = arith.muli %arg1, %mul3A_7 : i32
    %add3A_9 = arith.constant 64 : i32
    %add3A_10 = arith.addi %mul3A_8, %add3A_9 : i32
    "tpu.region"() ({
      %run_scoped3A = tpu.sem_alloc : memref<!tpu.dma_semaphore, #tpu.memory_space<semaphore_mem>>
      %dma_start3A = arith.constant 0 : i32
      %dma_start3A_67 = tpu.memref_slice %arg12[%add3A_10, %dma_start3A] : memref<10240x128xf32, #tpu.memory_space<vmem_shared>> -> memref<64x128xf32, #tpu.memory_space<vmem_shared>>
      %dma_start3A_68 = arith.constant 0 : i32
      %dma_start3A_69 = tpu.memref_slice %arg12[%add3A_10, %dma_start3A_68] : memref<10240x128xf32, #tpu.memory_space<vmem_shared>> -> memref<64x128xf32, #tpu.memory_space<vmem_shared>>
      tpu.enqueue_dma source(%arg9 : memref<64x128xf32, #tpu.memory_space<vmem>>) target(%dma_start3A_69 : memref<64x128xf32, #tpu.memory_space<vmem_shared>>) target_semaphore(%run_scoped3A : memref<!tpu.dma_semaphore, #tpu.memory_space<semaphore_mem>>)
      %dma_wait3A = arith.constant 0 : i32
      %dma_wait3A_70 = tpu.memref_slice %arg12[%add3A_10, %dma_wait3A] : memref<10240x128xf32, #tpu.memory_space<vmem_shared>> -> memref<64x128xf32, #tpu.memory_space<vmem_shared>>
      %dma_wait3A_71 = arith.constant 0 : i32
      %dma_wait3A_72 = tpu.memref_slice %arg12[%add3A_10, %dma_wait3A_71] : memref<10240x128xf32, #tpu.memory_space<vmem_shared>> -> memref<64x128xf32, #tpu.memory_space<vmem_shared>>
      tpu.wait_dma2 semaphore(%run_scoped3A : memref<!tpu.dma_semaphore, #tpu.memory_space<semaphore_mem>>) src(%arg9 : memref<64x128xf32, #tpu.memory_space<vmem>>) dst(%dma_wait3A_72 : memref<64x128xf32, #tpu.memory_space<vmem_shared>>)
      tpu.yield
    }) : () -> ()
    %mul3A_11 = arith.constant 640 : i32
    %mul3A_12 = arith.muli %arg1, %mul3A_11 : i32
    %add3A_13 = arith.constant 128 : i32
    %add3A_14 = arith.addi %mul3A_12, %add3A_13 : i32
    "tpu.region"() ({
      %run_scoped3A = tpu.sem_alloc : memref<!tpu.dma_semaphore, #tpu.memory_space<semaphore_mem>>
      %dma_start3A = arith.constant 0 : i32
      %dma_start3A_67 = tpu.memref_slice %arg12[%add3A_14, %dma_start3A] : memref<10240x128xf32, #tpu.memory_space<vmem_shared>> -> memref<64x128xf32, #tpu.memory_space<vmem_shared>>
      %dma_start3A_68 = arith.constant 0 : i32
      %dma_start3A_69 = tpu.memref_slice %arg12[%add3A_14, %dma_start3A_68] : memref<10240x128xf32, #tpu.memory_space<vmem_shared>> -> memref<64x128xf32, #tpu.memory_space<vmem_shared>>
      tpu.enqueue_dma source(%arg8 : memref<64x128xf32, #tpu.memory_space<vmem>>) target(%dma_start3A_69 : memref<64x128xf32, #tpu.memory_space<vmem_shared>>) target_semaphore(%run_scoped3A : memref<!tpu.dma_semaphore, #tpu.memory_space<semaphore_mem>>)
      %dma_wait3A = arith.constant 0 : i32
      %dma_wait3A_70 = tpu.memref_slice %arg12[%add3A_14, %dma_wait3A] : memref<10240x128xf32, #tpu.memory_space<vmem_shared>> -> memref<64x128xf32, #tpu.memory_space<vmem_shared>>
      %dma_wait3A_71 = arith.constant 0 : i32
      %dma_wait3A_72 = tpu.memref_slice %arg12[%add3A_14, %dma_wait3A_71] : memref<10240x128xf32, #tpu.memory_space<vmem_shared>> -> memref<64x128xf32, #tpu.memory_space<vmem_shared>>
      tpu.wait_dma2 semaphore(%run_scoped3A : memref<!tpu.dma_semaphore, #tpu.memory_space<semaphore_mem>>) src(%arg8 : memref<64x128xf32, #tpu.memory_space<vmem>>) dst(%dma_wait3A_72 : memref<64x128xf32, #tpu.memory_space<vmem_shared>>)
      tpu.yield
    }) : () -> ()
    %mul3A_15 = arith.constant 640 : i32
    %mul3A_16 = arith.muli %arg1, %mul3A_15 : i32
    %add3A_17 = arith.constant 192 : i32
    %add3A_18 = arith.addi %mul3A_16, %add3A_17 : i32
    "tpu.region"() ({
      %run_scoped3A = tpu.sem_alloc : memref<!tpu.dma_semaphore, #tpu.memory_space<semaphore_mem>>
      %dma_start3A = arith.constant 0 : i32
      %dma_start3A_67 = tpu.memref_slice %arg12[%add3A_18, %dma_start3A] : memref<10240x128xf32, #tpu.memory_space<vmem_shared>> -> memref<64x128xf32, #tpu.memory_space<vmem_shared>>
      %dma_start3A_68 = arith.constant 0 : i32
      %dma_start3A_69 = tpu.memref_slice %arg12[%add3A_18, %dma_start3A_68] : memref<10240x128xf32, #tpu.memory_space<vmem_shared>> -> memref<64x128xf32, #tpu.memory_space<vmem_shared>>
      tpu.enqueue_dma source(%arg9 : memref<64x128xf32, #tpu.memory_space<vmem>>) target(%dma_start3A_69 : memref<64x128xf32, #tpu.memory_space<vmem_shared>>) target_semaphore(%run_scoped3A : memref<!tpu.dma_semaphore, #tpu.memory_space<semaphore_mem>>)
      %dma_wait3A = arith.constant 0 : i32
      %dma_wait3A_70 = tpu.memref_slice %arg12[%add3A_18, %dma_wait3A] : memref<10240x128xf32, #tpu.memory_space<vmem_shared>> -> memref<64x128xf32, #tpu.memory_space<vmem_shared>>
      %dma_wait3A_71 = arith.constant 0 : i32
      %dma_wait3A_72 = tpu.memref_slice %arg12[%add3A_18, %dma_wait3A_71] : memref<10240x128xf32, #tpu.memory_space<vmem_shared>> -> memref<64x128xf32, #tpu.memory_space<vmem_shared>>
      tpu.wait_dma2 semaphore(%run_scoped3A : memref<!tpu.dma_semaphore, #tpu.memory_space<semaphore_mem>>) src(%arg9 : memref<64x128xf32, #tpu.memory_space<vmem>>) dst(%dma_wait3A_72 : memref<64x128xf32, #tpu.memory_space<vmem_shared>>)
      tpu.yield
    }) : () -> ()
    %mul3A_19 = arith.constant 640 : i32
    %mul3A_20 = arith.muli %arg1, %mul3A_19 : i32
    %add3A_21 = arith.constant 256 : i32
    %add3A_22 = arith.addi %mul3A_20, %add3A_21 : i32
    "tpu.region"() ({
      %run_scoped3A = tpu.sem_alloc : memref<!tpu.dma_semaphore, #tpu.memory_space<semaphore_mem>>
      %dma_start3A = arith.constant 0 : i32
      %dma_start3A_67 = tpu.memref_slice %arg12[%add3A_22, %dma_start3A] : memref<10240x128xf32, #tpu.memory_space<vmem_shared>> -> memref<64x128xf32, #tpu.memory_space<vmem_shared>>
      %dma_start3A_68 = arith.constant 0 : i32
      %dma_start3A_69 = tpu.memref_slice %arg12[%add3A_22, %dma_start3A_68] : memref<10240x128xf32, #tpu.memory_space<vmem_shared>> -> memref<64x128xf32, #tpu.memory_space<vmem_shared>>
      tpu.enqueue_dma source(%arg8 : memref<64x128xf32, #tpu.memory_space<vmem>>) target(%dma_start3A_69 : memref<64x128xf32, #tpu.memory_space<vmem_shared>>) target_semaphore(%run_scoped3A : memref<!tpu.dma_semaphore, #tpu.memory_space<semaphore_mem>>)
      %dma_wait3A = arith.constant 0 : i32
      %dma_wait3A_70 = tpu.memref_slice %arg12[%add3A_22, %dma_wait3A] : memref<10240x128xf32, #tpu.memory_space<vmem_shared>> -> memref<64x128xf32, #tpu.memory_space<vmem_shared>>
      %dma_wait3A_71 = arith.constant 0 : i32
      %dma_wait3A_72 = tpu.memref_slice %arg12[%add3A_22, %dma_wait3A_71] : memref<10240x128xf32, #tpu.memory_space<vmem_shared>> -> memref<64x128xf32, #tpu.memory_space<vmem_shared>>
      tpu.wait_dma2 semaphore(%run_scoped3A : memref<!tpu.dma_semaphore, #tpu.memory_space<semaphore_mem>>) src(%arg8 : memref<64x128xf32, #tpu.memory_space<vmem>>) dst(%dma_wait3A_72 : memref<64x128xf32, #tpu.memory_space<vmem_shared>>)
      tpu.yield
    }) : () -> ()
    %mul3A_23 = arith.constant 640 : i32
    %mul3A_24 = arith.muli %arg1, %mul3A_23 : i32
    %add3A_25 = arith.constant 320 : i32
    %add3A_26 = arith.addi %mul3A_24, %add3A_25 : i32
    "tpu.region"() ({
      %run_scoped3A = tpu.sem_alloc : memref<!tpu.dma_semaphore, #tpu.memory_space<semaphore_mem>>
      %dma_start3A = arith.constant 0 : i32
      %dma_start3A_67 = tpu.memref_slice %arg12[%add3A_26, %dma_start3A] : memref<10240x128xf32, #tpu.memory_space<vmem_shared>> -> memref<64x128xf32, #tpu.memory_space<vmem_shared>>
      %dma_start3A_68 = arith.constant 0 : i32
      %dma_start3A_69 = tpu.memref_slice %arg12[%add3A_26, %dma_start3A_68] : memref<10240x128xf32, #tpu.memory_space<vmem_shared>> -> memref<64x128xf32, #tpu.memory_space<vmem_shared>>
      tpu.enqueue_dma source(%arg9 : memref<64x128xf32, #tpu.memory_space<vmem>>) target(%dma_start3A_69 : memref<64x128xf32, #tpu.memory_space<vmem_shared>>) target_semaphore(%run_scoped3A : memref<!tpu.dma_semaphore, #tpu.memory_space<semaphore_mem>>)
      %dma_wait3A = arith.constant 0 : i32
      %dma_wait3A_70 = tpu.memref_slice %arg12[%add3A_26, %dma_wait3A] : memref<10240x128xf32, #tpu.memory_space<vmem_shared>> -> memref<64x128xf32, #tpu.memory_space<vmem_shared>>
      %dma_wait3A_71 = arith.constant 0 : i32
      %dma_wait3A_72 = tpu.memref_slice %arg12[%add3A_26, %dma_wait3A_71] : memref<10240x128xf32, #tpu.memory_space<vmem_shared>> -> memref<64x128xf32, #tpu.memory_space<vmem_shared>>
      tpu.wait_dma2 semaphore(%run_scoped3A : memref<!tpu.dma_semaphore, #tpu.memory_space<semaphore_mem>>) src(%arg9 : memref<64x128xf32, #tpu.memory_space<vmem>>) dst(%dma_wait3A_72 : memref<64x128xf32, #tpu.memory_space<vmem_shared>>)
      tpu.yield
    }) : () -> ()
    %mul3A_27 = arith.constant 640 : i32
    %mul3A_28 = arith.muli %arg1, %mul3A_27 : i32
    %add3A_29 = arith.constant 384 : i32
    %add3A_30 = arith.addi %mul3A_28, %add3A_29 : i32
    "tpu.region"() ({
      %run_scoped3A = tpu.sem_alloc : memref<!tpu.dma_semaphore, #tpu.memory_space<semaphore_mem>>
      %dma_start3A = arith.constant 0 : i32
      %dma_start3A_67 = tpu.memref_slice %arg12[%add3A_30, %dma_start3A] : memref<10240x128xf32, #tpu.memory_space<vmem_shared>> -> memref<64x128xf32, #tpu.memory_space<vmem_shared>>
      %dma_start3A_68 = arith.constant 0 : i32
      %dma_start3A_69 = tpu.memref_slice %arg12[%add3A_30, %dma_start3A_68] : memref<10240x128xf32, #tpu.memory_space<vmem_shared>> -> memref<64x128xf32, #tpu.memory_space<vmem_shared>>
      tpu.enqueue_dma source(%arg8 : memref<64x128xf32, #tpu.memory_space<vmem>>) target(%dma_start3A_69 : memref<64x128xf32, #tpu.memory_space<vmem_shared>>) target_semaphore(%run_scoped3A : memref<!tpu.dma_semaphore, #tpu.memory_space<semaphore_mem>>)
      %dma_wait3A = arith.constant 0 : i32
      %dma_wait3A_70 = tpu.memref_slice %arg12[%add3A_30, %dma_wait3A] : memref<10240x128xf32, #tpu.memory_space<vmem_shared>> -> memref<64x128xf32, #tpu.memory_space<vmem_shared>>
      %dma_wait3A_71 = arith.constant 0 : i32
      %dma_wait3A_72 = tpu.memref_slice %arg12[%add3A_30, %dma_wait3A_71] : memref<10240x128xf32, #tpu.memory_space<vmem_shared>> -> memref<64x128xf32, #tpu.memory_space<vmem_shared>>
      tpu.wait_dma2 semaphore(%run_scoped3A : memref<!tpu.dma_semaphore, #tpu.memory_space<semaphore_mem>>) src(%arg8 : memref<64x128xf32, #tpu.memory_space<vmem>>) dst(%dma_wait3A_72 : memref<64x128xf32, #tpu.memory_space<vmem_shared>>)
      tpu.yield
    }) : () -> ()
    %mul3A_31 = arith.constant 640 : i32
    %mul3A_32 = arith.muli %arg1, %mul3A_31 : i32
    %add3A_33 = arith.constant 448 : i32
    %add3A_34 = arith.addi %mul3A_32, %add3A_33 : i32
    "tpu.region"() ({
      %run_scoped3A = tpu.sem_alloc : memref<!tpu.dma_semaphore, #tpu.memory_space<semaphore_mem>>
      %dma_start3A = arith.constant 0 : i32
      %dma_start3A_67 = tpu.memref_slice %arg12[%add3A_34, %dma_start3A] : memref<10240x128xf32, #tpu.memory_space<vmem_shared>> -> memref<64x128xf32, #tpu.memory_space<vmem_shared>>
      %dma_start3A_68 = arith.constant 0 : i32
      %dma_start3A_69 = tpu.memref_slice %arg12[%add3A_34, %dma_start3A_68] : memref<10240x128xf32, #tpu.memory_space<vmem_shared>> -> memref<64x128xf32, #tpu.memory_space<vmem_shared>>
      tpu.enqueue_dma source(%arg9 : memref<64x128xf32, #tpu.memory_space<vmem>>) target(%dma_start3A_69 : memref<64x128xf32, #tpu.memory_space<vmem_shared>>) target_semaphore(%run_scoped3A : memref<!tpu.dma_semaphore, #tpu.memory_space<semaphore_mem>>)
      %dma_wait3A = arith.constant 0 : i32
      %dma_wait3A_70 = tpu.memref_slice %arg12[%add3A_34, %dma_wait3A] : memref<10240x128xf32, #tpu.memory_space<vmem_shared>> -> memref<64x128xf32, #tpu.memory_space<vmem_shared>>
      %dma_wait3A_71 = arith.constant 0 : i32
      %dma_wait3A_72 = tpu.memref_slice %arg12[%add3A_34, %dma_wait3A_71] : memref<10240x128xf32, #tpu.memory_space<vmem_shared>> -> memref<64x128xf32, #tpu.memory_space<vmem_shared>>
      tpu.wait_dma2 semaphore(%run_scoped3A : memref<!tpu.dma_semaphore, #tpu.memory_space<semaphore_mem>>) src(%arg9 : memref<64x128xf32, #tpu.memory_space<vmem>>) dst(%dma_wait3A_72 : memref<64x128xf32, #tpu.memory_space<vmem_shared>>)
      tpu.yield
    }) : () -> ()
    %mul3A_35 = arith.constant 640 : i32
    %mul3A_36 = arith.muli %arg1, %mul3A_35 : i32
    %add3A_37 = arith.constant 512 : i32
    %add3A_38 = arith.addi %mul3A_36, %add3A_37 : i32
    "tpu.region"() ({
      %run_scoped3A = tpu.sem_alloc : memref<!tpu.dma_semaphore, #tpu.memory_space<semaphore_mem>>
      %dma_start3A = arith.constant 0 : i32
      %dma_start3A_67 = tpu.memref_slice %arg12[%add3A_38, %dma_start3A] : memref<10240x128xf32, #tpu.memory_space<vmem_shared>> -> memref<64x128xf32, #tpu.memory_space<vmem_shared>>
      %dma_start3A_68 = arith.constant 0 : i32
      %dma_start3A_69 = tpu.memref_slice %arg12[%add3A_38, %dma_start3A_68] : memref<10240x128xf32, #tpu.memory_space<vmem_shared>> -> memref<64x128xf32, #tpu.memory_space<vmem_shared>>
      tpu.enqueue_dma source(%arg8 : memref<64x128xf32, #tpu.memory_space<vmem>>) target(%dma_start3A_69 : memref<64x128xf32, #tpu.memory_space<vmem_shared>>) target_semaphore(%run_scoped3A : memref<!tpu.dma_semaphore, #tpu.memory_space<semaphore_mem>>)
      %dma_wait3A = arith.constant 0 : i32
      %dma_wait3A_70 = tpu.memref_slice %arg12[%add3A_38, %dma_wait3A] : memref<10240x128xf32, #tpu.memory_space<vmem_shared>> -> memref<64x128xf32, #tpu.memory_space<vmem_shared>>
      %dma_wait3A_71 = arith.constant 0 : i32
      %dma_wait3A_72 = tpu.memref_slice %arg12[%add3A_38, %dma_wait3A_71] : memref<10240x128xf32, #tpu.memory_space<vmem_shared>> -> memref<64x128xf32, #tpu.memory_space<vmem_shared>>
      tpu.wait_dma2 semaphore(%run_scoped3A : memref<!tpu.dma_semaphore, #tpu.memory_space<semaphore_mem>>) src(%arg8 : memref<64x128xf32, #tpu.memory_space<vmem>>) dst(%dma_wait3A_72 : memref<64x128xf32, #tpu.memory_space<vmem_shared>>)
      tpu.yield
    }) : () -> ()
    %mul3A_39 = arith.constant 640 : i32
    %mul3A_40 = arith.muli %arg1, %mul3A_39 : i32
    %add3A_41 = arith.constant 576 : i32
    %add3A_42 = arith.addi %mul3A_40, %add3A_41 : i32
    "tpu.region"() ({
      %run_scoped3A = tpu.sem_alloc : memref<!tpu.dma_semaphore, #tpu.memory_space<semaphore_mem>>
      %dma_start3A = arith.constant 0 : i32
      %dma_start3A_67 = tpu.memref_slice %arg12[%add3A_42, %dma_start3A] : memref<10240x128xf32, #tpu.memory_space<vmem_shared>> -> memref<64x128xf32, #tpu.memory_space<vmem_shared>>
      %dma_start3A_68 = arith.constant 0 : i32
      %dma_start3A_69 = tpu.memref_slice %arg12[%add3A_42, %dma_start3A_68] : memref<10240x128xf32, #tpu.memory_space<vmem_shared>> -> memref<64x128xf32, #tpu.memory_space<vmem_shared>>
      tpu.enqueue_dma source(%arg9 : memref<64x128xf32, #tpu.memory_space<vmem>>) target(%dma_start3A_69 : memref<64x128xf32, #tpu.memory_space<vmem_shared>>) target_semaphore(%run_scoped3A : memref<!tpu.dma_semaphore, #tpu.memory_space<semaphore_mem>>)
      %dma_wait3A = arith.constant 0 : i32
      %dma_wait3A_70 = tpu.memref_slice %arg12[%add3A_42, %dma_wait3A] : memref<10240x128xf32, #tpu.memory_space<vmem_shared>> -> memref<64x128xf32, #tpu.memory_space<vmem_shared>>
      %dma_wait3A_71 = arith.constant 0 : i32
      %dma_wait3A_72 = tpu.memref_slice %arg12[%add3A_42, %dma_wait3A_71] : memref<10240x128xf32, #tpu.memory_space<vmem_shared>> -> memref<64x128xf32, #tpu.memory_space<vmem_shared>>
      tpu.wait_dma2 semaphore(%run_scoped3A : memref<!tpu.dma_semaphore, #tpu.memory_space<semaphore_mem>>) src(%arg9 : memref<64x128xf32, #tpu.memory_space<vmem>>) dst(%dma_wait3A_72 : memref<64x128xf32, #tpu.memory_space<vmem_shared>>)
      tpu.yield
    }) : () -> ()
    %barrier3A = arith.constant 0 : index
    tpu.barrier barrier_id(%barrier3A)
    %eq3A = arith.constant 0 : i32
    %eq3A_43 = arith.cmpi eq, %arg0, %eq3A : i32
    %jit3A = arith.constant 3 : i32
    %jit3A_44 = arith.constant 2 : i32
    %select_n3A = arith.select %eq3A_43, %jit3A, %jit3A_44 : i32
    %eq3A_45 = arith.constant 0 : i32
    %eq3A_46 = arith.cmpi eq, %arg0, %eq3A_45 : i32
    %mul3A_47 = arith.constant 192 : i32
    %mul3A_48 = arith.muli %arg1, %mul3A_47 : i32
    %mul3A_49 = arith.constant 128 : i32
    %mul3A_50 = arith.muli %arg1, %mul3A_49 : i32
    %add3A_51 = arith.constant 3072 : i32
    %add3A_52 = arith.addi %add3A_51, %mul3A_50 : i32
    %select_n3A_53 = arith.select %eq3A_46, %mul3A_48, %add3A_52 : i32
    %while3A = arith.constant 0 : i32
    %while3A_54 = arith.subi %select_n3A, %while3A : i32
    %while3A_55 = arith.addi %while3A, %while3A_54 : i32
    %while3A_56 = arith.constant 1 : i32
    %while3A_57 = arith.divsi %while3A_54, %while3A_56 : i32
    %while3A_58 = arith.muli %while3A_57, %while3A_56 : i32
    %while3A_59 = arith.addi %while3A, %while3A_58 : i32
    %while3A_60 = arith.constant 1 : i32
    scf.for %while3A_67 = %while3A to %while3A_59 step %while3A_60  : i32 {
      %mul3A_68 = arith.constant 64 : i32
      %mul3A_69 = arith.muli %while3A_67, %mul3A_68 : i32
      %add3A_70 = arith.addi %select_n3A_53, %mul3A_69 : i32
      "tpu.region"() ({
        %run_scoped3A = tpu.sem_alloc : memref<!tpu.dma_semaphore, #tpu.memory_space<semaphore_mem>>
        %dma_start3A_99 = arith.constant 0 : i32
        %dma_start3A_100 = tpu.memref_slice %arg3[%add3A_70, %dma_start3A_99] : memref<5120x64xi32, #tpu.memory_space<hbm>> -> memref<64x64xi32, #tpu.memory_space<hbm>>
        %dma_start3A_101 = arith.constant 0 : i32
        %dma_start3A_102 = tpu.memref_slice %arg3[%add3A_70, %dma_start3A_101] : memref<5120x64xi32, #tpu.memory_space<hbm>> -> memref<64x64xi32, #tpu.memory_space<hbm>>
        tpu.enqueue_dma source(%dma_start3A_102 : memref<64x64xi32, #tpu.memory_space<hbm>>) target(%arg6 : memref<64x64xi32, #tpu.memory_space<vmem>>) target_semaphore(%run_scoped3A : memref<!tpu.dma_semaphore, #tpu.memory_space<semaphore_mem>>)
        %dma_wait3A = arith.constant 0 : i32
        %dma_wait3A_103 = tpu.memref_slice %arg3[%add3A_70, %dma_wait3A] : memref<5120x64xi32, #tpu.memory_space<hbm>> -> memref<64x64xi32, #tpu.memory_space<hbm>>
        %dma_wait3A_104 = arith.constant 0 : i32
        %dma_wait3A_105 = tpu.memref_slice %arg3[%add3A_70, %dma_wait3A_104] : memref<5120x64xi32, #tpu.memory_space<hbm>> -> memref<64x64xi32, #tpu.memory_space<hbm>>
        tpu.wait_dma2 semaphore(%run_scoped3A : memref<!tpu.dma_semaphore, #tpu.memory_space<semaphore_mem>>) src(%dma_wait3A_105 : memref<64x64xi32, #tpu.memory_space<hbm>>) dst(%arg6 : memref<64x64xi32, #tpu.memory_space<vmem>>)
        tpu.yield
      }) : () -> ()
      %mul3A_71 = arith.constant 64 : i32
      %mul3A_72 = arith.muli %while3A_67, %mul3A_71 : i32
      %add3A_73 = arith.addi %select_n3A_53, %mul3A_72 : i32
      "tpu.region"() ({
        %run_scoped3A = tpu.sem_alloc : memref<!tpu.dma_semaphore, #tpu.memory_space<semaphore_mem>>
        %dma_start3A_99 = arith.constant 0 : i32
        %dma_start3A_100 = tpu.memref_slice %arg4[%add3A_73, %dma_start3A_99] : memref<5120x64xi32, #tpu.memory_space<hbm>> -> memref<64x64xi32, #tpu.memory_space<hbm>>
        %dma_start3A_101 = arith.constant 0 : i32
        %dma_start3A_102 = tpu.memref_slice %arg4[%add3A_73, %dma_start3A_101] : memref<5120x64xi32, #tpu.memory_space<hbm>> -> memref<64x64xi32, #tpu.memory_space<hbm>>
        tpu.enqueue_dma source(%dma_start3A_102 : memref<64x64xi32, #tpu.memory_space<hbm>>) target(%arg7 : memref<64x64xi32, #tpu.memory_space<vmem>>) target_semaphore(%run_scoped3A : memref<!tpu.dma_semaphore, #tpu.memory_space<semaphore_mem>>)
        %dma_wait3A = arith.constant 0 : i32
        %dma_wait3A_103 = tpu.memref_slice %arg4[%add3A_73, %dma_wait3A] : memref<5120x64xi32, #tpu.memory_space<hbm>> -> memref<64x64xi32, #tpu.memory_space<hbm>>
        %dma_wait3A_104 = arith.constant 0 : i32
        %dma_wait3A_105 = tpu.memref_slice %arg4[%add3A_73, %dma_wait3A_104] : memref<5120x64xi32, #tpu.memory_space<hbm>> -> memref<64x64xi32, #tpu.memory_space<hbm>>
        tpu.wait_dma2 semaphore(%run_scoped3A : memref<!tpu.dma_semaphore, #tpu.memory_space<semaphore_mem>>) src(%dma_wait3A_105 : memref<64x64xi32, #tpu.memory_space<hbm>>) dst(%arg7 : memref<64x64xi32, #tpu.memory_space<vmem>>)
        tpu.yield
      }) : () -> ()
      %dma_start3A = arith.constant 0 : i32
      %dma_start3A_74 = arith.constant 0 : i32
      %dma_start3A_75 = tpu.memref_slice %arg6[%dma_start3A, %dma_start3A_74] : memref<64x64xi32, #tpu.memory_space<vmem>> -> memref<1x64xi32, #tpu.memory_space<vmem>>
      %dma_start3A_76 = tpu.memref_squeeze %dma_start3A_75 : memref<1x64xi32, #tpu.memory_space<vmem>> -> memref<64xi32, #tpu.memory_space<vmem>>
      %dma_start3A_77 = arith.constant 0 : i32
      %dma_start3A_78 = arith.constant 0 : i32
      %dma_start3A_79 = tpu.memref_slice %arg2[%dma_start3A_77, %dma_start3A_78] : memref<10240x128xf32, #tpu.memory_space<hbm>> -> memref<10240x128xf32, #tpu.memory_space<hbm>>
      tpu.enqueue_indirect_dma source(%dma_start3A_79 : memref<10240x128xf32, #tpu.memory_space<hbm>>) target(%arg8 : memref<64x128xf32, #tpu.memory_space<vmem>>) offsets(%dma_start3A_76 : memref<64xi32, #tpu.memory_space<vmem>>) semaphore(%arg13 : memref<!tpu.dma_semaphore, #tpu.memory_space<semaphore_mem>>)
      %dma_start3A_80 = arith.constant 1 : i32
      %dma_start3A_81 = arith.constant 0 : i32
      %dma_start3A_82 = tpu.memref_slice %arg6[%dma_start3A_80, %dma_start3A_81] : memref<64x64xi32, #tpu.memory_space<vmem>> -> memref<1x64xi32, #tpu.memory_space<vmem>>
      %dma_start3A_83 = tpu.memref_squeeze %dma_start3A_82 : memref<1x64xi32, #tpu.memory_space<vmem>> -> memref<64xi32, #tpu.memory_space<vmem>>
      %dma_start3A_84 = arith.constant 0 : i32
      %dma_start3A_85 = arith.constant 0 : i32
      %dma_start3A_86 = tpu.memref_slice %arg2[%dma_start3A_84, %dma_start3A_85] : memref<10240x128xf32, #tpu.memory_space<hbm>> -> memref<10240x128xf32, #tpu.memory_space<hbm>>
      tpu.enqueue_indirect_dma source(%dma_start3A_86 : memref<10240x128xf32, #tpu.memory_space<hbm>>) target(%arg9 : memref<64x128xf32, #tpu.memory_space<vmem>>) offsets(%dma_start3A_83 : memref<64xi32, #tpu.memory_space<vmem>>) semaphore(%arg14 : memref<!tpu.dma_semaphore, #tpu.memory_space<semaphore_mem>>)
      %dma_start3A_87 = arith.constant 2 : i32
      %dma_start3A_88 = arith.constant 0 : i32
      %dma_start3A_89 = tpu.memref_slice %arg6[%dma_start3A_87, %dma_start3A_88] : memref<64x64xi32, #tpu.memory_space<vmem>> -> memref<1x64xi32, #tpu.memory_space<vmem>>
      %dma_start3A_90 = tpu.memref_squeeze %dma_start3A_89 : memref<1x64xi32, #tpu.memory_space<vmem>> -> memref<64xi32, #tpu.memory_space<vmem>>
      %dma_start3A_91 = arith.constant 0 : i32
      %dma_start3A_92 = arith.constant 0 : i32
      %dma_start3A_93 = tpu.memref_slice %arg2[%dma_start3A_91, %dma_start3A_92] : memref<10240x128xf32, #tpu.memory_space<hbm>> -> memref<10240x128xf32, #tpu.memory_space<hbm>>
      tpu.enqueue_indirect_dma source(%dma_start3A_93 : memref<10240x128xf32, #tpu.memory_space<hbm>>) target(%arg10 : memref<64x128xf32, #tpu.memory_space<vmem>>) offsets(%dma_start3A_90 : memref<64xi32, #tpu.memory_space<vmem>>) semaphore(%arg15 : memref<!tpu.dma_semaphore, #tpu.memory_space<semaphore_mem>>)
      %scan3A_94 = arith.constant 0 : i32
      %scan3A_95 = arith.constant 16 : i32
      %scan3A_96 = arith.addi %scan3A_94, %scan3A_95 : i32
      %scan3A_97 = arith.constant 1 : i32
      scf.for %scan3A_99 = %scan3A_94 to %scan3A_96 step %scan3A_97  : i32 {
        %mul3A_100 = arith.constant 4 : i32
        %mul3A_101 = arith.muli %mul3A_100, %scan3A_99 : i32
        %add3A_102 = arith.constant 0 : i32
        %add3A_103 = arith.addi %mul3A_101, %add3A_102 : i32
        %dma_wait3A = arith.constant 0 : i32
        %dma_wait3A_104 = tpu.memref_slice %arg6[%add3A_103, %dma_wait3A] : memref<64x64xi32, #tpu.memory_space<vmem>> -> memref<1x64xi32, #tpu.memory_space<vmem>>
        %dma_wait3A_105 = tpu.memref_squeeze %dma_wait3A_104 : memref<1x64xi32, #tpu.memory_space<vmem>> -> memref<64xi32, #tpu.memory_space<vmem>>
        %dma_wait3A_106 = arith.constant 0 : i32
        %dma_wait3A_107 = arith.constant 0 : i32
        %dma_wait3A_108 = tpu.memref_slice %arg2[%dma_wait3A_106, %dma_wait3A_107] : memref<10240x128xf32, #tpu.memory_space<hbm>> -> memref<10240x128xf32, #tpu.memory_space<hbm>>
        tpu.wait_indirect_dma semaphore(%arg13 : memref<!tpu.dma_semaphore, #tpu.memory_space<semaphore_mem>>) src(%dma_wait3A_108 : memref<10240x128xf32, #tpu.memory_space<hbm>>) dst(%arg8 : memref<64x128xf32, #tpu.memory_space<vmem>>)
        %add3A_109 = arith.constant 4 : i32
        %add3A_110 = arith.addi %add3A_103, %add3A_109 : i32
        %sub3A = arith.constant 1 : i32
        %sub3A_111 = arith.subi %add3A_110, %sub3A : i32
        %lt3A = arith.constant 64 : i32
        %lt3A_112 = arith.cmpi slt, %sub3A_111, %lt3A : i32
        %convert_element_type3A = arith.extui %lt3A_112 : i1 to i32
        %cond3A = arith.constant 0 : i32
        %cond3A_113 = arith.cmpi ne, %convert_element_type3A, %cond3A : i32
        scf.if %cond3A_113 {
          %add3A_171 = arith.constant 4 : i32
          %add3A_172 = arith.addi %add3A_103, %add3A_171 : i32
          %sub3A_173 = arith.constant 1 : i32
          %sub3A_174 = arith.subi %add3A_172, %sub3A_173 : i32
          %dma_start3A_175 = arith.constant 0 : i32
          %dma_start3A_176 = tpu.memref_slice %arg6[%sub3A_174, %dma_start3A_175] : memref<64x64xi32, #tpu.memory_space<vmem>> -> memref<1x64xi32, #tpu.memory_space<vmem>>
          %dma_start3A_177 = tpu.memref_squeeze %dma_start3A_176 : memref<1x64xi32, #tpu.memory_space<vmem>> -> memref<64xi32, #tpu.memory_space<vmem>>
          %dma_start3A_178 = arith.constant 0 : i32
          %dma_start3A_179 = arith.constant 0 : i32
          %dma_start3A_180 = tpu.memref_slice %arg2[%dma_start3A_178, %dma_start3A_179] : memref<10240x128xf32, #tpu.memory_space<hbm>> -> memref<10240x128xf32, #tpu.memory_space<hbm>>
          tpu.enqueue_indirect_dma source(%dma_start3A_180 : memref<10240x128xf32, #tpu.memory_space<hbm>>) target(%arg11 : memref<64x128xf32, #tpu.memory_space<vmem>>) offsets(%dma_start3A_177 : memref<64xi32, #tpu.memory_space<vmem>>) semaphore(%arg16 : memref<!tpu.dma_semaphore, #tpu.memory_space<semaphore_mem>>)
        } else {
        }
        "tpu.region"() ({
          %run_scoped3A = tpu.sem_alloc : memref<!tpu.dma_semaphore, #tpu.memory_space<semaphore_mem>>
          %dma_start3A_171 = arith.constant 0 : i32
          %dma_start3A_172 = tpu.memref_slice %arg7[%add3A_103, %dma_start3A_171] : memref<64x64xi32, #tpu.memory_space<vmem>> -> memref<1x64xi32, #tpu.memory_space<vmem>>
          %dma_start3A_173 = tpu.memref_squeeze %dma_start3A_172 : memref<1x64xi32, #tpu.memory_space<vmem>> -> memref<64xi32, #tpu.memory_space<vmem>>
          %dma_start3A_174 = arith.constant 0 : i32
          %dma_start3A_175 = arith.constant 0 : i32
          %dma_start3A_176 = tpu.memref_slice %arg12[%dma_start3A_174, %dma_start3A_175] : memref<10240x128xf32, #tpu.memory_space<vmem_shared>> -> memref<10240x128xf32, #tpu.memory_space<vmem_shared>>
          tpu.enqueue_indirect_dma source(%arg8 : memref<64x128xf32, #tpu.memory_space<vmem>>) target(%dma_start3A_176 : memref<10240x128xf32, #tpu.memory_space<vmem_shared>>) offsets(%dma_start3A_173 : memref<64xi32, #tpu.memory_space<vmem>>) semaphore(%run_scoped3A : memref<!tpu.dma_semaphore, #tpu.memory_space<semaphore_mem>>) {add = true}
          %dma_wait3A_177 = arith.constant 0 : i32
          %dma_wait3A_178 = tpu.memref_slice %arg7[%add3A_103, %dma_wait3A_177] : memref<64x64xi32, #tpu.memory_space<vmem>> -> memref<1x64xi32, #tpu.memory_space<vmem>>
          %dma_wait3A_179 = tpu.memref_squeeze %dma_wait3A_178 : memref<1x64xi32, #tpu.memory_space<vmem>> -> memref<64xi32, #tpu.memory_space<vmem>>
          %dma_wait3A_180 = arith.constant 0 : i32
          %dma_wait3A_181 = arith.constant 0 : i32
          %dma_wait3A_182 = tpu.memref_slice %arg12[%dma_wait3A_180, %dma_wait3A_181] : memref<10240x128xf32, #tpu.memory_space<vmem_shared>> -> memref<10240x128xf32, #tpu.memory_space<vmem_shared>>
          tpu.wait_indirect_dma semaphore(%run_scoped3A : memref<!tpu.dma_semaphore, #tpu.memory_space<semaphore_mem>>) src(%arg8 : memref<64x128xf32, #tpu.memory_space<vmem>>) dst(%dma_wait3A_182 : memref<10240x128xf32, #tpu.memory_space<vmem_shared>>)
          tpu.yield
        }) : () -> ()
        %mul3A_114 = arith.constant 4 : i32
        %mul3A_115 = arith.muli %mul3A_114, %scan3A_99 : i32
        %add3A_116 = arith.constant 1 : i32
        %add3A_117 = arith.addi %mul3A_115, %add3A_116 : i32
        %dma_wait3A_118 = arith.constant 0 : i32
        %dma_wait3A_119 = tpu.memref_slice %arg6[%add3A_117, %dma_wait3A_118] : memref<64x64xi32, #tpu.memory_space<vmem>> -> memref<1x64xi32, #tpu.memory_space<vmem>>
        %dma_wait3A_120 = tpu.memref_squeeze %dma_wait3A_119 : memref<1x64xi32, #tpu.memory_space<vmem>> -> memref<64xi32, #tpu.memory_space<vmem>>
        %dma_wait3A_121 = arith.constant 0 : i32
        %dma_wait3A_122 = arith.constant 0 : i32
        %dma_wait3A_123 = tpu.memref_slice %arg2[%dma_wait3A_121, %dma_wait3A_122] : memref<10240x128xf32, #tpu.memory_space<hbm>> -> memref<10240x128xf32, #tpu.memory_space<hbm>>
        tpu.wait_indirect_dma semaphore(%arg14 : memref<!tpu.dma_semaphore, #tpu.memory_space<semaphore_mem>>) src(%dma_wait3A_123 : memref<10240x128xf32, #tpu.memory_space<hbm>>) dst(%arg9 : memref<64x128xf32, #tpu.memory_space<vmem>>)
        %add3A_124 = arith.constant 4 : i32
        %add3A_125 = arith.addi %add3A_117, %add3A_124 : i32
        %sub3A_126 = arith.constant 1 : i32
        %sub3A_127 = arith.subi %add3A_125, %sub3A_126 : i32
        %lt3A_128 = arith.constant 64 : i32
        %lt3A_129 = arith.cmpi slt, %sub3A_127, %lt3A_128 : i32
        %convert_element_type3A_130 = arith.extui %lt3A_129 : i1 to i32
        %cond3A_131 = arith.constant 0 : i32
        %cond3A_132 = arith.cmpi ne, %convert_element_type3A_130, %cond3A_131 : i32
        scf.if %cond3A_132 {
          %add3A_171 = arith.constant 4 : i32
          %add3A_172 = arith.addi %add3A_117, %add3A_171 : i32
          %sub3A_173 = arith.constant 1 : i32
          %sub3A_174 = arith.subi %add3A_172, %sub3A_173 : i32
          %dma_start3A_175 = arith.constant 0 : i32
          %dma_start3A_176 = tpu.memref_slice %arg6[%sub3A_174, %dma_start3A_175] : memref<64x64xi32, #tpu.memory_space<vmem>> -> memref<1x64xi32, #tpu.memory_space<vmem>>
          %dma_start3A_177 = tpu.memref_squeeze %dma_start3A_176 : memref<1x64xi32, #tpu.memory_space<vmem>> -> memref<64xi32, #tpu.memory_space<vmem>>
          %dma_start3A_178 = arith.constant 0 : i32
          %dma_start3A_179 = arith.constant 0 : i32
          %dma_start3A_180 = tpu.memref_slice %arg2[%dma_start3A_178, %dma_start3A_179] : memref<10240x128xf32, #tpu.memory_space<hbm>> -> memref<10240x128xf32, #tpu.memory_space<hbm>>
          tpu.enqueue_indirect_dma source(%dma_start3A_180 : memref<10240x128xf32, #tpu.memory_space<hbm>>) target(%arg8 : memref<64x128xf32, #tpu.memory_space<vmem>>) offsets(%dma_start3A_177 : memref<64xi32, #tpu.memory_space<vmem>>) semaphore(%arg13 : memref<!tpu.dma_semaphore, #tpu.memory_space<semaphore_mem>>)
        } else {
        }
        "tpu.region"() ({
          %run_scoped3A = tpu.sem_alloc : memref<!tpu.dma_semaphore, #tpu.memory_space<semaphore_mem>>
          %dma_start3A_171 = arith.constant 0 : i32
          %dma_start3A_172 = tpu.memref_slice %arg7[%add3A_117, %dma_start3A_171] : memref<64x64xi32, #tpu.memory_space<vmem>> -> memref<1x64xi32, #tpu.memory_space<vmem>>
          %dma_start3A_173 = tpu.memref_squeeze %dma_start3A_172 : memref<1x64xi32, #tpu.memory_space<vmem>> -> memref<64xi32, #tpu.memory_space<vmem>>
          %dma_start3A_174 = arith.constant 0 : i32
          %dma_start3A_175 = arith.constant 0 : i32
          %dma_start3A_176 = tpu.memref_slice %arg12[%dma_start3A_174, %dma_start3A_175] : memref<10240x128xf32, #tpu.memory_space<vmem_shared>> -> memref<10240x128xf32, #tpu.memory_space<vmem_shared>>
          tpu.enqueue_indirect_dma source(%arg9 : memref<64x128xf32, #tpu.memory_space<vmem>>) target(%dma_start3A_176 : memref<10240x128xf32, #tpu.memory_space<vmem_shared>>) offsets(%dma_start3A_173 : memref<64xi32, #tpu.memory_space<vmem>>) semaphore(%run_scoped3A : memref<!tpu.dma_semaphore, #tpu.memory_space<semaphore_mem>>) {add = true}
          %dma_wait3A_177 = arith.constant 0 : i32
          %dma_wait3A_178 = tpu.memref_slice %arg7[%add3A_117, %dma_wait3A_177] : memref<64x64xi32, #tpu.memory_space<vmem>> -> memref<1x64xi32, #tpu.memory_space<vmem>>
          %dma_wait3A_179 = tpu.memref_squeeze %dma_wait3A_178 : memref<1x64xi32, #tpu.memory_space<vmem>> -> memref<64xi32, #tpu.memory_space<vmem>>
          %dma_wait3A_180 = arith.constant 0 : i32
          %dma_wait3A_181 = arith.constant 0 : i32
          %dma_wait3A_182 = tpu.memref_slice %arg12[%dma_wait3A_180, %dma_wait3A_181] : memref<10240x128xf32, #tpu.memory_space<vmem_shared>> -> memref<10240x128xf32, #tpu.memory_space<vmem_shared>>
          tpu.wait_indirect_dma semaphore(%run_scoped3A : memref<!tpu.dma_semaphore, #tpu.memory_space<semaphore_mem>>) src(%arg9 : memref<64x128xf32, #tpu.memory_space<vmem>>) dst(%dma_wait3A_182 : memref<10240x128xf32, #tpu.memory_space<vmem_shared>>)
          tpu.yield
        }) : () -> ()
        %mul3A_133 = arith.constant 4 : i32
        %mul3A_134 = arith.muli %mul3A_133, %scan3A_99 : i32
        %add3A_135 = arith.constant 2 : i32
        %add3A_136 = arith.addi %mul3A_134, %add3A_135 : i32
        %dma_wait3A_137 = arith.constant 0 : i32
        %dma_wait3A_138 = tpu.memref_slice %arg6[%add3A_136, %dma_wait3A_137] : memref<64x64xi32, #tpu.memory_space<vmem>> -> memref<1x64xi32, #tpu.memory_space<vmem>>
        %dma_wait3A_139 = tpu.memref_squeeze %dma_wait3A_138 : memref<1x64xi32, #tpu.memory_space<vmem>> -> memref<64xi32, #tpu.memory_space<vmem>>
        %dma_wait3A_140 = arith.constant 0 : i32
        %dma_wait3A_141 = arith.constant 0 : i32
        %dma_wait3A_142 = tpu.memref_slice %arg2[%dma_wait3A_140, %dma_wait3A_141] : memref<10240x128xf32, #tpu.memory_space<hbm>> -> memref<10240x128xf32, #tpu.memory_space<hbm>>
        tpu.wait_indirect_dma semaphore(%arg15 : memref<!tpu.dma_semaphore, #tpu.memory_space<semaphore_mem>>) src(%dma_wait3A_142 : memref<10240x128xf32, #tpu.memory_space<hbm>>) dst(%arg10 : memref<64x128xf32, #tpu.memory_space<vmem>>)
        %add3A_143 = arith.constant 4 : i32
        %add3A_144 = arith.addi %add3A_136, %add3A_143 : i32
        %sub3A_145 = arith.constant 1 : i32
        %sub3A_146 = arith.subi %add3A_144, %sub3A_145 : i32
        %lt3A_147 = arith.constant 64 : i32
        %lt3A_148 = arith.cmpi slt, %sub3A_146, %lt3A_147 : i32
        %convert_element_type3A_149 = arith.extui %lt3A_148 : i1 to i32
        %cond3A_150 = arith.constant 0 : i32
        %cond3A_151 = arith.cmpi ne, %convert_element_type3A_149, %cond3A_150 : i32
        scf.if %cond3A_151 {
          %add3A_171 = arith.constant 4 : i32
          %add3A_172 = arith.addi %add3A_136, %add3A_171 : i32
          %sub3A_173 = arith.constant 1 : i32
          %sub3A_174 = arith.subi %add3A_172, %sub3A_173 : i32
          %dma_start3A_175 = arith.constant 0 : i32
          %dma_start3A_176 = tpu.memref_slice %arg6[%sub3A_174, %dma_start3A_175] : memref<64x64xi32, #tpu.memory_space<vmem>> -> memref<1x64xi32, #tpu.memory_space<vmem>>
          %dma_start3A_177 = tpu.memref_squeeze %dma_start3A_176 : memref<1x64xi32, #tpu.memory_space<vmem>> -> memref<64xi32, #tpu.memory_space<vmem>>
          %dma_start3A_178 = arith.constant 0 : i32
          %dma_start3A_179 = arith.constant 0 : i32
          %dma_start3A_180 = tpu.memref_slice %arg2[%dma_start3A_178, %dma_start3A_179] : memref<10240x128xf32, #tpu.memory_space<hbm>> -> memref<10240x128xf32, #tpu.memory_space<hbm>>
          tpu.enqueue_indirect_dma source(%dma_start3A_180 : memref<10240x128xf32, #tpu.memory_space<hbm>>) target(%arg9 : memref<64x128xf32, #tpu.memory_space<vmem>>) offsets(%dma_start3A_177 : memref<64xi32, #tpu.memory_space<vmem>>) semaphore(%arg14 : memref<!tpu.dma_semaphore, #tpu.memory_space<semaphore_mem>>)
        } else {
        }
        "tpu.region"() ({
          %run_scoped3A = tpu.sem_alloc : memref<!tpu.dma_semaphore, #tpu.memory_space<semaphore_mem>>
          %dma_start3A_171 = arith.constant 0 : i32
          %dma_start3A_172 = tpu.memref_slice %arg7[%add3A_136, %dma_start3A_171] : memref<64x64xi32, #tpu.memory_space<vmem>> -> memref<1x64xi32, #tpu.memory_space<vmem>>
          %dma_start3A_173 = tpu.memref_squeeze %dma_start3A_172 : memref<1x64xi32, #tpu.memory_space<vmem>> -> memref<64xi32, #tpu.memory_space<vmem>>
          %dma_start3A_174 = arith.constant 0 : i32
          %dma_start3A_175 = arith.constant 0 : i32
          %dma_start3A_176 = tpu.memref_slice %arg12[%dma_start3A_174, %dma_start3A_175] : memref<10240x128xf32, #tpu.memory_space<vmem_shared>> -> memref<10240x128xf32, #tpu.memory_space<vmem_shared>>
          tpu.enqueue_indirect_dma source(%arg10 : memref<64x128xf32, #tpu.memory_space<vmem>>) target(%dma_start3A_176 : memref<10240x128xf32, #tpu.memory_space<vmem_shared>>) offsets(%dma_start3A_173 : memref<64xi32, #tpu.memory_space<vmem>>) semaphore(%run_scoped3A : memref<!tpu.dma_semaphore, #tpu.memory_space<semaphore_mem>>) {add = true}
          %dma_wait3A_177 = arith.constant 0 : i32
          %dma_wait3A_178 = tpu.memref_slice %arg7[%add3A_136, %dma_wait3A_177] : memref<64x64xi32, #tpu.memory_space<vmem>> -> memref<1x64xi32, #tpu.memory_space<vmem>>
          %dma_wait3A_179 = tpu.memref_squeeze %dma_wait3A_178 : memref<1x64xi32, #tpu.memory_space<vmem>> -> memref<64xi32, #tpu.memory_space<vmem>>
          %dma_wait3A_180 = arith.constant 0 : i32
          %dma_wait3A_181 = arith.constant 0 : i32
          %dma_wait3A_182 = tpu.memref_slice %arg12[%dma_wait3A_180, %dma_wait3A_181] : memref<10240x128xf32, #tpu.memory_space<vmem_shared>> -> memref<10240x128xf32, #tpu.memory_space<vmem_shared>>
          tpu.wait_indirect_dma semaphore(%run_scoped3A : memref<!tpu.dma_semaphore, #tpu.memory_space<semaphore_mem>>) src(%arg10 : memref<64x128xf32, #tpu.memory_space<vmem>>) dst(%dma_wait3A_182 : memref<10240x128xf32, #tpu.memory_space<vmem_shared>>)
          tpu.yield
        }) : () -> ()
        %mul3A_152 = arith.constant 4 : i32
        %mul3A_153 = arith.muli %mul3A_152, %scan3A_99 : i32
        %add3A_154 = arith.constant 3 : i32
        %add3A_155 = arith.addi %mul3A_153, %add3A_154 : i32
        %dma_wait3A_156 = arith.constant 0 : i32
        %dma_wait3A_157 = tpu.memref_slice %arg6[%add3A_155, %dma_wait3A_156] : memref<64x64xi32, #tpu.memory_space<vmem>> -> memref<1x64xi32, #tpu.memory_space<vmem>>
        %dma_wait3A_158 = tpu.memref_squeeze %dma_wait3A_157 : memref<1x64xi32, #tpu.memory_space<vmem>> -> memref<64xi32, #tpu.memory_space<vmem>>
        %dma_wait3A_159 = arith.constant 0 : i32
        %dma_wait3A_160 = arith.constant 0 : i32
        %dma_wait3A_161 = tpu.memref_slice %arg2[%dma_wait3A_159, %dma_wait3A_160] : memref<10240x128xf32, #tpu.memory_space<hbm>> -> memref<10240x128xf32, #tpu.memory_space<hbm>>
        tpu.wait_indirect_dma semaphore(%arg16 : memref<!tpu.dma_semaphore, #tpu.memory_space<semaphore_mem>>) src(%dma_wait3A_161 : memref<10240x128xf32, #tpu.memory_space<hbm>>) dst(%arg11 : memref<64x128xf32, #tpu.memory_space<vmem>>)
        %add3A_162 = arith.constant 4 : i32
        %add3A_163 = arith.addi %add3A_155, %add3A_162 : i32
        %sub3A_164 = arith.constant 1 : i32
        %sub3A_165 = arith.subi %add3A_163, %sub3A_164 : i32
        %lt3A_166 = arith.constant 64 : i32
        %lt3A_167 = arith.cmpi slt, %sub3A_165, %lt3A_166 : i32
        %convert_element_type3A_168 = arith.extui %lt3A_167 : i1 to i32
        %cond3A_169 = arith.constant 0 : i32
        %cond3A_170 = arith.cmpi ne, %convert_element_type3A_168, %cond3A_169 : i32
        scf.if %cond3A_170 {
          %add3A_171 = arith.constant 4 : i32
          %add3A_172 = arith.addi %add3A_155, %add3A_171 : i32
          %sub3A_173 = arith.constant 1 : i32
          %sub3A_174 = arith.subi %add3A_172, %sub3A_173 : i32
          %dma_start3A_175 = arith.constant 0 : i32
          %dma_start3A_176 = tpu.memref_slice %arg6[%sub3A_174, %dma_start3A_175] : memref<64x64xi32, #tpu.memory_space<vmem>> -> memref<1x64xi32, #tpu.memory_space<vmem>>
          %dma_start3A_177 = tpu.memref_squeeze %dma_start3A_176 : memref<1x64xi32, #tpu.memory_space<vmem>> -> memref<64xi32, #tpu.memory_space<vmem>>
          %dma_start3A_178 = arith.constant 0 : i32
          %dma_start3A_179 = arith.constant 0 : i32
          %dma_start3A_180 = tpu.memref_slice %arg2[%dma_start3A_178, %dma_start3A_179] : memref<10240x128xf32, #tpu.memory_space<hbm>> -> memref<10240x128xf32, #tpu.memory_space<hbm>>
          tpu.enqueue_indirect_dma source(%dma_start3A_180 : memref<10240x128xf32, #tpu.memory_space<hbm>>) target(%arg10 : memref<64x128xf32, #tpu.memory_space<vmem>>) offsets(%dma_start3A_177 : memref<64xi32, #tpu.memory_space<vmem>>) semaphore(%arg15 : memref<!tpu.dma_semaphore, #tpu.memory_space<semaphore_mem>>)
        } else {
        }
        "tpu.region"() ({
          %run_scoped3A = tpu.sem_alloc : memref<!tpu.dma_semaphore, #tpu.memory_space<semaphore_mem>>
          %dma_start3A_171 = arith.constant 0 : i32
          %dma_start3A_172 = tpu.memref_slice %arg7[%add3A_155, %dma_start3A_171] : memref<64x64xi32, #tpu.memory_space<vmem>> -> memref<1x64xi32, #tpu.memory_space<vmem>>
          %dma_start3A_173 = tpu.memref_squeeze %dma_start3A_172 : memref<1x64xi32, #tpu.memory_space<vmem>> -> memref<64xi32, #tpu.memory_space<vmem>>
          %dma_start3A_174 = arith.constant 0 : i32
          %dma_start3A_175 = arith.constant 0 : i32
          %dma_start3A_176 = tpu.memref_slice %arg12[%dma_start3A_174, %dma_start3A_175] : memref<10240x128xf32, #tpu.memory_space<vmem_shared>> -> memref<10240x128xf32, #tpu.memory_space<vmem_shared>>
          tpu.enqueue_indirect_dma source(%arg11 : memref<64x128xf32, #tpu.memory_space<vmem>>) target(%dma_start3A_176 : memref<10240x128xf32, #tpu.memory_space<vmem_shared>>) offsets(%dma_start3A_173 : memref<64xi32, #tpu.memory_space<vmem>>) semaphore(%run_scoped3A : memref<!tpu.dma_semaphore, #tpu.memory_space<semaphore_mem>>) {add = true}
          %dma_wait3A_177 = arith.constant 0 : i32
          %dma_wait3A_178 = tpu.memref_slice %arg7[%add3A_155, %dma_wait3A_177] : memref<64x64xi32, #tpu.memory_space<vmem>> -> memref<1x64xi32, #tpu.memory_space<vmem>>
          %dma_wait3A_179 = tpu.memref_squeeze %dma_wait3A_178 : memref<1x64xi32, #tpu.memory_space<vmem>> -> memref<64xi32, #tpu.memory_space<vmem>>
          %dma_wait3A_180 = arith.constant 0 : i32
          %dma_wait3A_181 = arith.constant 0 : i32
          %dma_wait3A_182 = tpu.memref_slice %arg12[%dma_wait3A_180, %dma_wait3A_181] : memref<10240x128xf32, #tpu.memory_space<vmem_shared>> -> memref<10240x128xf32, #tpu.memory_space<vmem_shared>>
          tpu.wait_indirect_dma semaphore(%run_scoped3A : memref<!tpu.dma_semaphore, #tpu.memory_space<semaphore_mem>>) src(%arg11 : memref<64x128xf32, #tpu.memory_space<vmem>>) dst(%dma_wait3A_182 : memref<10240x128xf32, #tpu.memory_space<vmem_shared>>)
          tpu.yield
        }) : () -> ()
      }
      %scan3A_98 = arith.constant 16 : i32
    }
    %while3A_61 = arith.constant 1 : i32
    scf.for %while3A_67 = %while3A_59 to %while3A_55 step %while3A_61  : i32 {
      %mul3A_68 = arith.constant 64 : i32
      %mul3A_69 = arith.muli %while3A_67, %mul3A_68 : i32
      %add3A_70 = arith.addi %select_n3A_53, %mul3A_69 : i32
      "tpu.region"() ({
        %run_scoped3A = tpu.sem_alloc : memref<!tpu.dma_semaphore, #tpu.memory_space<semaphore_mem>>
        %dma_start3A_99 = arith.constant 0 : i32
        %dma_start3A_100 = tpu.memref_slice %arg3[%add3A_70, %dma_start3A_99] : memref<5120x64xi32, #tpu.memory_space<hbm>> -> memref<64x64xi32, #tpu.memory_space<hbm>>
        %dma_start3A_101 = arith.constant 0 : i32
        %dma_start3A_102 = tpu.memref_slice %arg3[%add3A_70, %dma_start3A_101] : memref<5120x64xi32, #tpu.memory_space<hbm>> -> memref<64x64xi32, #tpu.memory_space<hbm>>
        tpu.enqueue_dma source(%dma_start3A_102 : memref<64x64xi32, #tpu.memory_space<hbm>>) target(%arg6 : memref<64x64xi32, #tpu.memory_space<vmem>>) target_semaphore(%run_scoped3A : memref<!tpu.dma_semaphore, #tpu.memory_space<semaphore_mem>>)
        %dma_wait3A = arith.constant 0 : i32
        %dma_wait3A_103 = tpu.memref_slice %arg3[%add3A_70, %dma_wait3A] : memref<5120x64xi32, #tpu.memory_space<hbm>> -> memref<64x64xi32, #tpu.memory_space<hbm>>
        %dma_wait3A_104 = arith.constant 0 : i32
        %dma_wait3A_105 = tpu.memref_slice %arg3[%add3A_70, %dma_wait3A_104] : memref<5120x64xi32, #tpu.memory_space<hbm>> -> memref<64x64xi32, #tpu.memory_space<hbm>>
        tpu.wait_dma2 semaphore(%run_scoped3A : memref<!tpu.dma_semaphore, #tpu.memory_space<semaphore_mem>>) src(%dma_wait3A_105 : memref<64x64xi32, #tpu.memory_space<hbm>>) dst(%arg6 : memref<64x64xi32, #tpu.memory_space<vmem>>)
        tpu.yield
      }) : () -> ()
      %mul3A_71 = arith.constant 64 : i32
      %mul3A_72 = arith.muli %while3A_67, %mul3A_71 : i32
      %add3A_73 = arith.addi %select_n3A_53, %mul3A_72 : i32
      "tpu.region"() ({
        %run_scoped3A = tpu.sem_alloc : memref<!tpu.dma_semaphore, #tpu.memory_space<semaphore_mem>>
        %dma_start3A_99 = arith.constant 0 : i32
        %dma_start3A_100 = tpu.memref_slice %arg4[%add3A_73, %dma_start3A_99] : memref<5120x64xi32, #tpu.memory_space<hbm>> -> memref<64x64xi32, #tpu.memory_space<hbm>>
        %dma_start3A_101 = arith.constant 0 : i32
        %dma_start3A_102 = tpu.memref_slice %arg4[%add3A_73, %dma_start3A_101] : memref<5120x64xi32, #tpu.memory_space<hbm>> -> memref<64x64xi32, #tpu.memory_space<hbm>>
        tpu.enqueue_dma source(%dma_start3A_102 : memref<64x64xi32, #tpu.memory_space<hbm>>) target(%arg7 : memref<64x64xi32, #tpu.memory_space<vmem>>) target_semaphore(%run_scoped3A : memref<!tpu.dma_semaphore, #tpu.memory_space<semaphore_mem>>)
        %dma_wait3A = arith.constant 0 : i32
        %dma_wait3A_103 = tpu.memref_slice %arg4[%add3A_73, %dma_wait3A] : memref<5120x64xi32, #tpu.memory_space<hbm>> -> memref<64x64xi32, #tpu.memory_space<hbm>>
        %dma_wait3A_104 = arith.constant 0 : i32
        %dma_wait3A_105 = tpu.memref_slice %arg4[%add3A_73, %dma_wait3A_104] : memref<5120x64xi32, #tpu.memory_space<hbm>> -> memref<64x64xi32, #tpu.memory_space<hbm>>
        tpu.wait_dma2 semaphore(%run_scoped3A : memref<!tpu.dma_semaphore, #tpu.memory_space<semaphore_mem>>) src(%dma_wait3A_105 : memref<64x64xi32, #tpu.memory_space<hbm>>) dst(%arg7 : memref<64x64xi32, #tpu.memory_space<vmem>>)
        tpu.yield
      }) : () -> ()
      %dma_start3A = arith.constant 0 : i32
      %dma_start3A_74 = arith.constant 0 : i32
      %dma_start3A_75 = tpu.memref_slice %arg6[%dma_start3A, %dma_start3A_74] : memref<64x64xi32, #tpu.memory_space<vmem>> -> memref<1x64xi32, #tpu.memory_space<vmem>>
      %dma_start3A_76 = tpu.memref_squeeze %dma_start3A_75 : memref<1x64xi32, #tpu.memory_space<vmem>> -> memref<64xi32, #tpu.memory_space<vmem>>
      %dma_start3A_77 = arith.constant 0 : i32
      %dma_start3A_78 = arith.constant 0 : i32
      %dma_start3A_79 = tpu.memref_slice %arg2[%dma_start3A_77, %dma_start3A_78] : memref<10240x128xf32, #tpu.memory_space<hbm>> -> memref<10240x128xf32, #tpu.memory_space<hbm>>
      tpu.enqueue_indirect_dma source(%dma_start3A_79 : memref<10240x128xf32, #tpu.memory_space<hbm>>) target(%arg8 : memref<64x128xf32, #tpu.memory_space<vmem>>) offsets(%dma_start3A_76 : memref<64xi32, #tpu.memory_space<vmem>>) semaphore(%arg13 : memref<!tpu.dma_semaphore, #tpu.memory_space<semaphore_mem>>)
      %dma_start3A_80 = arith.constant 1 : i32
      %dma_start3A_81 = arith.constant 0 : i32
      %dma_start3A_82 = tpu.memref_slice %arg6[%dma_start3A_80, %dma_start3A_81] : memref<64x64xi32, #tpu.memory_space<vmem>> -> memref<1x64xi32, #tpu.memory_space<vmem>>
      %dma_start3A_83 = tpu.memref_squeeze %dma_start3A_82 : memref<1x64xi32, #tpu.memory_space<vmem>> -> memref<64xi32, #tpu.memory_space<vmem>>
      %dma_start3A_84 = arith.constant 0 : i32
      %dma_start3A_85 = arith.constant 0 : i32
      %dma_start3A_86 = tpu.memref_slice %arg2[%dma_start3A_84, %dma_start3A_85] : memref<10240x128xf32, #tpu.memory_space<hbm>> -> memref<10240x128xf32, #tpu.memory_space<hbm>>
      tpu.enqueue_indirect_dma source(%dma_start3A_86 : memref<10240x128xf32, #tpu.memory_space<hbm>>) target(%arg9 : memref<64x128xf32, #tpu.memory_space<vmem>>) offsets(%dma_start3A_83 : memref<64xi32, #tpu.memory_space<vmem>>) semaphore(%arg14 : memref<!tpu.dma_semaphore, #tpu.memory_space<semaphore_mem>>)
      %dma_start3A_87 = arith.constant 2 : i32
      %dma_start3A_88 = arith.constant 0 : i32
      %dma_start3A_89 = tpu.memref_slice %arg6[%dma_start3A_87, %dma_start3A_88] : memref<64x64xi32, #tpu.memory_space<vmem>> -> memref<1x64xi32, #tpu.memory_space<vmem>>
      %dma_start3A_90 = tpu.memref_squeeze %dma_start3A_89 : memref<1x64xi32, #tpu.memory_space<vmem>> -> memref<64xi32, #tpu.memory_space<vmem>>
      %dma_start3A_91 = arith.constant 0 : i32
      %dma_start3A_92 = arith.constant 0 : i32
      %dma_start3A_93 = tpu.memref_slice %arg2[%dma_start3A_91, %dma_start3A_92] : memref<10240x128xf32, #tpu.memory_space<hbm>> -> memref<10240x128xf32, #tpu.memory_space<hbm>>
      tpu.enqueue_indirect_dma source(%dma_start3A_93 : memref<10240x128xf32, #tpu.memory_space<hbm>>) target(%arg10 : memref<64x128xf32, #tpu.memory_space<vmem>>) offsets(%dma_start3A_90 : memref<64xi32, #tpu.memory_space<vmem>>) semaphore(%arg15 : memref<!tpu.dma_semaphore, #tpu.memory_space<semaphore_mem>>)
      %scan3A_94 = arith.constant 0 : i32
      %scan3A_95 = arith.constant 16 : i32
      %scan3A_96 = arith.addi %scan3A_94, %scan3A_95 : i32
      %scan3A_97 = arith.constant 1 : i32
      scf.for %scan3A_99 = %scan3A_94 to %scan3A_96 step %scan3A_97  : i32 {
        %mul3A_100 = arith.constant 4 : i32
        %mul3A_101 = arith.muli %mul3A_100, %scan3A_99 : i32
        %add3A_102 = arith.constant 0 : i32
        %add3A_103 = arith.addi %mul3A_101, %add3A_102 : i32
        %dma_wait3A = arith.constant 0 : i32
        %dma_wait3A_104 = tpu.memref_slice %arg6[%add3A_103, %dma_wait3A] : memref<64x64xi32, #tpu.memory_space<vmem>> -> memref<1x64xi32, #tpu.memory_space<vmem>>
        %dma_wait3A_105 = tpu.memref_squeeze %dma_wait3A_104 : memref<1x64xi32, #tpu.memory_space<vmem>> -> memref<64xi32, #tpu.memory_space<vmem>>
        %dma_wait3A_106 = arith.constant 0 : i32
        %dma_wait3A_107 = arith.constant 0 : i32
        %dma_wait3A_108 = tpu.memref_slice %arg2[%dma_wait3A_106, %dma_wait3A_107] : memref<10240x128xf32, #tpu.memory_space<hbm>> -> memref<10240x128xf32, #tpu.memory_space<hbm>>
        tpu.wait_indirect_dma semaphore(%arg13 : memref<!tpu.dma_semaphore, #tpu.memory_space<semaphore_mem>>) src(%dma_wait3A_108 : memref<10240x128xf32, #tpu.memory_space<hbm>>) dst(%arg8 : memref<64x128xf32, #tpu.memory_space<vmem>>)
        %add3A_109 = arith.constant 4 : i32
        %add3A_110 = arith.addi %add3A_103, %add3A_109 : i32
        %sub3A = arith.constant 1 : i32
        %sub3A_111 = arith.subi %add3A_110, %sub3A : i32
        %lt3A = arith.constant 64 : i32
        %lt3A_112 = arith.cmpi slt, %sub3A_111, %lt3A : i32
        %convert_element_type3A = arith.extui %lt3A_112 : i1 to i32
        %cond3A = arith.constant 0 : i32
        %cond3A_113 = arith.cmpi ne, %convert_element_type3A, %cond3A : i32
        scf.if %cond3A_113 {
          %add3A_171 = arith.constant 4 : i32
          %add3A_172 = arith.addi %add3A_103, %add3A_171 : i32
          %sub3A_173 = arith.constant 1 : i32
          %sub3A_174 = arith.subi %add3A_172, %sub3A_173 : i32
          %dma_start3A_175 = arith.constant 0 : i32
          %dma_start3A_176 = tpu.memref_slice %arg6[%sub3A_174, %dma_start3A_175] : memref<64x64xi32, #tpu.memory_space<vmem>> -> memref<1x64xi32, #tpu.memory_space<vmem>>
          %dma_start3A_177 = tpu.memref_squeeze %dma_start3A_176 : memref<1x64xi32, #tpu.memory_space<vmem>> -> memref<64xi32, #tpu.memory_space<vmem>>
          %dma_start3A_178 = arith.constant 0 : i32
          %dma_start3A_179 = arith.constant 0 : i32
          %dma_start3A_180 = tpu.memref_slice %arg2[%dma_start3A_178, %dma_start3A_179] : memref<10240x128xf32, #tpu.memory_space<hbm>> -> memref<10240x128xf32, #tpu.memory_space<hbm>>
          tpu.enqueue_indirect_dma source(%dma_start3A_180 : memref<10240x128xf32, #tpu.memory_space<hbm>>) target(%arg11 : memref<64x128xf32, #tpu.memory_space<vmem>>) offsets(%dma_start3A_177 : memref<64xi32, #tpu.memory_space<vmem>>) semaphore(%arg16 : memref<!tpu.dma_semaphore, #tpu.memory_space<semaphore_mem>>)
        } else {
        }
        "tpu.region"() ({
          %run_scoped3A = tpu.sem_alloc : memref<!tpu.dma_semaphore, #tpu.memory_space<semaphore_mem>>
          %dma_start3A_171 = arith.constant 0 : i32
          %dma_start3A_172 = tpu.memref_slice %arg7[%add3A_103, %dma_start3A_171] : memref<64x64xi32, #tpu.memory_space<vmem>> -> memref<1x64xi32, #tpu.memory_space<vmem>>
          %dma_start3A_173 = tpu.memref_squeeze %dma_start3A_172 : memref<1x64xi32, #tpu.memory_space<vmem>> -> memref<64xi32, #tpu.memory_space<vmem>>
          %dma_start3A_174 = arith.constant 0 : i32
          %dma_start3A_175 = arith.constant 0 : i32
          %dma_start3A_176 = tpu.memref_slice %arg12[%dma_start3A_174, %dma_start3A_175] : memref<10240x128xf32, #tpu.memory_space<vmem_shared>> -> memref<10240x128xf32, #tpu.memory_space<vmem_shared>>
          tpu.enqueue_indirect_dma source(%arg8 : memref<64x128xf32, #tpu.memory_space<vmem>>) target(%dma_start3A_176 : memref<10240x128xf32, #tpu.memory_space<vmem_shared>>) offsets(%dma_start3A_173 : memref<64xi32, #tpu.memory_space<vmem>>) semaphore(%run_scoped3A : memref<!tpu.dma_semaphore, #tpu.memory_space<semaphore_mem>>) {add = true}
          %dma_wait3A_177 = arith.constant 0 : i32
          %dma_wait3A_178 = tpu.memref_slice %arg7[%add3A_103, %dma_wait3A_177] : memref<64x64xi32, #tpu.memory_space<vmem>> -> memref<1x64xi32, #tpu.memory_space<vmem>>
          %dma_wait3A_179 = tpu.memref_squeeze %dma_wait3A_178 : memref<1x64xi32, #tpu.memory_space<vmem>> -> memref<64xi32, #tpu.memory_space<vmem>>
          %dma_wait3A_180 = arith.constant 0 : i32
          %dma_wait3A_181 = arith.constant 0 : i32
          %dma_wait3A_182 = tpu.memref_slice %arg12[%dma_wait3A_180, %dma_wait3A_181] : memref<10240x128xf32, #tpu.memory_space<vmem_shared>> -> memref<10240x128xf32, #tpu.memory_space<vmem_shared>>
          tpu.wait_indirect_dma semaphore(%run_scoped3A : memref<!tpu.dma_semaphore, #tpu.memory_space<semaphore_mem>>) src(%arg8 : memref<64x128xf32, #tpu.memory_space<vmem>>) dst(%dma_wait3A_182 : memref<10240x128xf32, #tpu.memory_space<vmem_shared>>)
          tpu.yield
        }) : () -> ()
        %mul3A_114 = arith.constant 4 : i32
        %mul3A_115 = arith.muli %mul3A_114, %scan3A_99 : i32
        %add3A_116 = arith.constant 1 : i32
        %add3A_117 = arith.addi %mul3A_115, %add3A_116 : i32
        %dma_wait3A_118 = arith.constant 0 : i32
        %dma_wait3A_119 = tpu.memref_slice %arg6[%add3A_117, %dma_wait3A_118] : memref<64x64xi32, #tpu.memory_space<vmem>> -> memref<1x64xi32, #tpu.memory_space<vmem>>
        %dma_wait3A_120 = tpu.memref_squeeze %dma_wait3A_119 : memref<1x64xi32, #tpu.memory_space<vmem>> -> memref<64xi32, #tpu.memory_space<vmem>>
        %dma_wait3A_121 = arith.constant 0 : i32
        %dma_wait3A_122 = arith.constant 0 : i32
        %dma_wait3A_123 = tpu.memref_slice %arg2[%dma_wait3A_121, %dma_wait3A_122] : memref<10240x128xf32, #tpu.memory_space<hbm>> -> memref<10240x128xf32, #tpu.memory_space<hbm>>
        tpu.wait_indirect_dma semaphore(%arg14 : memref<!tpu.dma_semaphore, #tpu.memory_space<semaphore_mem>>) src(%dma_wait3A_123 : memref<10240x128xf32, #tpu.memory_space<hbm>>) dst(%arg9 : memref<64x128xf32, #tpu.memory_space<vmem>>)
        %add3A_124 = arith.constant 4 : i32
        %add3A_125 = arith.addi %add3A_117, %add3A_124 : i32
        %sub3A_126 = arith.constant 1 : i32
        %sub3A_127 = arith.subi %add3A_125, %sub3A_126 : i32
        %lt3A_128 = arith.constant 64 : i32
        %lt3A_129 = arith.cmpi slt, %sub3A_127, %lt3A_128 : i32
        %convert_element_type3A_130 = arith.extui %lt3A_129 : i1 to i32
        %cond3A_131 = arith.constant 0 : i32
        %cond3A_132 = arith.cmpi ne, %convert_element_type3A_130, %cond3A_131 : i32
        scf.if %cond3A_132 {
          %add3A_171 = arith.constant 4 : i32
          %add3A_172 = arith.addi %add3A_117, %add3A_171 : i32
          %sub3A_173 = arith.constant 1 : i32
          %sub3A_174 = arith.subi %add3A_172, %sub3A_173 : i32
          %dma_start3A_175 = arith.constant 0 : i32
          %dma_start3A_176 = tpu.memref_slice %arg6[%sub3A_174, %dma_start3A_175] : memref<64x64xi32, #tpu.memory_space<vmem>> -> memref<1x64xi32, #tpu.memory_space<vmem>>
          %dma_start3A_177 = tpu.memref_squeeze %dma_start3A_176 : memref<1x64xi32, #tpu.memory_space<vmem>> -> memref<64xi32, #tpu.memory_space<vmem>>
          %dma_start3A_178 = arith.constant 0 : i32
          %dma_start3A_179 = arith.constant 0 : i32
          %dma_start3A_180 = tpu.memref_slice %arg2[%dma_start3A_178, %dma_start3A_179] : memref<10240x128xf32, #tpu.memory_space<hbm>> -> memref<10240x128xf32, #tpu.memory_space<hbm>>
          tpu.enqueue_indirect_dma source(%dma_start3A_180 : memref<10240x128xf32, #tpu.memory_space<hbm>>) target(%arg8 : memref<64x128xf32, #tpu.memory_space<vmem>>) offsets(%dma_start3A_177 : memref<64xi32, #tpu.memory_space<vmem>>) semaphore(%arg13 : memref<!tpu.dma_semaphore, #tpu.memory_space<semaphore_mem>>)
        } else {
        }
        "tpu.region"() ({
          %run_scoped3A = tpu.sem_alloc : memref<!tpu.dma_semaphore, #tpu.memory_space<semaphore_mem>>
          %dma_start3A_171 = arith.constant 0 : i32
          %dma_start3A_172 = tpu.memref_slice %arg7[%add3A_117, %dma_start3A_171] : memref<64x64xi32, #tpu.memory_space<vmem>> -> memref<1x64xi32, #tpu.memory_space<vmem>>
          %dma_start3A_173 = tpu.memref_squeeze %dma_start3A_172 : memref<1x64xi32, #tpu.memory_space<vmem>> -> memref<64xi32, #tpu.memory_space<vmem>>
          %dma_start3A_174 = arith.constant 0 : i32
          %dma_start3A_175 = arith.constant 0 : i32
          %dma_start3A_176 = tpu.memref_slice %arg12[%dma_start3A_174, %dma_start3A_175] : memref<10240x128xf32, #tpu.memory_space<vmem_shared>> -> memref<10240x128xf32, #tpu.memory_space<vmem_shared>>
          tpu.enqueue_indirect_dma source(%arg9 : memref<64x128xf32, #tpu.memory_space<vmem>>) target(%dma_start3A_176 : memref<10240x128xf32, #tpu.memory_space<vmem_shared>>) offsets(%dma_start3A_173 : memref<64xi32, #tpu.memory_space<vmem>>) semaphore(%run_scoped3A : memref<!tpu.dma_semaphore, #tpu.memory_space<semaphore_mem>>) {add = true}
          %dma_wait3A_177 = arith.constant 0 : i32
          %dma_wait3A_178 = tpu.memref_slice %arg7[%add3A_117, %dma_wait3A_177] : memref<64x64xi32, #tpu.memory_space<vmem>> -> memref<1x64xi32, #tpu.memory_space<vmem>>
          %dma_wait3A_179 = tpu.memref_squeeze %dma_wait3A_178 : memref<1x64xi32, #tpu.memory_space<vmem>> -> memref<64xi32, #tpu.memory_space<vmem>>
          %dma_wait3A_180 = arith.constant 0 : i32
          %dma_wait3A_181 = arith.constant 0 : i32
          %dma_wait3A_182 = tpu.memref_slice %arg12[%dma_wait3A_180, %dma_wait3A_181] : memref<10240x128xf32, #tpu.memory_space<vmem_shared>> -> memref<10240x128xf32, #tpu.memory_space<vmem_shared>>
          tpu.wait_indirect_dma semaphore(%run_scoped3A : memref<!tpu.dma_semaphore, #tpu.memory_space<semaphore_mem>>) src(%arg9 : memref<64x128xf32, #tpu.memory_space<vmem>>) dst(%dma_wait3A_182 : memref<10240x128xf32, #tpu.memory_space<vmem_shared>>)
          tpu.yield
        }) : () -> ()
        %mul3A_133 = arith.constant 4 : i32
        %mul3A_134 = arith.muli %mul3A_133, %scan3A_99 : i32
        %add3A_135 = arith.constant 2 : i32
        %add3A_136 = arith.addi %mul3A_134, %add3A_135 : i32
        %dma_wait3A_137 = arith.constant 0 : i32
        %dma_wait3A_138 = tpu.memref_slice %arg6[%add3A_136, %dma_wait3A_137] : memref<64x64xi32, #tpu.memory_space<vmem>> -> memref<1x64xi32, #tpu.memory_space<vmem>>
        %dma_wait3A_139 = tpu.memref_squeeze %dma_wait3A_138 : memref<1x64xi32, #tpu.memory_space<vmem>> -> memref<64xi32, #tpu.memory_space<vmem>>
        %dma_wait3A_140 = arith.constant 0 : i32
        %dma_wait3A_141 = arith.constant 0 : i32
        %dma_wait3A_142 = tpu.memref_slice %arg2[%dma_wait3A_140, %dma_wait3A_141] : memref<10240x128xf32, #tpu.memory_space<hbm>> -> memref<10240x128xf32, #tpu.memory_space<hbm>>
        tpu.wait_indirect_dma semaphore(%arg15 : memref<!tpu.dma_semaphore, #tpu.memory_space<semaphore_mem>>) src(%dma_wait3A_142 : memref<10240x128xf32, #tpu.memory_space<hbm>>) dst(%arg10 : memref<64x128xf32, #tpu.memory_space<vmem>>)
        %add3A_143 = arith.constant 4 : i32
        %add3A_144 = arith.addi %add3A_136, %add3A_143 : i32
        %sub3A_145 = arith.constant 1 : i32
        %sub3A_146 = arith.subi %add3A_144, %sub3A_145 : i32
        %lt3A_147 = arith.constant 64 : i32
        %lt3A_148 = arith.cmpi slt, %sub3A_146, %lt3A_147 : i32
        %convert_element_type3A_149 = arith.extui %lt3A_148 : i1 to i32
        %cond3A_150 = arith.constant 0 : i32
        %cond3A_151 = arith.cmpi ne, %convert_element_type3A_149, %cond3A_150 : i32
        scf.if %cond3A_151 {
          %add3A_171 = arith.constant 4 : i32
          %add3A_172 = arith.addi %add3A_136, %add3A_171 : i32
          %sub3A_173 = arith.constant 1 : i32
          %sub3A_174 = arith.subi %add3A_172, %sub3A_173 : i32
          %dma_start3A_175 = arith.constant 0 : i32
          %dma_start3A_176 = tpu.memref_slice %arg6[%sub3A_174, %dma_start3A_175] : memref<64x64xi32, #tpu.memory_space<vmem>> -> memref<1x64xi32, #tpu.memory_space<vmem>>
          %dma_start3A_177 = tpu.memref_squeeze %dma_start3A_176 : memref<1x64xi32, #tpu.memory_space<vmem>> -> memref<64xi32, #tpu.memory_space<vmem>>
          %dma_start3A_178 = arith.constant 0 : i32
          %dma_start3A_179 = arith.constant 0 : i32
          %dma_start3A_180 = tpu.memref_slice %arg2[%dma_start3A_178, %dma_start3A_179] : memref<10240x128xf32, #tpu.memory_space<hbm>> -> memref<10240x128xf32, #tpu.memory_space<hbm>>
          tpu.enqueue_indirect_dma source(%dma_start3A_180 : memref<10240x128xf32, #tpu.memory_space<hbm>>) target(%arg9 : memref<64x128xf32, #tpu.memory_space<vmem>>) offsets(%dma_start3A_177 : memref<64xi32, #tpu.memory_space<vmem>>) semaphore(%arg14 : memref<!tpu.dma_semaphore, #tpu.memory_space<semaphore_mem>>)
        } else {
        }
        "tpu.region"() ({
          %run_scoped3A = tpu.sem_alloc : memref<!tpu.dma_semaphore, #tpu.memory_space<semaphore_mem>>
          %dma_start3A_171 = arith.constant 0 : i32
          %dma_start3A_172 = tpu.memref_slice %arg7[%add3A_136, %dma_start3A_171] : memref<64x64xi32, #tpu.memory_space<vmem>> -> memref<1x64xi32, #tpu.memory_space<vmem>>
          %dma_start3A_173 = tpu.memref_squeeze %dma_start3A_172 : memref<1x64xi32, #tpu.memory_space<vmem>> -> memref<64xi32, #tpu.memory_space<vmem>>
          %dma_start3A_174 = arith.constant 0 : i32
          %dma_start3A_175 = arith.constant 0 : i32
          %dma_start3A_176 = tpu.memref_slice %arg12[%dma_start3A_174, %dma_start3A_175] : memref<10240x128xf32, #tpu.memory_space<vmem_shared>> -> memref<10240x128xf32, #tpu.memory_space<vmem_shared>>
          tpu.enqueue_indirect_dma source(%arg10 : memref<64x128xf32, #tpu.memory_space<vmem>>) target(%dma_start3A_176 : memref<10240x128xf32, #tpu.memory_space<vmem_shared>>) offsets(%dma_start3A_173 : memref<64xi32, #tpu.memory_space<vmem>>) semaphore(%run_scoped3A : memref<!tpu.dma_semaphore, #tpu.memory_space<semaphore_mem>>) {add = true}
          %dma_wait3A_177 = arith.constant 0 : i32
          %dma_wait3A_178 = tpu.memref_slice %arg7[%add3A_136, %dma_wait3A_177] : memref<64x64xi32, #tpu.memory_space<vmem>> -> memref<1x64xi32, #tpu.memory_space<vmem>>
          %dma_wait3A_179 = tpu.memref_squeeze %dma_wait3A_178 : memref<1x64xi32, #tpu.memory_space<vmem>> -> memref<64xi32, #tpu.memory_space<vmem>>
          %dma_wait3A_180 = arith.constant 0 : i32
          %dma_wait3A_181 = arith.constant 0 : i32
          %dma_wait3A_182 = tpu.memref_slice %arg12[%dma_wait3A_180, %dma_wait3A_181] : memref<10240x128xf32, #tpu.memory_space<vmem_shared>> -> memref<10240x128xf32, #tpu.memory_space<vmem_shared>>
          tpu.wait_indirect_dma semaphore(%run_scoped3A : memref<!tpu.dma_semaphore, #tpu.memory_space<semaphore_mem>>) src(%arg10 : memref<64x128xf32, #tpu.memory_space<vmem>>) dst(%dma_wait3A_182 : memref<10240x128xf32, #tpu.memory_space<vmem_shared>>)
          tpu.yield
        }) : () -> ()
        %mul3A_152 = arith.constant 4 : i32
        %mul3A_153 = arith.muli %mul3A_152, %scan3A_99 : i32
        %add3A_154 = arith.constant 3 : i32
        %add3A_155 = arith.addi %mul3A_153, %add3A_154 : i32
        %dma_wait3A_156 = arith.constant 0 : i32
        %dma_wait3A_157 = tpu.memref_slice %arg6[%add3A_155, %dma_wait3A_156] : memref<64x64xi32, #tpu.memory_space<vmem>> -> memref<1x64xi32, #tpu.memory_space<vmem>>
        %dma_wait3A_158 = tpu.memref_squeeze %dma_wait3A_157 : memref<1x64xi32, #tpu.memory_space<vmem>> -> memref<64xi32, #tpu.memory_space<vmem>>
        %dma_wait3A_159 = arith.constant 0 : i32
        %dma_wait3A_160 = arith.constant 0 : i32
        %dma_wait3A_161 = tpu.memref_slice %arg2[%dma_wait3A_159, %dma_wait3A_160] : memref<10240x128xf32, #tpu.memory_space<hbm>> -> memref<10240x128xf32, #tpu.memory_space<hbm>>
        tpu.wait_indirect_dma semaphore(%arg16 : memref<!tpu.dma_semaphore, #tpu.memory_space<semaphore_mem>>) src(%dma_wait3A_161 : memref<10240x128xf32, #tpu.memory_space<hbm>>) dst(%arg11 : memref<64x128xf32, #tpu.memory_space<vmem>>)
        %add3A_162 = arith.constant 4 : i32
        %add3A_163 = arith.addi %add3A_155, %add3A_162 : i32
        %sub3A_164 = arith.constant 1 : i32
        %sub3A_165 = arith.subi %add3A_163, %sub3A_164 : i32
        %lt3A_166 = arith.constant 64 : i32
        %lt3A_167 = arith.cmpi slt, %sub3A_165, %lt3A_166 : i32
        %convert_element_type3A_168 = arith.extui %lt3A_167 : i1 to i32
        %cond3A_169 = arith.constant 0 : i32
        %cond3A_170 = arith.cmpi ne, %convert_element_type3A_168, %cond3A_169 : i32
        scf.if %cond3A_170 {
          %add3A_171 = arith.constant 4 : i32
          %add3A_172 = arith.addi %add3A_155, %add3A_171 : i32
          %sub3A_173 = arith.constant 1 : i32
          %sub3A_174 = arith.subi %add3A_172, %sub3A_173 : i32
          %dma_start3A_175 = arith.constant 0 : i32
          %dma_start3A_176 = tpu.memref_slice %arg6[%sub3A_174, %dma_start3A_175] : memref<64x64xi32, #tpu.memory_space<vmem>> -> memref<1x64xi32, #tpu.memory_space<vmem>>
          %dma_start3A_177 = tpu.memref_squeeze %dma_start3A_176 : memref<1x64xi32, #tpu.memory_space<vmem>> -> memref<64xi32, #tpu.memory_space<vmem>>
          %dma_start3A_178 = arith.constant 0 : i32
          %dma_start3A_179 = arith.constant 0 : i32
          %dma_start3A_180 = tpu.memref_slice %arg2[%dma_start3A_178, %dma_start3A_179] : memref<10240x128xf32, #tpu.memory_space<hbm>> -> memref<10240x128xf32, #tpu.memory_space<hbm>>
          tpu.enqueue_indirect_dma source(%dma_start3A_180 : memref<10240x128xf32, #tpu.memory_space<hbm>>) target(%arg10 : memref<64x128xf32, #tpu.memory_space<vmem>>) offsets(%dma_start3A_177 : memref<64xi32, #tpu.memory_space<vmem>>) semaphore(%arg15 : memref<!tpu.dma_semaphore, #tpu.memory_space<semaphore_mem>>)
        } else {
        }
        "tpu.region"() ({
          %run_scoped3A = tpu.sem_alloc : memref<!tpu.dma_semaphore, #tpu.memory_space<semaphore_mem>>
          %dma_start3A_171 = arith.constant 0 : i32
          %dma_start3A_172 = tpu.memref_slice %arg7[%add3A_155, %dma_start3A_171] : memref<64x64xi32, #tpu.memory_space<vmem>> -> memref<1x64xi32, #tpu.memory_space<vmem>>
          %dma_start3A_173 = tpu.memref_squeeze %dma_start3A_172 : memref<1x64xi32, #tpu.memory_space<vmem>> -> memref<64xi32, #tpu.memory_space<vmem>>
          %dma_start3A_174 = arith.constant 0 : i32
          %dma_start3A_175 = arith.constant 0 : i32
          %dma_start3A_176 = tpu.memref_slice %arg12[%dma_start3A_174, %dma_start3A_175] : memref<10240x128xf32, #tpu.memory_space<vmem_shared>> -> memref<10240x128xf32, #tpu.memory_space<vmem_shared>>
          tpu.enqueue_indirect_dma source(%arg11 : memref<64x128xf32, #tpu.memory_space<vmem>>) target(%dma_start3A_176 : memref<10240x128xf32, #tpu.memory_space<vmem_shared>>) offsets(%dma_start3A_173 : memref<64xi32, #tpu.memory_space<vmem>>) semaphore(%run_scoped3A : memref<!tpu.dma_semaphore, #tpu.memory_space<semaphore_mem>>) {add = true}
          %dma_wait3A_177 = arith.constant 0 : i32
          %dma_wait3A_178 = tpu.memref_slice %arg7[%add3A_155, %dma_wait3A_177] : memref<64x64xi32, #tpu.memory_space<vmem>> -> memref<1x64xi32, #tpu.memory_space<vmem>>
          %dma_wait3A_179 = tpu.memref_squeeze %dma_wait3A_178 : memref<1x64xi32, #tpu.memory_space<vmem>> -> memref<64xi32, #tpu.memory_space<vmem>>
          %dma_wait3A_180 = arith.constant 0 : i32
          %dma_wait3A_181 = arith.constant 0 : i32
          %dma_wait3A_182 = tpu.memref_slice %arg12[%dma_wait3A_180, %dma_wait3A_181] : memref<10240x128xf32, #tpu.memory_space<vmem_shared>> -> memref<10240x128xf32, #tpu.memory_space<vmem_shared>>
          tpu.wait_indirect_dma semaphore(%run_scoped3A : memref<!tpu.dma_semaphore, #tpu.memory_space<semaphore_mem>>) src(%arg11 : memref<64x128xf32, #tpu.memory_space<vmem>>) dst(%dma_wait3A_182 : memref<10240x128xf32, #tpu.memory_space<vmem_shared>>)
          tpu.yield
        }) : () -> ()
      }
      %scan3A_98 = arith.constant 16 : i32
    }
    %barrier3A_62 = arith.constant 0 : index
    tpu.barrier barrier_id(%barrier3A_62)
    %mul3A_63 = arith.constant 640 : i32
    %mul3A_64 = arith.muli %arg1, %mul3A_63 : i32
    %mul3A_65 = arith.constant 640 : i32
    %mul3A_66 = arith.muli %arg1, %mul3A_65 : i32
    "tpu.region"() ({
      %run_scoped3A = tpu.sem_alloc : memref<!tpu.dma_semaphore, #tpu.memory_space<semaphore_mem>>
      %dma_start3A = arith.constant 0 : i32
      %dma_start3A_67 = tpu.memref_slice %arg5[%arg0, %mul3A_66, %dma_start3A] : memref<2x10240x128xf32, #tpu.memory_space<hbm>> -> memref<1x640x128xf32, #tpu.memory_space<hbm>>
      %dma_start3A_68 = tpu.memref_squeeze %dma_start3A_67 : memref<1x640x128xf32, #tpu.memory_space<hbm>> -> memref<640x128xf32, #tpu.memory_space<hbm>>
      %dma_start3A_69 = arith.constant 0 : i32
      %dma_start3A_70 = tpu.memref_slice %arg12[%mul3A_64, %dma_start3A_69] : memref<10240x128xf32, #tpu.memory_space<vmem_shared>> -> memref<640x128xf32, #tpu.memory_space<vmem_shared>>
      tpu.enqueue_dma source(%dma_start3A_70 : memref<640x128xf32, #tpu.memory_space<vmem_shared>>) target(%dma_start3A_68 : memref<640x128xf32, #tpu.memory_space<hbm>>) target_semaphore(%run_scoped3A : memref<!tpu.dma_semaphore, #tpu.memory_space<semaphore_mem>>)
      %dma_wait3A = arith.constant 0 : i32
      %dma_wait3A_71 = tpu.memref_slice %arg5[%arg0, %mul3A_66, %dma_wait3A] : memref<2x10240x128xf32, #tpu.memory_space<hbm>> -> memref<1x640x128xf32, #tpu.memory_space<hbm>>
      %dma_wait3A_72 = tpu.memref_squeeze %dma_wait3A_71 : memref<1x640x128xf32, #tpu.memory_space<hbm>> -> memref<640x128xf32, #tpu.memory_space<hbm>>
      %dma_wait3A_73 = arith.constant 0 : i32
      %dma_wait3A_74 = tpu.memref_slice %arg12[%mul3A_64, %dma_wait3A_73] : memref<10240x128xf32, #tpu.memory_space<vmem_shared>> -> memref<640x128xf32, #tpu.memory_space<vmem_shared>>
      tpu.wait_dma2 semaphore(%run_scoped3A : memref<!tpu.dma_semaphore, #tpu.memory_space<semaphore_mem>>) src(%dma_wait3A_74 : memref<640x128xf32, #tpu.memory_space<vmem_shared>>) dst(%dma_wait3A_72 : memref<640x128xf32, #tpu.memory_space<hbm>>)
      tpu.yield
    }) : () -> ()
    return
  }
}

#map = affine_map<(d0, d1) -> (0, 0, 0)>
module attributes {stable_mosaic.version = 14 : i64} {
  func.func @_deg_body(%arg0: i32, %arg1: i32, %arg2: memref<32x80x128xi32, #tpu.memory_space<hbm>>, %arg3: memref<2x10240x16xf32, #tpu.memory_space<hbm>>, %arg4: memref<80x128xi32, #tpu.memory_space<vmem>>, %arg5: memref<128x16xf32, #tpu.memory_space<vmem>>, %arg6: memref<10240x16xf32, #tpu.memory_space<vmem_shared>>) attributes {dimension_semantics = [#tpu.dimension_semantics<core_parallel>, #tpu.dimension_semantics<subcore_parallel>], iteration_bounds = array<i64: 2, 16>, scalar_prefetch = 0 : i64, scratch_operands = 3 : i64, tpu.core_type = #tpu.core_type<sc_vector_subcore>, window_params = [{transform_indices = #map}, {transform_indices = #map}]} {
    %mul3A = arith.constant 16 : i32
    %mul3A_0 = arith.muli %arg0, %mul3A : i32
    %add3A = arith.addi %mul3A_0, %arg1 : i32
    %broadcast_in_dim3A = arith.constant 1.000000e+00 : f32
    %broadcast_in_dim3A_1 = vector.broadcast %broadcast_in_dim3A : f32 to vector<16xf32>
    %scan3A = arith.constant 0 : i32
    %scan3A_2 = arith.constant 128 : i32
    %scan3A_3 = arith.addi %scan3A, %scan3A_2 : i32
    %scan3A_4 = arith.constant 1 : i32
    scf.for %scan3A_36 = %scan3A to %scan3A_3 step %scan3A_4  : i32 {
      %swap3A = arith.index_cast %scan3A_36 : i32 to index
      %swap3A_37 = arith.constant 0 : index
      %swap3A_38 = tpu.vector_load %arg5[%swap3A, %swap3A_37] {strides = array<i32>} : memref<128x16xf32, #tpu.memory_space<vmem>>, vector<1x16xf32>,
      %swap3A_39 = vector.shape_cast %swap3A_38 : vector<1x16xf32> to vector<16xf32>
      %swap3A_40 = vector.shape_cast %broadcast_in_dim3A_1 : vector<16xf32> to vector<1x16xf32>
      tpu.vector_store %arg5[%swap3A, %swap3A_37], %swap3A_40 {strides = array<i32>} : memref<128x16xf32, #tpu.memory_space<vmem>>, vector<1x16xf32>,
    }
    %scan3A_5 = arith.constant 128 : i32
    %mul3A_6 = arith.constant 640 : i32
    %mul3A_7 = arith.muli %arg1, %mul3A_6 : i32
    %add3A_8 = arith.constant 0 : i32
    %add3A_9 = arith.addi %mul3A_7, %add3A_8 : i32
    "tpu.region"() ({
      %run_scoped3A = tpu.sem_alloc : memref<!tpu.dma_semaphore, #tpu.memory_space<semaphore_mem>>
      %dma_start3A = arith.constant 0 : i32
      %dma_start3A_36 = tpu.memref_slice %arg6[%add3A_9, %dma_start3A] : memref<10240x16xf32, #tpu.memory_space<vmem_shared>> -> memref<128x16xf32, #tpu.memory_space<vmem_shared>>
      %dma_start3A_37 = arith.constant 0 : i32
      %dma_start3A_38 = tpu.memref_slice %arg6[%add3A_9, %dma_start3A_37] : memref<10240x16xf32, #tpu.memory_space<vmem_shared>> -> memref<128x16xf32, #tpu.memory_space<vmem_shared>>
      tpu.enqueue_dma source(%arg5 : memref<128x16xf32, #tpu.memory_space<vmem>>) target(%dma_start3A_38 : memref<128x16xf32, #tpu.memory_space<vmem_shared>>) target_semaphore(%run_scoped3A : memref<!tpu.dma_semaphore, #tpu.memory_space<semaphore_mem>>)
      %dma_wait3A = arith.constant 0 : i32
      %dma_wait3A_39 = tpu.memref_slice %arg6[%add3A_9, %dma_wait3A] : memref<10240x16xf32, #tpu.memory_space<vmem_shared>> -> memref<128x16xf32, #tpu.memory_space<vmem_shared>>
      %dma_wait3A_40 = arith.constant 0 : i32
      %dma_wait3A_41 = tpu.memref_slice %arg6[%add3A_9, %dma_wait3A_40] : memref<10240x16xf32, #tpu.memory_space<vmem_shared>> -> memref<128x16xf32, #tpu.memory_space<vmem_shared>>
      tpu.wait_dma2 semaphore(%run_scoped3A : memref<!tpu.dma_semaphore, #tpu.memory_space<semaphore_mem>>) src(%arg5 : memref<128x16xf32, #tpu.memory_space<vmem>>) dst(%dma_wait3A_41 : memref<128x16xf32, #tpu.memory_space<vmem_shared>>)
      tpu.yield
    }) : () -> ()
    %mul3A_10 = arith.constant 640 : i32
    %mul3A_11 = arith.muli %arg1, %mul3A_10 : i32
    %add3A_12 = arith.constant 128 : i32
    %add3A_13 = arith.addi %mul3A_11, %add3A_12 : i32
    "tpu.region"() ({
      %run_scoped3A = tpu.sem_alloc : memref<!tpu.dma_semaphore, #tpu.memory_space<semaphore_mem>>
      %dma_start3A = arith.constant 0 : i32
      %dma_start3A_36 = tpu.memref_slice %arg6[%add3A_13, %dma_start3A] : memref<10240x16xf32, #tpu.memory_space<vmem_shared>> -> memref<128x16xf32, #tpu.memory_space<vmem_shared>>
      %dma_start3A_37 = arith.constant 0 : i32
      %dma_start3A_38 = tpu.memref_slice %arg6[%add3A_13, %dma_start3A_37] : memref<10240x16xf32, #tpu.memory_space<vmem_shared>> -> memref<128x16xf32, #tpu.memory_space<vmem_shared>>
      tpu.enqueue_dma source(%arg5 : memref<128x16xf32, #tpu.memory_space<vmem>>) target(%dma_start3A_38 : memref<128x16xf32, #tpu.memory_space<vmem_shared>>) target_semaphore(%run_scoped3A : memref<!tpu.dma_semaphore, #tpu.memory_space<semaphore_mem>>)
      %dma_wait3A = arith.constant 0 : i32
      %dma_wait3A_39 = tpu.memref_slice %arg6[%add3A_13, %dma_wait3A] : memref<10240x16xf32, #tpu.memory_space<vmem_shared>> -> memref<128x16xf32, #tpu.memory_space<vmem_shared>>
      %dma_wait3A_40 = arith.constant 0 : i32
      %dma_wait3A_41 = tpu.memref_slice %arg6[%add3A_13, %dma_wait3A_40] : memref<10240x16xf32, #tpu.memory_space<vmem_shared>> -> memref<128x16xf32, #tpu.memory_space<vmem_shared>>
      tpu.wait_dma2 semaphore(%run_scoped3A : memref<!tpu.dma_semaphore, #tpu.memory_space<semaphore_mem>>) src(%arg5 : memref<128x16xf32, #tpu.memory_space<vmem>>) dst(%dma_wait3A_41 : memref<128x16xf32, #tpu.memory_space<vmem_shared>>)
      tpu.yield
    }) : () -> ()
    %mul3A_14 = arith.constant 640 : i32
    %mul3A_15 = arith.muli %arg1, %mul3A_14 : i32
    %add3A_16 = arith.constant 256 : i32
    %add3A_17 = arith.addi %mul3A_15, %add3A_16 : i32
    "tpu.region"() ({
      %run_scoped3A = tpu.sem_alloc : memref<!tpu.dma_semaphore, #tpu.memory_space<semaphore_mem>>
      %dma_start3A = arith.constant 0 : i32
      %dma_start3A_36 = tpu.memref_slice %arg6[%add3A_17, %dma_start3A] : memref<10240x16xf32, #tpu.memory_space<vmem_shared>> -> memref<128x16xf32, #tpu.memory_space<vmem_shared>>
      %dma_start3A_37 = arith.constant 0 : i32
      %dma_start3A_38 = tpu.memref_slice %arg6[%add3A_17, %dma_start3A_37] : memref<10240x16xf32, #tpu.memory_space<vmem_shared>> -> memref<128x16xf32, #tpu.memory_space<vmem_shared>>
      tpu.enqueue_dma source(%arg5 : memref<128x16xf32, #tpu.memory_space<vmem>>) target(%dma_start3A_38 : memref<128x16xf32, #tpu.memory_space<vmem_shared>>) target_semaphore(%run_scoped3A : memref<!tpu.dma_semaphore, #tpu.memory_space<semaphore_mem>>)
      %dma_wait3A = arith.constant 0 : i32
      %dma_wait3A_39 = tpu.memref_slice %arg6[%add3A_17, %dma_wait3A] : memref<10240x16xf32, #tpu.memory_space<vmem_shared>> -> memref<128x16xf32, #tpu.memory_space<vmem_shared>>
      %dma_wait3A_40 = arith.constant 0 : i32
      %dma_wait3A_41 = tpu.memref_slice %arg6[%add3A_17, %dma_wait3A_40] : memref<10240x16xf32, #tpu.memory_space<vmem_shared>> -> memref<128x16xf32, #tpu.memory_space<vmem_shared>>
      tpu.wait_dma2 semaphore(%run_scoped3A : memref<!tpu.dma_semaphore, #tpu.memory_space<semaphore_mem>>) src(%arg5 : memref<128x16xf32, #tpu.memory_space<vmem>>) dst(%dma_wait3A_41 : memref<128x16xf32, #tpu.memory_space<vmem_shared>>)
      tpu.yield
    }) : () -> ()
    %mul3A_18 = arith.constant 640 : i32
    %mul3A_19 = arith.muli %arg1, %mul3A_18 : i32
    %add3A_20 = arith.constant 384 : i32
    %add3A_21 = arith.addi %mul3A_19, %add3A_20 : i32
    "tpu.region"() ({
      %run_scoped3A = tpu.sem_alloc : memref<!tpu.dma_semaphore, #tpu.memory_space<semaphore_mem>>
      %dma_start3A = arith.constant 0 : i32
      %dma_start3A_36 = tpu.memref_slice %arg6[%add3A_21, %dma_start3A] : memref<10240x16xf32, #tpu.memory_space<vmem_shared>> -> memref<128x16xf32, #tpu.memory_space<vmem_shared>>
      %dma_start3A_37 = arith.constant 0 : i32
      %dma_start3A_38 = tpu.memref_slice %arg6[%add3A_21, %dma_start3A_37] : memref<10240x16xf32, #tpu.memory_space<vmem_shared>> -> memref<128x16xf32, #tpu.memory_space<vmem_shared>>
      tpu.enqueue_dma source(%arg5 : memref<128x16xf32, #tpu.memory_space<vmem>>) target(%dma_start3A_38 : memref<128x16xf32, #tpu.memory_space<vmem_shared>>) target_semaphore(%run_scoped3A : memref<!tpu.dma_semaphore, #tpu.memory_space<semaphore_mem>>)
      %dma_wait3A = arith.constant 0 : i32
      %dma_wait3A_39 = tpu.memref_slice %arg6[%add3A_21, %dma_wait3A] : memref<10240x16xf32, #tpu.memory_space<vmem_shared>> -> memref<128x16xf32, #tpu.memory_space<vmem_shared>>
      %dma_wait3A_40 = arith.constant 0 : i32
      %dma_wait3A_41 = tpu.memref_slice %arg6[%add3A_21, %dma_wait3A_40] : memref<10240x16xf32, #tpu.memory_space<vmem_shared>> -> memref<128x16xf32, #tpu.memory_space<vmem_shared>>
      tpu.wait_dma2 semaphore(%run_scoped3A : memref<!tpu.dma_semaphore, #tpu.memory_space<semaphore_mem>>) src(%arg5 : memref<128x16xf32, #tpu.memory_space<vmem>>) dst(%dma_wait3A_41 : memref<128x16xf32, #tpu.memory_space<vmem_shared>>)
      tpu.yield
    }) : () -> ()
    %mul3A_22 = arith.constant 640 : i32
    %mul3A_23 = arith.muli %arg1, %mul3A_22 : i32
    %add3A_24 = arith.constant 512 : i32
    %add3A_25 = arith.addi %mul3A_23, %add3A_24 : i32
    "tpu.region"() ({
      %run_scoped3A = tpu.sem_alloc : memref<!tpu.dma_semaphore, #tpu.memory_space<semaphore_mem>>
      %dma_start3A = arith.constant 0 : i32
      %dma_start3A_36 = tpu.memref_slice %arg6[%add3A_25, %dma_start3A] : memref<10240x16xf32, #tpu.memory_space<vmem_shared>> -> memref<128x16xf32, #tpu.memory_space<vmem_shared>>
      %dma_start3A_37 = arith.constant 0 : i32
      %dma_start3A_38 = tpu.memref_slice %arg6[%add3A_25, %dma_start3A_37] : memref<10240x16xf32, #tpu.memory_space<vmem_shared>> -> memref<128x16xf32, #tpu.memory_space<vmem_shared>>
      tpu.enqueue_dma source(%arg5 : memref<128x16xf32, #tpu.memory_space<vmem>>) target(%dma_start3A_38 : memref<128x16xf32, #tpu.memory_space<vmem_shared>>) target_semaphore(%run_scoped3A : memref<!tpu.dma_semaphore, #tpu.memory_space<semaphore_mem>>)
      %dma_wait3A = arith.constant 0 : i32
      %dma_wait3A_39 = tpu.memref_slice %arg6[%add3A_25, %dma_wait3A] : memref<10240x16xf32, #tpu.memory_space<vmem_shared>> -> memref<128x16xf32, #tpu.memory_space<vmem_shared>>
      %dma_wait3A_40 = arith.constant 0 : i32
      %dma_wait3A_41 = tpu.memref_slice %arg6[%add3A_25, %dma_wait3A_40] : memref<10240x16xf32, #tpu.memory_space<vmem_shared>> -> memref<128x16xf32, #tpu.memory_space<vmem_shared>>
      tpu.wait_dma2 semaphore(%run_scoped3A : memref<!tpu.dma_semaphore, #tpu.memory_space<semaphore_mem>>) src(%arg5 : memref<128x16xf32, #tpu.memory_space<vmem>>) dst(%dma_wait3A_41 : memref<128x16xf32, #tpu.memory_space<vmem_shared>>)
      tpu.yield
    }) : () -> ()
    "tpu.region"() ({
      %run_scoped3A = tpu.sem_alloc : memref<!tpu.dma_semaphore, #tpu.memory_space<semaphore_mem>>
      %dma_start3A = arith.constant 0 : i32
      %dma_start3A_36 = arith.constant 0 : i32
      %dma_start3A_37 = tpu.memref_slice %arg2[%add3A, %dma_start3A, %dma_start3A_36] : memref<32x80x128xi32, #tpu.memory_space<hbm>> -> memref<1x80x128xi32, #tpu.memory_space<hbm>>
      %dma_start3A_38 = tpu.memref_squeeze %dma_start3A_37 : memref<1x80x128xi32, #tpu.memory_space<hbm>> -> memref<80x128xi32, #tpu.memory_space<hbm>>
      %dma_start3A_39 = arith.constant 0 : i32
      %dma_start3A_40 = arith.constant 0 : i32
      %dma_start3A_41 = tpu.memref_slice %arg2[%add3A, %dma_start3A_39, %dma_start3A_40] : memref<32x80x128xi32, #tpu.memory_space<hbm>> -> memref<1x80x128xi32, #tpu.memory_space<hbm>>
      %dma_start3A_42 = tpu.memref_squeeze %dma_start3A_41 : memref<1x80x128xi32, #tpu.memory_space<hbm>> -> memref<80x128xi32, #tpu.memory_space<hbm>>
      tpu.enqueue_dma source(%dma_start3A_42 : memref<80x128xi32, #tpu.memory_space<hbm>>) target(%arg4 : memref<80x128xi32, #tpu.memory_space<vmem>>) target_semaphore(%run_scoped3A : memref<!tpu.dma_semaphore, #tpu.memory_space<semaphore_mem>>)
      %dma_wait3A = arith.constant 0 : i32
      %dma_wait3A_43 = arith.constant 0 : i32
      %dma_wait3A_44 = tpu.memref_slice %arg2[%add3A, %dma_wait3A, %dma_wait3A_43] : memref<32x80x128xi32, #tpu.memory_space<hbm>> -> memref<1x80x128xi32, #tpu.memory_space<hbm>>
      %dma_wait3A_45 = tpu.memref_squeeze %dma_wait3A_44 : memref<1x80x128xi32, #tpu.memory_space<hbm>> -> memref<80x128xi32, #tpu.memory_space<hbm>>
      %dma_wait3A_46 = arith.constant 0 : i32
      %dma_wait3A_47 = arith.constant 0 : i32
      %dma_wait3A_48 = tpu.memref_slice %arg2[%add3A, %dma_wait3A_46, %dma_wait3A_47] : memref<32x80x128xi32, #tpu.memory_space<hbm>> -> memref<1x80x128xi32, #tpu.memory_space<hbm>>
      %dma_wait3A_49 = tpu.memref_squeeze %dma_wait3A_48 : memref<1x80x128xi32, #tpu.memory_space<hbm>> -> memref<80x128xi32, #tpu.memory_space<hbm>>
      tpu.wait_dma2 semaphore(%run_scoped3A : memref<!tpu.dma_semaphore, #tpu.memory_space<semaphore_mem>>) src(%dma_wait3A_49 : memref<80x128xi32, #tpu.memory_space<hbm>>) dst(%arg4 : memref<80x128xi32, #tpu.memory_space<vmem>>)
      tpu.yield
    }) : () -> ()
    %barrier3A = arith.constant 0 : index
    tpu.barrier barrier_id(%barrier3A)
    %scan3A_26 = arith.constant 0 : i32
    %scan3A_27 = arith.constant 80 : i32
    %scan3A_28 = arith.addi %scan3A_26, %scan3A_27 : i32
    %scan3A_29 = arith.constant 1 : i32
    scf.for %scan3A_36 = %scan3A_26 to %scan3A_28 step %scan3A_29  : i32 {
      "tpu.region"() ({
        %run_scoped3A = tpu.sem_alloc : memref<!tpu.dma_semaphore, #tpu.memory_space<semaphore_mem>>
        %dma_start3A = arith.constant 0 : i32
        %dma_start3A_37 = tpu.memref_slice %arg4[%scan3A_36, %dma_start3A] : memref<80x128xi32, #tpu.memory_space<vmem>> -> memref<1x128xi32, #tpu.memory_space<vmem>>
        %dma_start3A_38 = tpu.memref_squeeze %dma_start3A_37 : memref<1x128xi32, #tpu.memory_space<vmem>> -> memref<128xi32, #tpu.memory_space<vmem>>
        %dma_start3A_39 = arith.constant 0 : i32
        %dma_start3A_40 = arith.constant 0 : i32
        %dma_start3A_41 = tpu.memref_slice %arg6[%dma_start3A_39, %dma_start3A_40] : memref<10240x16xf32, #tpu.memory_space<vmem_shared>> -> memref<10240x16xf32, #tpu.memory_space<vmem_shared>>
        tpu.enqueue_indirect_dma source(%arg5 : memref<128x16xf32, #tpu.memory_space<vmem>>) target(%dma_start3A_41 : memref<10240x16xf32, #tpu.memory_space<vmem_shared>>) offsets(%dma_start3A_38 : memref<128xi32, #tpu.memory_space<vmem>>) semaphore(%run_scoped3A : memref<!tpu.dma_semaphore, #tpu.memory_space<semaphore_mem>>) {add = true}
        %dma_wait3A = arith.constant 0 : i32
        %dma_wait3A_42 = tpu.memref_slice %arg4[%scan3A_36, %dma_wait3A] : memref<80x128xi32, #tpu.memory_space<vmem>> -> memref<1x128xi32, #tpu.memory_space<vmem>>
        %dma_wait3A_43 = tpu.memref_squeeze %dma_wait3A_42 : memref<1x128xi32, #tpu.memory_space<vmem>> -> memref<128xi32, #tpu.memory_space<vmem>>
        %dma_wait3A_44 = arith.constant 0 : i32
        %dma_wait3A_45 = arith.constant 0 : i32
        %dma_wait3A_46 = tpu.memref_slice %arg6[%dma_wait3A_44, %dma_wait3A_45] : memref<10240x16xf32, #tpu.memory_space<vmem_shared>> -> memref<10240x16xf32, #tpu.memory_space<vmem_shared>>
        tpu.wait_indirect_dma semaphore(%run_scoped3A : memref<!tpu.dma_semaphore, #tpu.memory_space<semaphore_mem>>) src(%arg5 : memref<128x16xf32, #tpu.memory_space<vmem>>) dst(%dma_wait3A_46 : memref<10240x16xf32, #tpu.memory_space<vmem_shared>>)
        tpu.yield
      }) : () -> ()
    }
    %scan3A_30 = arith.constant 80 : i32
    %barrier3A_31 = arith.constant 0 : index
    tpu.barrier barrier_id(%barrier3A_31)
    %mul3A_32 = arith.constant 640 : i32
    %mul3A_33 = arith.muli %arg1, %mul3A_32 : i32
    %mul3A_34 = arith.constant 640 : i32
    %mul3A_35 = arith.muli %arg1, %mul3A_34 : i32
    "tpu.region"() ({
      %run_scoped3A = tpu.sem_alloc : memref<!tpu.dma_semaphore, #tpu.memory_space<semaphore_mem>>
      %dma_start3A = arith.constant 0 : i32
      %dma_start3A_36 = tpu.memref_slice %arg3[%arg0, %mul3A_35, %dma_start3A] : memref<2x10240x16xf32, #tpu.memory_space<hbm>> -> memref<1x640x16xf32, #tpu.memory_space<hbm>>
      %dma_start3A_37 = tpu.memref_squeeze %dma_start3A_36 : memref<1x640x16xf32, #tpu.memory_space<hbm>> -> memref<640x16xf32, #tpu.memory_space<hbm>>
      %dma_start3A_38 = arith.constant 0 : i32
      %dma_start3A_39 = tpu.memref_slice %arg6[%mul3A_33, %dma_start3A_38] : memref<10240x16xf32, #tpu.memory_space<vmem_shared>> -> memref<640x16xf32, #tpu.memory_space<vmem_shared>>
      tpu.enqueue_dma source(%dma_start3A_39 : memref<640x16xf32, #tpu.memory_space<vmem_shared>>) target(%dma_start3A_37 : memref<640x16xf32, #tpu.memory_space<hbm>>) target_semaphore(%run_scoped3A : memref<!tpu.dma_semaphore, #tpu.memory_space<semaphore_mem>>)
      %dma_wait3A = arith.constant 0 : i32
      %dma_wait3A_40 = tpu.memref_slice %arg3[%arg0, %mul3A_35, %dma_wait3A] : memref<2x10240x16xf32, #tpu.memory_space<hbm>> -> memref<1x640x16xf32, #tpu.memory_space<hbm>>
      %dma_wait3A_41 = tpu.memref_squeeze %dma_wait3A_40 : memref<1x640x16xf32, #tpu.memory_space<hbm>> -> memref<640x16xf32, #tpu.memory_space<hbm>>
      %dma_wait3A_42 = arith.constant 0 : i32
      %dma_wait3A_43 = tpu.memref_slice %arg6[%mul3A_33, %dma_wait3A_42] : memref<10240x16xf32, #tpu.memory_space<vmem_shared>> -> memref<640x16xf32, #tpu.memory_space<vmem_shared>>
      tpu.wait_dma2 semaphore(%run_scoped3A : memref<!tpu.dma_semaphore, #tpu.memory_space<semaphore_mem>>) src(%dma_wait3A_43 : memref<640x16xf32, #tpu.memory_space<vmem_shared>>) dst(%dma_wait3A_41 : memref<640x16xf32, #tpu.memory_space<hbm>>)
      tpu.yield
    }) : () -> ()
    return
  }
}

#map = affine_map<(d0, d1) -> (0, 0)>
#map1 = affine_map<(d0, d1) -> (0, 0, 0)>
module attributes {stable_mosaic.version = 14 : i64} {
  func.func @body(%arg0: i32, %arg1: i32, %arg2: memref<10240x64xf32, #tpu.memory_space<hbm>>, %arg3: memref<5120x64xi32, #tpu.memory_space<hbm>>, %arg4: memref<5120x64xi32, #tpu.memory_space<hbm>>, %arg5: memref<2x10240x64xf32, #tpu.memory_space<hbm>>, %arg6: memref<64x64xi32, #tpu.memory_space<vmem>>, %arg7: memref<64x64xi32, #tpu.memory_space<vmem>>, %arg8: memref<64x64xf32, #tpu.memory_space<vmem>>, %arg9: memref<64x64xf32, #tpu.memory_space<vmem>>, %arg10: memref<64x64xf32, #tpu.memory_space<vmem>>, %arg11: memref<64x64xf32, #tpu.memory_space<vmem>>, %arg12: memref<10240x64xf32, #tpu.memory_space<vmem_shared>>, %arg13: memref<!tpu.dma_semaphore, #tpu.memory_space<semaphore_mem>>, %arg14: memref<!tpu.dma_semaphore, #tpu.memory_space<semaphore_mem>>, %arg15: memref<!tpu.dma_semaphore, #tpu.memory_space<semaphore_mem>>, %arg16: memref<!tpu.dma_semaphore, #tpu.memory_space<semaphore_mem>>) attributes {dimension_semantics = [#tpu.dimension_semantics<core_parallel>, #tpu.dimension_semantics<subcore_parallel>], iteration_bounds = array<i64: 2, 16>, scalar_prefetch = 0 : i64, scratch_operands = 11 : i64, tpu.core_type = #tpu.core_type<sc_vector_subcore>, window_params = [{transform_indices = #map}, {transform_indices = #map}, {transform_indices = #map}, {transform_indices = #map1}]} {
    %broadcast_in_dim3A = arith.constant 0.000000e+00 : f32
    %broadcast_in_dim3A_0 = vector.broadcast %broadcast_in_dim3A : f32 to vector<16xf32>
    %scan3A = arith.constant 0 : i32
    %scan3A_1 = arith.constant 64 : i32
    %scan3A_2 = arith.addi %scan3A, %scan3A_1 : i32
    %scan3A_3 = arith.constant 1 : i32
    scf.for %scan3A_67 = %scan3A to %scan3A_2 step %scan3A_3  : i32 {
      %swap3A = arith.index_cast %scan3A_67 : i32 to index
      %swap3A_68 = arith.constant 0 : index
      %swap3A_69 = tpu.vector_load %arg8[%swap3A, %swap3A_68] {strides = array<i32>} : memref<64x64xf32, #tpu.memory_space<vmem>>, vector<1x16xf32>,
      %swap3A_70 = vector.shape_cast %swap3A_69 : vector<1x16xf32> to vector<16xf32>
      %swap3A_71 = vector.shape_cast %broadcast_in_dim3A_0 : vector<16xf32> to vector<1x16xf32>
      tpu.vector_store %arg8[%swap3A, %swap3A_68], %swap3A_71 {strides = array<i32>} : memref<64x64xf32, #tpu.memory_space<vmem>>, vector<1x16xf32>,
      %swap3A_72 = arith.index_cast %scan3A_67 : i32 to index
      %swap3A_73 = arith.constant 16 : index
      %swap3A_74 = tpu.vector_load %arg8[%swap3A_72, %swap3A_73] {strides = array<i32>} : memref<64x64xf32, #tpu.memory_space<vmem>>, vector<1x16xf32>,
      %swap3A_75 = vector.shape_cast %swap3A_74 : vector<1x16xf32> to vector<16xf32>
      %swap3A_76 = vector.shape_cast %broadcast_in_dim3A_0 : vector<16xf32> to vector<1x16xf32>
      tpu.vector_store %arg8[%swap3A_72, %swap3A_73], %swap3A_76 {strides = array<i32>} : memref<64x64xf32, #tpu.memory_space<vmem>>, vector<1x16xf32>,
      %swap3A_77 = arith.index_cast %scan3A_67 : i32 to index
      %swap3A_78 = arith.constant 32 : index
      %swap3A_79 = tpu.vector_load %arg8[%swap3A_77, %swap3A_78] {strides = array<i32>} : memref<64x64xf32, #tpu.memory_space<vmem>>, vector<1x16xf32>,
      %swap3A_80 = vector.shape_cast %swap3A_79 : vector<1x16xf32> to vector<16xf32>
      %swap3A_81 = vector.shape_cast %broadcast_in_dim3A_0 : vector<16xf32> to vector<1x16xf32>
      tpu.vector_store %arg8[%swap3A_77, %swap3A_78], %swap3A_81 {strides = array<i32>} : memref<64x64xf32, #tpu.memory_space<vmem>>, vector<1x16xf32>,
      %swap3A_82 = arith.index_cast %scan3A_67 : i32 to index
      %swap3A_83 = arith.constant 48 : index
      %swap3A_84 = tpu.vector_load %arg8[%swap3A_82, %swap3A_83] {strides = array<i32>} : memref<64x64xf32, #tpu.memory_space<vmem>>, vector<1x16xf32>,
      %swap3A_85 = vector.shape_cast %swap3A_84 : vector<1x16xf32> to vector<16xf32>
      %swap3A_86 = vector.shape_cast %broadcast_in_dim3A_0 : vector<16xf32> to vector<1x16xf32>
      tpu.vector_store %arg8[%swap3A_82, %swap3A_83], %swap3A_86 {strides = array<i32>} : memref<64x64xf32, #tpu.memory_space<vmem>>, vector<1x16xf32>,
      %swap3A_87 = arith.index_cast %scan3A_67 : i32 to index
      %swap3A_88 = arith.constant 0 : index
      %swap3A_89 = tpu.vector_load %arg9[%swap3A_87, %swap3A_88] {strides = array<i32>} : memref<64x64xf32, #tpu.memory_space<vmem>>, vector<1x16xf32>,
      %swap3A_90 = vector.shape_cast %swap3A_89 : vector<1x16xf32> to vector<16xf32>
      %swap3A_91 = vector.shape_cast %broadcast_in_dim3A_0 : vector<16xf32> to vector<1x16xf32>
      tpu.vector_store %arg9[%swap3A_87, %swap3A_88], %swap3A_91 {strides = array<i32>} : memref<64x64xf32, #tpu.memory_space<vmem>>, vector<1x16xf32>,
      %swap3A_92 = arith.index_cast %scan3A_67 : i32 to index
      %swap3A_93 = arith.constant 16 : index
      %swap3A_94 = tpu.vector_load %arg9[%swap3A_92, %swap3A_93] {strides = array<i32>} : memref<64x64xf32, #tpu.memory_space<vmem>>, vector<1x16xf32>,
      %swap3A_95 = vector.shape_cast %swap3A_94 : vector<1x16xf32> to vector<16xf32>
      %swap3A_96 = vector.shape_cast %broadcast_in_dim3A_0 : vector<16xf32> to vector<1x16xf32>
      tpu.vector_store %arg9[%swap3A_92, %swap3A_93], %swap3A_96 {strides = array<i32>} : memref<64x64xf32, #tpu.memory_space<vmem>>, vector<1x16xf32>,
      %swap3A_97 = arith.index_cast %scan3A_67 : i32 to index
      %swap3A_98 = arith.constant 32 : index
      %swap3A_99 = tpu.vector_load %arg9[%swap3A_97, %swap3A_98] {strides = array<i32>} : memref<64x64xf32, #tpu.memory_space<vmem>>, vector<1x16xf32>,
      %swap3A_100 = vector.shape_cast %swap3A_99 : vector<1x16xf32> to vector<16xf32>
      %swap3A_101 = vector.shape_cast %broadcast_in_dim3A_0 : vector<16xf32> to vector<1x16xf32>
      tpu.vector_store %arg9[%swap3A_97, %swap3A_98], %swap3A_101 {strides = array<i32>} : memref<64x64xf32, #tpu.memory_space<vmem>>, vector<1x16xf32>,
      %swap3A_102 = arith.index_cast %scan3A_67 : i32 to index
      %swap3A_103 = arith.constant 48 : index
      %swap3A_104 = tpu.vector_load %arg9[%swap3A_102, %swap3A_103] {strides = array<i32>} : memref<64x64xf32, #tpu.memory_space<vmem>>, vector<1x16xf32>,
      %swap3A_105 = vector.shape_cast %swap3A_104 : vector<1x16xf32> to vector<16xf32>
      %swap3A_106 = vector.shape_cast %broadcast_in_dim3A_0 : vector<16xf32> to vector<1x16xf32>
      tpu.vector_store %arg9[%swap3A_102, %swap3A_103], %swap3A_106 {strides = array<i32>} : memref<64x64xf32, #tpu.memory_space<vmem>>, vector<1x16xf32>,
    }
    %scan3A_4 = arith.constant 64 : i32
    %mul3A = arith.constant 640 : i32
    %mul3A_5 = arith.muli %arg1, %mul3A : i32
    %add3A = arith.constant 0 : i32
    %add3A_6 = arith.addi %mul3A_5, %add3A : i32
    "tpu.region"() ({
      %run_scoped3A = tpu.sem_alloc : memref<!tpu.dma_semaphore, #tpu.memory_space<semaphore_mem>>
      %dma_start3A = arith.constant 0 : i32
      %dma_start3A_67 = tpu.memref_slice %arg12[%add3A_6, %dma_start3A] : memref<10240x64xf32, #tpu.memory_space<vmem_shared>> -> memref<64x64xf32, #tpu.memory_space<vmem_shared>>
      %dma_start3A_68 = arith.constant 0 : i32
      %dma_start3A_69 = tpu.memref_slice %arg12[%add3A_6, %dma_start3A_68] : memref<10240x64xf32, #tpu.memory_space<vmem_shared>> -> memref<64x64xf32, #tpu.memory_space<vmem_shared>>
      tpu.enqueue_dma source(%arg8 : memref<64x64xf32, #tpu.memory_space<vmem>>) target(%dma_start3A_69 : memref<64x64xf32, #tpu.memory_space<vmem_shared>>) target_semaphore(%run_scoped3A : memref<!tpu.dma_semaphore, #tpu.memory_space<semaphore_mem>>)
      %dma_wait3A = arith.constant 0 : i32
      %dma_wait3A_70 = tpu.memref_slice %arg12[%add3A_6, %dma_wait3A] : memref<10240x64xf32, #tpu.memory_space<vmem_shared>> -> memref<64x64xf32, #tpu.memory_space<vmem_shared>>
      %dma_wait3A_71 = arith.constant 0 : i32
      %dma_wait3A_72 = tpu.memref_slice %arg12[%add3A_6, %dma_wait3A_71] : memref<10240x64xf32, #tpu.memory_space<vmem_shared>> -> memref<64x64xf32, #tpu.memory_space<vmem_shared>>
      tpu.wait_dma2 semaphore(%run_scoped3A : memref<!tpu.dma_semaphore, #tpu.memory_space<semaphore_mem>>) src(%arg8 : memref<64x64xf32, #tpu.memory_space<vmem>>) dst(%dma_wait3A_72 : memref<64x64xf32, #tpu.memory_space<vmem_shared>>)
      tpu.yield
    }) : () -> ()
    %mul3A_7 = arith.constant 640 : i32
    %mul3A_8 = arith.muli %arg1, %mul3A_7 : i32
    %add3A_9 = arith.constant 64 : i32
    %add3A_10 = arith.addi %mul3A_8, %add3A_9 : i32
    "tpu.region"() ({
      %run_scoped3A = tpu.sem_alloc : memref<!tpu.dma_semaphore, #tpu.memory_space<semaphore_mem>>
      %dma_start3A = arith.constant 0 : i32
      %dma_start3A_67 = tpu.memref_slice %arg12[%add3A_10, %dma_start3A] : memref<10240x64xf32, #tpu.memory_space<vmem_shared>> -> memref<64x64xf32, #tpu.memory_space<vmem_shared>>
      %dma_start3A_68 = arith.constant 0 : i32
      %dma_start3A_69 = tpu.memref_slice %arg12[%add3A_10, %dma_start3A_68] : memref<10240x64xf32, #tpu.memory_space<vmem_shared>> -> memref<64x64xf32, #tpu.memory_space<vmem_shared>>
      tpu.enqueue_dma source(%arg9 : memref<64x64xf32, #tpu.memory_space<vmem>>) target(%dma_start3A_69 : memref<64x64xf32, #tpu.memory_space<vmem_shared>>) target_semaphore(%run_scoped3A : memref<!tpu.dma_semaphore, #tpu.memory_space<semaphore_mem>>)
      %dma_wait3A = arith.constant 0 : i32
      %dma_wait3A_70 = tpu.memref_slice %arg12[%add3A_10, %dma_wait3A] : memref<10240x64xf32, #tpu.memory_space<vmem_shared>> -> memref<64x64xf32, #tpu.memory_space<vmem_shared>>
      %dma_wait3A_71 = arith.constant 0 : i32
      %dma_wait3A_72 = tpu.memref_slice %arg12[%add3A_10, %dma_wait3A_71] : memref<10240x64xf32, #tpu.memory_space<vmem_shared>> -> memref<64x64xf32, #tpu.memory_space<vmem_shared>>
      tpu.wait_dma2 semaphore(%run_scoped3A : memref<!tpu.dma_semaphore, #tpu.memory_space<semaphore_mem>>) src(%arg9 : memref<64x64xf32, #tpu.memory_space<vmem>>) dst(%dma_wait3A_72 : memref<64x64xf32, #tpu.memory_space<vmem_shared>>)
      tpu.yield
    }) : () -> ()
    %mul3A_11 = arith.constant 640 : i32
    %mul3A_12 = arith.muli %arg1, %mul3A_11 : i32
    %add3A_13 = arith.constant 128 : i32
    %add3A_14 = arith.addi %mul3A_12, %add3A_13 : i32
    "tpu.region"() ({
      %run_scoped3A = tpu.sem_alloc : memref<!tpu.dma_semaphore, #tpu.memory_space<semaphore_mem>>
      %dma_start3A = arith.constant 0 : i32
      %dma_start3A_67 = tpu.memref_slice %arg12[%add3A_14, %dma_start3A] : memref<10240x64xf32, #tpu.memory_space<vmem_shared>> -> memref<64x64xf32, #tpu.memory_space<vmem_shared>>
      %dma_start3A_68 = arith.constant 0 : i32
      %dma_start3A_69 = tpu.memref_slice %arg12[%add3A_14, %dma_start3A_68] : memref<10240x64xf32, #tpu.memory_space<vmem_shared>> -> memref<64x64xf32, #tpu.memory_space<vmem_shared>>
      tpu.enqueue_dma source(%arg8 : memref<64x64xf32, #tpu.memory_space<vmem>>) target(%dma_start3A_69 : memref<64x64xf32, #tpu.memory_space<vmem_shared>>) target_semaphore(%run_scoped3A : memref<!tpu.dma_semaphore, #tpu.memory_space<semaphore_mem>>)
      %dma_wait3A = arith.constant 0 : i32
      %dma_wait3A_70 = tpu.memref_slice %arg12[%add3A_14, %dma_wait3A] : memref<10240x64xf32, #tpu.memory_space<vmem_shared>> -> memref<64x64xf32, #tpu.memory_space<vmem_shared>>
      %dma_wait3A_71 = arith.constant 0 : i32
      %dma_wait3A_72 = tpu.memref_slice %arg12[%add3A_14, %dma_wait3A_71] : memref<10240x64xf32, #tpu.memory_space<vmem_shared>> -> memref<64x64xf32, #tpu.memory_space<vmem_shared>>
      tpu.wait_dma2 semaphore(%run_scoped3A : memref<!tpu.dma_semaphore, #tpu.memory_space<semaphore_mem>>) src(%arg8 : memref<64x64xf32, #tpu.memory_space<vmem>>) dst(%dma_wait3A_72 : memref<64x64xf32, #tpu.memory_space<vmem_shared>>)
      tpu.yield
    }) : () -> ()
    %mul3A_15 = arith.constant 640 : i32
    %mul3A_16 = arith.muli %arg1, %mul3A_15 : i32
    %add3A_17 = arith.constant 192 : i32
    %add3A_18 = arith.addi %mul3A_16, %add3A_17 : i32
    "tpu.region"() ({
      %run_scoped3A = tpu.sem_alloc : memref<!tpu.dma_semaphore, #tpu.memory_space<semaphore_mem>>
      %dma_start3A = arith.constant 0 : i32
      %dma_start3A_67 = tpu.memref_slice %arg12[%add3A_18, %dma_start3A] : memref<10240x64xf32, #tpu.memory_space<vmem_shared>> -> memref<64x64xf32, #tpu.memory_space<vmem_shared>>
      %dma_start3A_68 = arith.constant 0 : i32
      %dma_start3A_69 = tpu.memref_slice %arg12[%add3A_18, %dma_start3A_68] : memref<10240x64xf32, #tpu.memory_space<vmem_shared>> -> memref<64x64xf32, #tpu.memory_space<vmem_shared>>
      tpu.enqueue_dma source(%arg9 : memref<64x64xf32, #tpu.memory_space<vmem>>) target(%dma_start3A_69 : memref<64x64xf32, #tpu.memory_space<vmem_shared>>) target_semaphore(%run_scoped3A : memref<!tpu.dma_semaphore, #tpu.memory_space<semaphore_mem>>)
      %dma_wait3A = arith.constant 0 : i32
      %dma_wait3A_70 = tpu.memref_slice %arg12[%add3A_18, %dma_wait3A] : memref<10240x64xf32, #tpu.memory_space<vmem_shared>> -> memref<64x64xf32, #tpu.memory_space<vmem_shared>>
      %dma_wait3A_71 = arith.constant 0 : i32
      %dma_wait3A_72 = tpu.memref_slice %arg12[%add3A_18, %dma_wait3A_71] : memref<10240x64xf32, #tpu.memory_space<vmem_shared>> -> memref<64x64xf32, #tpu.memory_space<vmem_shared>>
      tpu.wait_dma2 semaphore(%run_scoped3A : memref<!tpu.dma_semaphore, #tpu.memory_space<semaphore_mem>>) src(%arg9 : memref<64x64xf32, #tpu.memory_space<vmem>>) dst(%dma_wait3A_72 : memref<64x64xf32, #tpu.memory_space<vmem_shared>>)
      tpu.yield
    }) : () -> ()
    %mul3A_19 = arith.constant 640 : i32
    %mul3A_20 = arith.muli %arg1, %mul3A_19 : i32
    %add3A_21 = arith.constant 256 : i32
    %add3A_22 = arith.addi %mul3A_20, %add3A_21 : i32
    "tpu.region"() ({
      %run_scoped3A = tpu.sem_alloc : memref<!tpu.dma_semaphore, #tpu.memory_space<semaphore_mem>>
      %dma_start3A = arith.constant 0 : i32
      %dma_start3A_67 = tpu.memref_slice %arg12[%add3A_22, %dma_start3A] : memref<10240x64xf32, #tpu.memory_space<vmem_shared>> -> memref<64x64xf32, #tpu.memory_space<vmem_shared>>
      %dma_start3A_68 = arith.constant 0 : i32
      %dma_start3A_69 = tpu.memref_slice %arg12[%add3A_22, %dma_start3A_68] : memref<10240x64xf32, #tpu.memory_space<vmem_shared>> -> memref<64x64xf32, #tpu.memory_space<vmem_shared>>
      tpu.enqueue_dma source(%arg8 : memref<64x64xf32, #tpu.memory_space<vmem>>) target(%dma_start3A_69 : memref<64x64xf32, #tpu.memory_space<vmem_shared>>) target_semaphore(%run_scoped3A : memref<!tpu.dma_semaphore, #tpu.memory_space<semaphore_mem>>)
      %dma_wait3A = arith.constant 0 : i32
      %dma_wait3A_70 = tpu.memref_slice %arg12[%add3A_22, %dma_wait3A] : memref<10240x64xf32, #tpu.memory_space<vmem_shared>> -> memref<64x64xf32, #tpu.memory_space<vmem_shared>>
      %dma_wait3A_71 = arith.constant 0 : i32
      %dma_wait3A_72 = tpu.memref_slice %arg12[%add3A_22, %dma_wait3A_71] : memref<10240x64xf32, #tpu.memory_space<vmem_shared>> -> memref<64x64xf32, #tpu.memory_space<vmem_shared>>
      tpu.wait_dma2 semaphore(%run_scoped3A : memref<!tpu.dma_semaphore, #tpu.memory_space<semaphore_mem>>) src(%arg8 : memref<64x64xf32, #tpu.memory_space<vmem>>) dst(%dma_wait3A_72 : memref<64x64xf32, #tpu.memory_space<vmem_shared>>)
      tpu.yield
    }) : () -> ()
    %mul3A_23 = arith.constant 640 : i32
    %mul3A_24 = arith.muli %arg1, %mul3A_23 : i32
    %add3A_25 = arith.constant 320 : i32
    %add3A_26 = arith.addi %mul3A_24, %add3A_25 : i32
    "tpu.region"() ({
      %run_scoped3A = tpu.sem_alloc : memref<!tpu.dma_semaphore, #tpu.memory_space<semaphore_mem>>
      %dma_start3A = arith.constant 0 : i32
      %dma_start3A_67 = tpu.memref_slice %arg12[%add3A_26, %dma_start3A] : memref<10240x64xf32, #tpu.memory_space<vmem_shared>> -> memref<64x64xf32, #tpu.memory_space<vmem_shared>>
      %dma_start3A_68 = arith.constant 0 : i32
      %dma_start3A_69 = tpu.memref_slice %arg12[%add3A_26, %dma_start3A_68] : memref<10240x64xf32, #tpu.memory_space<vmem_shared>> -> memref<64x64xf32, #tpu.memory_space<vmem_shared>>
      tpu.enqueue_dma source(%arg9 : memref<64x64xf32, #tpu.memory_space<vmem>>) target(%dma_start3A_69 : memref<64x64xf32, #tpu.memory_space<vmem_shared>>) target_semaphore(%run_scoped3A : memref<!tpu.dma_semaphore, #tpu.memory_space<semaphore_mem>>)
      %dma_wait3A = arith.constant 0 : i32
      %dma_wait3A_70 = tpu.memref_slice %arg12[%add3A_26, %dma_wait3A] : memref<10240x64xf32, #tpu.memory_space<vmem_shared>> -> memref<64x64xf32, #tpu.memory_space<vmem_shared>>
      %dma_wait3A_71 = arith.constant 0 : i32
      %dma_wait3A_72 = tpu.memref_slice %arg12[%add3A_26, %dma_wait3A_71] : memref<10240x64xf32, #tpu.memory_space<vmem_shared>> -> memref<64x64xf32, #tpu.memory_space<vmem_shared>>
      tpu.wait_dma2 semaphore(%run_scoped3A : memref<!tpu.dma_semaphore, #tpu.memory_space<semaphore_mem>>) src(%arg9 : memref<64x64xf32, #tpu.memory_space<vmem>>) dst(%dma_wait3A_72 : memref<64x64xf32, #tpu.memory_space<vmem_shared>>)
      tpu.yield
    }) : () -> ()
    %mul3A_27 = arith.constant 640 : i32
    %mul3A_28 = arith.muli %arg1, %mul3A_27 : i32
    %add3A_29 = arith.constant 384 : i32
    %add3A_30 = arith.addi %mul3A_28, %add3A_29 : i32
    "tpu.region"() ({
      %run_scoped3A = tpu.sem_alloc : memref<!tpu.dma_semaphore, #tpu.memory_space<semaphore_mem>>
      %dma_start3A = arith.constant 0 : i32
      %dma_start3A_67 = tpu.memref_slice %arg12[%add3A_30, %dma_start3A] : memref<10240x64xf32, #tpu.memory_space<vmem_shared>> -> memref<64x64xf32, #tpu.memory_space<vmem_shared>>
      %dma_start3A_68 = arith.constant 0 : i32
      %dma_start3A_69 = tpu.memref_slice %arg12[%add3A_30, %dma_start3A_68] : memref<10240x64xf32, #tpu.memory_space<vmem_shared>> -> memref<64x64xf32, #tpu.memory_space<vmem_shared>>
      tpu.enqueue_dma source(%arg8 : memref<64x64xf32, #tpu.memory_space<vmem>>) target(%dma_start3A_69 : memref<64x64xf32, #tpu.memory_space<vmem_shared>>) target_semaphore(%run_scoped3A : memref<!tpu.dma_semaphore, #tpu.memory_space<semaphore_mem>>)
      %dma_wait3A = arith.constant 0 : i32
      %dma_wait3A_70 = tpu.memref_slice %arg12[%add3A_30, %dma_wait3A] : memref<10240x64xf32, #tpu.memory_space<vmem_shared>> -> memref<64x64xf32, #tpu.memory_space<vmem_shared>>
      %dma_wait3A_71 = arith.constant 0 : i32
      %dma_wait3A_72 = tpu.memref_slice %arg12[%add3A_30, %dma_wait3A_71] : memref<10240x64xf32, #tpu.memory_space<vmem_shared>> -> memref<64x64xf32, #tpu.memory_space<vmem_shared>>
      tpu.wait_dma2 semaphore(%run_scoped3A : memref<!tpu.dma_semaphore, #tpu.memory_space<semaphore_mem>>) src(%arg8 : memref<64x64xf32, #tpu.memory_space<vmem>>) dst(%dma_wait3A_72 : memref<64x64xf32, #tpu.memory_space<vmem_shared>>)
      tpu.yield
    }) : () -> ()
    %mul3A_31 = arith.constant 640 : i32
    %mul3A_32 = arith.muli %arg1, %mul3A_31 : i32
    %add3A_33 = arith.constant 448 : i32
    %add3A_34 = arith.addi %mul3A_32, %add3A_33 : i32
    "tpu.region"() ({
      %run_scoped3A = tpu.sem_alloc : memref<!tpu.dma_semaphore, #tpu.memory_space<semaphore_mem>>
      %dma_start3A = arith.constant 0 : i32
      %dma_start3A_67 = tpu.memref_slice %arg12[%add3A_34, %dma_start3A] : memref<10240x64xf32, #tpu.memory_space<vmem_shared>> -> memref<64x64xf32, #tpu.memory_space<vmem_shared>>
      %dma_start3A_68 = arith.constant 0 : i32
      %dma_start3A_69 = tpu.memref_slice %arg12[%add3A_34, %dma_start3A_68] : memref<10240x64xf32, #tpu.memory_space<vmem_shared>> -> memref<64x64xf32, #tpu.memory_space<vmem_shared>>
      tpu.enqueue_dma source(%arg9 : memref<64x64xf32, #tpu.memory_space<vmem>>) target(%dma_start3A_69 : memref<64x64xf32, #tpu.memory_space<vmem_shared>>) target_semaphore(%run_scoped3A : memref<!tpu.dma_semaphore, #tpu.memory_space<semaphore_mem>>)
      %dma_wait3A = arith.constant 0 : i32
      %dma_wait3A_70 = tpu.memref_slice %arg12[%add3A_34, %dma_wait3A] : memref<10240x64xf32, #tpu.memory_space<vmem_shared>> -> memref<64x64xf32, #tpu.memory_space<vmem_shared>>
      %dma_wait3A_71 = arith.constant 0 : i32
      %dma_wait3A_72 = tpu.memref_slice %arg12[%add3A_34, %dma_wait3A_71] : memref<10240x64xf32, #tpu.memory_space<vmem_shared>> -> memref<64x64xf32, #tpu.memory_space<vmem_shared>>
      tpu.wait_dma2 semaphore(%run_scoped3A : memref<!tpu.dma_semaphore, #tpu.memory_space<semaphore_mem>>) src(%arg9 : memref<64x64xf32, #tpu.memory_space<vmem>>) dst(%dma_wait3A_72 : memref<64x64xf32, #tpu.memory_space<vmem_shared>>)
      tpu.yield
    }) : () -> ()
    %mul3A_35 = arith.constant 640 : i32
    %mul3A_36 = arith.muli %arg1, %mul3A_35 : i32
    %add3A_37 = arith.constant 512 : i32
    %add3A_38 = arith.addi %mul3A_36, %add3A_37 : i32
    "tpu.region"() ({
      %run_scoped3A = tpu.sem_alloc : memref<!tpu.dma_semaphore, #tpu.memory_space<semaphore_mem>>
      %dma_start3A = arith.constant 0 : i32
      %dma_start3A_67 = tpu.memref_slice %arg12[%add3A_38, %dma_start3A] : memref<10240x64xf32, #tpu.memory_space<vmem_shared>> -> memref<64x64xf32, #tpu.memory_space<vmem_shared>>
      %dma_start3A_68 = arith.constant 0 : i32
      %dma_start3A_69 = tpu.memref_slice %arg12[%add3A_38, %dma_start3A_68] : memref<10240x64xf32, #tpu.memory_space<vmem_shared>> -> memref<64x64xf32, #tpu.memory_space<vmem_shared>>
      tpu.enqueue_dma source(%arg8 : memref<64x64xf32, #tpu.memory_space<vmem>>) target(%dma_start3A_69 : memref<64x64xf32, #tpu.memory_space<vmem_shared>>) target_semaphore(%run_scoped3A : memref<!tpu.dma_semaphore, #tpu.memory_space<semaphore_mem>>)
      %dma_wait3A = arith.constant 0 : i32
      %dma_wait3A_70 = tpu.memref_slice %arg12[%add3A_38, %dma_wait3A] : memref<10240x64xf32, #tpu.memory_space<vmem_shared>> -> memref<64x64xf32, #tpu.memory_space<vmem_shared>>
      %dma_wait3A_71 = arith.constant 0 : i32
      %dma_wait3A_72 = tpu.memref_slice %arg12[%add3A_38, %dma_wait3A_71] : memref<10240x64xf32, #tpu.memory_space<vmem_shared>> -> memref<64x64xf32, #tpu.memory_space<vmem_shared>>
      tpu.wait_dma2 semaphore(%run_scoped3A : memref<!tpu.dma_semaphore, #tpu.memory_space<semaphore_mem>>) src(%arg8 : memref<64x64xf32, #tpu.memory_space<vmem>>) dst(%dma_wait3A_72 : memref<64x64xf32, #tpu.memory_space<vmem_shared>>)
      tpu.yield
    }) : () -> ()
    %mul3A_39 = arith.constant 640 : i32
    %mul3A_40 = arith.muli %arg1, %mul3A_39 : i32
    %add3A_41 = arith.constant 576 : i32
    %add3A_42 = arith.addi %mul3A_40, %add3A_41 : i32
    "tpu.region"() ({
      %run_scoped3A = tpu.sem_alloc : memref<!tpu.dma_semaphore, #tpu.memory_space<semaphore_mem>>
      %dma_start3A = arith.constant 0 : i32
      %dma_start3A_67 = tpu.memref_slice %arg12[%add3A_42, %dma_start3A] : memref<10240x64xf32, #tpu.memory_space<vmem_shared>> -> memref<64x64xf32, #tpu.memory_space<vmem_shared>>
      %dma_start3A_68 = arith.constant 0 : i32
      %dma_start3A_69 = tpu.memref_slice %arg12[%add3A_42, %dma_start3A_68] : memref<10240x64xf32, #tpu.memory_space<vmem_shared>> -> memref<64x64xf32, #tpu.memory_space<vmem_shared>>
      tpu.enqueue_dma source(%arg9 : memref<64x64xf32, #tpu.memory_space<vmem>>) target(%dma_start3A_69 : memref<64x64xf32, #tpu.memory_space<vmem_shared>>) target_semaphore(%run_scoped3A : memref<!tpu.dma_semaphore, #tpu.memory_space<semaphore_mem>>)
      %dma_wait3A = arith.constant 0 : i32
      %dma_wait3A_70 = tpu.memref_slice %arg12[%add3A_42, %dma_wait3A] : memref<10240x64xf32, #tpu.memory_space<vmem_shared>> -> memref<64x64xf32, #tpu.memory_space<vmem_shared>>
      %dma_wait3A_71 = arith.constant 0 : i32
      %dma_wait3A_72 = tpu.memref_slice %arg12[%add3A_42, %dma_wait3A_71] : memref<10240x64xf32, #tpu.memory_space<vmem_shared>> -> memref<64x64xf32, #tpu.memory_space<vmem_shared>>
      tpu.wait_dma2 semaphore(%run_scoped3A : memref<!tpu.dma_semaphore, #tpu.memory_space<semaphore_mem>>) src(%arg9 : memref<64x64xf32, #tpu.memory_space<vmem>>) dst(%dma_wait3A_72 : memref<64x64xf32, #tpu.memory_space<vmem_shared>>)
      tpu.yield
    }) : () -> ()
    %barrier3A = arith.constant 0 : index
    tpu.barrier barrier_id(%barrier3A)
    %eq3A = arith.constant 0 : i32
    %eq3A_43 = arith.cmpi eq, %arg0, %eq3A : i32
    %jit3A = arith.constant 3 : i32
    %jit3A_44 = arith.constant 2 : i32
    %select_n3A = arith.select %eq3A_43, %jit3A, %jit3A_44 : i32
    %eq3A_45 = arith.constant 0 : i32
    %eq3A_46 = arith.cmpi eq, %arg0, %eq3A_45 : i32
    %mul3A_47 = arith.constant 192 : i32
    %mul3A_48 = arith.muli %arg1, %mul3A_47 : i32
    %mul3A_49 = arith.constant 128 : i32
    %mul3A_50 = arith.muli %arg1, %mul3A_49 : i32
    %add3A_51 = arith.constant 3072 : i32
    %add3A_52 = arith.addi %add3A_51, %mul3A_50 : i32
    %select_n3A_53 = arith.select %eq3A_46, %mul3A_48, %add3A_52 : i32
    %while3A = arith.constant 0 : i32
    %while3A_54 = arith.subi %select_n3A, %while3A : i32
    %while3A_55 = arith.addi %while3A, %while3A_54 : i32
    %while3A_56 = arith.constant 1 : i32
    %while3A_57 = arith.divsi %while3A_54, %while3A_56 : i32
    %while3A_58 = arith.muli %while3A_57, %while3A_56 : i32
    %while3A_59 = arith.addi %while3A, %while3A_58 : i32
    %while3A_60 = arith.constant 1 : i32
    scf.for %while3A_67 = %while3A to %while3A_59 step %while3A_60  : i32 {
      %mul3A_68 = arith.constant 64 : i32
      %mul3A_69 = arith.muli %while3A_67, %mul3A_68 : i32
      %add3A_70 = arith.addi %select_n3A_53, %mul3A_69 : i32
      "tpu.region"() ({
        %run_scoped3A = tpu.sem_alloc : memref<!tpu.dma_semaphore, #tpu.memory_space<semaphore_mem>>
        %dma_start3A_99 = arith.constant 0 : i32
        %dma_start3A_100 = tpu.memref_slice %arg3[%add3A_70, %dma_start3A_99] : memref<5120x64xi32, #tpu.memory_space<hbm>> -> memref<64x64xi32, #tpu.memory_space<hbm>>
        %dma_start3A_101 = arith.constant 0 : i32
        %dma_start3A_102 = tpu.memref_slice %arg3[%add3A_70, %dma_start3A_101] : memref<5120x64xi32, #tpu.memory_space<hbm>> -> memref<64x64xi32, #tpu.memory_space<hbm>>
        tpu.enqueue_dma source(%dma_start3A_102 : memref<64x64xi32, #tpu.memory_space<hbm>>) target(%arg6 : memref<64x64xi32, #tpu.memory_space<vmem>>) target_semaphore(%run_scoped3A : memref<!tpu.dma_semaphore, #tpu.memory_space<semaphore_mem>>)
        %dma_wait3A = arith.constant 0 : i32
        %dma_wait3A_103 = tpu.memref_slice %arg3[%add3A_70, %dma_wait3A] : memref<5120x64xi32, #tpu.memory_space<hbm>> -> memref<64x64xi32, #tpu.memory_space<hbm>>
        %dma_wait3A_104 = arith.constant 0 : i32
        %dma_wait3A_105 = tpu.memref_slice %arg3[%add3A_70, %dma_wait3A_104] : memref<5120x64xi32, #tpu.memory_space<hbm>> -> memref<64x64xi32, #tpu.memory_space<hbm>>
        tpu.wait_dma2 semaphore(%run_scoped3A : memref<!tpu.dma_semaphore, #tpu.memory_space<semaphore_mem>>) src(%dma_wait3A_105 : memref<64x64xi32, #tpu.memory_space<hbm>>) dst(%arg6 : memref<64x64xi32, #tpu.memory_space<vmem>>)
        tpu.yield
      }) : () -> ()
      %mul3A_71 = arith.constant 64 : i32
      %mul3A_72 = arith.muli %while3A_67, %mul3A_71 : i32
      %add3A_73 = arith.addi %select_n3A_53, %mul3A_72 : i32
      "tpu.region"() ({
        %run_scoped3A = tpu.sem_alloc : memref<!tpu.dma_semaphore, #tpu.memory_space<semaphore_mem>>
        %dma_start3A_99 = arith.constant 0 : i32
        %dma_start3A_100 = tpu.memref_slice %arg4[%add3A_73, %dma_start3A_99] : memref<5120x64xi32, #tpu.memory_space<hbm>> -> memref<64x64xi32, #tpu.memory_space<hbm>>
        %dma_start3A_101 = arith.constant 0 : i32
        %dma_start3A_102 = tpu.memref_slice %arg4[%add3A_73, %dma_start3A_101] : memref<5120x64xi32, #tpu.memory_space<hbm>> -> memref<64x64xi32, #tpu.memory_space<hbm>>
        tpu.enqueue_dma source(%dma_start3A_102 : memref<64x64xi32, #tpu.memory_space<hbm>>) target(%arg7 : memref<64x64xi32, #tpu.memory_space<vmem>>) target_semaphore(%run_scoped3A : memref<!tpu.dma_semaphore, #tpu.memory_space<semaphore_mem>>)
        %dma_wait3A = arith.constant 0 : i32
        %dma_wait3A_103 = tpu.memref_slice %arg4[%add3A_73, %dma_wait3A] : memref<5120x64xi32, #tpu.memory_space<hbm>> -> memref<64x64xi32, #tpu.memory_space<hbm>>
        %dma_wait3A_104 = arith.constant 0 : i32
        %dma_wait3A_105 = tpu.memref_slice %arg4[%add3A_73, %dma_wait3A_104] : memref<5120x64xi32, #tpu.memory_space<hbm>> -> memref<64x64xi32, #tpu.memory_space<hbm>>
        tpu.wait_dma2 semaphore(%run_scoped3A : memref<!tpu.dma_semaphore, #tpu.memory_space<semaphore_mem>>) src(%dma_wait3A_105 : memref<64x64xi32, #tpu.memory_space<hbm>>) dst(%arg7 : memref<64x64xi32, #tpu.memory_space<vmem>>)
        tpu.yield
      }) : () -> ()
      %dma_start3A = arith.constant 0 : i32
      %dma_start3A_74 = arith.constant 0 : i32
      %dma_start3A_75 = tpu.memref_slice %arg6[%dma_start3A, %dma_start3A_74] : memref<64x64xi32, #tpu.memory_space<vmem>> -> memref<1x64xi32, #tpu.memory_space<vmem>>
      %dma_start3A_76 = tpu.memref_squeeze %dma_start3A_75 : memref<1x64xi32, #tpu.memory_space<vmem>> -> memref<64xi32, #tpu.memory_space<vmem>>
      %dma_start3A_77 = arith.constant 0 : i32
      %dma_start3A_78 = arith.constant 0 : i32
      %dma_start3A_79 = tpu.memref_slice %arg2[%dma_start3A_77, %dma_start3A_78] : memref<10240x64xf32, #tpu.memory_space<hbm>> -> memref<10240x64xf32, #tpu.memory_space<hbm>>
      tpu.enqueue_indirect_dma source(%dma_start3A_79 : memref<10240x64xf32, #tpu.memory_space<hbm>>) target(%arg8 : memref<64x64xf32, #tpu.memory_space<vmem>>) offsets(%dma_start3A_76 : memref<64xi32, #tpu.memory_space<vmem>>) semaphore(%arg13 : memref<!tpu.dma_semaphore, #tpu.memory_space<semaphore_mem>>)
      %dma_start3A_80 = arith.constant 1 : i32
      %dma_start3A_81 = arith.constant 0 : i32
      %dma_start3A_82 = tpu.memref_slice %arg6[%dma_start3A_80, %dma_start3A_81] : memref<64x64xi32, #tpu.memory_space<vmem>> -> memref<1x64xi32, #tpu.memory_space<vmem>>
      %dma_start3A_83 = tpu.memref_squeeze %dma_start3A_82 : memref<1x64xi32, #tpu.memory_space<vmem>> -> memref<64xi32, #tpu.memory_space<vmem>>
      %dma_start3A_84 = arith.constant 0 : i32
      %dma_start3A_85 = arith.constant 0 : i32
      %dma_start3A_86 = tpu.memref_slice %arg2[%dma_start3A_84, %dma_start3A_85] : memref<10240x64xf32, #tpu.memory_space<hbm>> -> memref<10240x64xf32, #tpu.memory_space<hbm>>
      tpu.enqueue_indirect_dma source(%dma_start3A_86 : memref<10240x64xf32, #tpu.memory_space<hbm>>) target(%arg9 : memref<64x64xf32, #tpu.memory_space<vmem>>) offsets(%dma_start3A_83 : memref<64xi32, #tpu.memory_space<vmem>>) semaphore(%arg14 : memref<!tpu.dma_semaphore, #tpu.memory_space<semaphore_mem>>)
      %dma_start3A_87 = arith.constant 2 : i32
      %dma_start3A_88 = arith.constant 0 : i32
      %dma_start3A_89 = tpu.memref_slice %arg6[%dma_start3A_87, %dma_start3A_88] : memref<64x64xi32, #tpu.memory_space<vmem>> -> memref<1x64xi32, #tpu.memory_space<vmem>>
      %dma_start3A_90 = tpu.memref_squeeze %dma_start3A_89 : memref<1x64xi32, #tpu.memory_space<vmem>> -> memref<64xi32, #tpu.memory_space<vmem>>
      %dma_start3A_91 = arith.constant 0 : i32
      %dma_start3A_92 = arith.constant 0 : i32
      %dma_start3A_93 = tpu.memref_slice %arg2[%dma_start3A_91, %dma_start3A_92] : memref<10240x64xf32, #tpu.memory_space<hbm>> -> memref<10240x64xf32, #tpu.memory_space<hbm>>
      tpu.enqueue_indirect_dma source(%dma_start3A_93 : memref<10240x64xf32, #tpu.memory_space<hbm>>) target(%arg10 : memref<64x64xf32, #tpu.memory_space<vmem>>) offsets(%dma_start3A_90 : memref<64xi32, #tpu.memory_space<vmem>>) semaphore(%arg15 : memref<!tpu.dma_semaphore, #tpu.memory_space<semaphore_mem>>)
      %scan3A_94 = arith.constant 0 : i32
      %scan3A_95 = arith.constant 16 : i32
      %scan3A_96 = arith.addi %scan3A_94, %scan3A_95 : i32
      %scan3A_97 = arith.constant 1 : i32
      scf.for %scan3A_99 = %scan3A_94 to %scan3A_96 step %scan3A_97  : i32 {
        %mul3A_100 = arith.constant 4 : i32
        %mul3A_101 = arith.muli %mul3A_100, %scan3A_99 : i32
        %add3A_102 = arith.constant 0 : i32
        %add3A_103 = arith.addi %mul3A_101, %add3A_102 : i32
        %dma_wait3A = arith.constant 0 : i32
        %dma_wait3A_104 = tpu.memref_slice %arg6[%add3A_103, %dma_wait3A] : memref<64x64xi32, #tpu.memory_space<vmem>> -> memref<1x64xi32, #tpu.memory_space<vmem>>
        %dma_wait3A_105 = tpu.memref_squeeze %dma_wait3A_104 : memref<1x64xi32, #tpu.memory_space<vmem>> -> memref<64xi32, #tpu.memory_space<vmem>>
        %dma_wait3A_106 = arith.constant 0 : i32
        %dma_wait3A_107 = arith.constant 0 : i32
        %dma_wait3A_108 = tpu.memref_slice %arg2[%dma_wait3A_106, %dma_wait3A_107] : memref<10240x64xf32, #tpu.memory_space<hbm>> -> memref<10240x64xf32, #tpu.memory_space<hbm>>
        tpu.wait_indirect_dma semaphore(%arg13 : memref<!tpu.dma_semaphore, #tpu.memory_space<semaphore_mem>>) src(%dma_wait3A_108 : memref<10240x64xf32, #tpu.memory_space<hbm>>) dst(%arg8 : memref<64x64xf32, #tpu.memory_space<vmem>>)
        %add3A_109 = arith.constant 4 : i32
        %add3A_110 = arith.addi %add3A_103, %add3A_109 : i32
        %sub3A = arith.constant 1 : i32
        %sub3A_111 = arith.subi %add3A_110, %sub3A : i32
        %lt3A = arith.constant 64 : i32
        %lt3A_112 = arith.cmpi slt, %sub3A_111, %lt3A : i32
        %convert_element_type3A = arith.extui %lt3A_112 : i1 to i32
        %cond3A = arith.constant 0 : i32
        %cond3A_113 = arith.cmpi ne, %convert_element_type3A, %cond3A : i32
        scf.if %cond3A_113 {
          %add3A_171 = arith.constant 4 : i32
          %add3A_172 = arith.addi %add3A_103, %add3A_171 : i32
          %sub3A_173 = arith.constant 1 : i32
          %sub3A_174 = arith.subi %add3A_172, %sub3A_173 : i32
          %dma_start3A_175 = arith.constant 0 : i32
          %dma_start3A_176 = tpu.memref_slice %arg6[%sub3A_174, %dma_start3A_175] : memref<64x64xi32, #tpu.memory_space<vmem>> -> memref<1x64xi32, #tpu.memory_space<vmem>>
          %dma_start3A_177 = tpu.memref_squeeze %dma_start3A_176 : memref<1x64xi32, #tpu.memory_space<vmem>> -> memref<64xi32, #tpu.memory_space<vmem>>
          %dma_start3A_178 = arith.constant 0 : i32
          %dma_start3A_179 = arith.constant 0 : i32
          %dma_start3A_180 = tpu.memref_slice %arg2[%dma_start3A_178, %dma_start3A_179] : memref<10240x64xf32, #tpu.memory_space<hbm>> -> memref<10240x64xf32, #tpu.memory_space<hbm>>
          tpu.enqueue_indirect_dma source(%dma_start3A_180 : memref<10240x64xf32, #tpu.memory_space<hbm>>) target(%arg11 : memref<64x64xf32, #tpu.memory_space<vmem>>) offsets(%dma_start3A_177 : memref<64xi32, #tpu.memory_space<vmem>>) semaphore(%arg16 : memref<!tpu.dma_semaphore, #tpu.memory_space<semaphore_mem>>)
        } else {
        }
        "tpu.region"() ({
          %run_scoped3A = tpu.sem_alloc : memref<!tpu.dma_semaphore, #tpu.memory_space<semaphore_mem>>
          %dma_start3A_171 = arith.constant 0 : i32
          %dma_start3A_172 = tpu.memref_slice %arg7[%add3A_103, %dma_start3A_171] : memref<64x64xi32, #tpu.memory_space<vmem>> -> memref<1x64xi32, #tpu.memory_space<vmem>>
          %dma_start3A_173 = tpu.memref_squeeze %dma_start3A_172 : memref<1x64xi32, #tpu.memory_space<vmem>> -> memref<64xi32, #tpu.memory_space<vmem>>
          %dma_start3A_174 = arith.constant 0 : i32
          %dma_start3A_175 = arith.constant 0 : i32
          %dma_start3A_176 = tpu.memref_slice %arg12[%dma_start3A_174, %dma_start3A_175] : memref<10240x64xf32, #tpu.memory_space<vmem_shared>> -> memref<10240x64xf32, #tpu.memory_space<vmem_shared>>
          tpu.enqueue_indirect_dma source(%arg8 : memref<64x64xf32, #tpu.memory_space<vmem>>) target(%dma_start3A_176 : memref<10240x64xf32, #tpu.memory_space<vmem_shared>>) offsets(%dma_start3A_173 : memref<64xi32, #tpu.memory_space<vmem>>) semaphore(%run_scoped3A : memref<!tpu.dma_semaphore, #tpu.memory_space<semaphore_mem>>) {add = true}
          %dma_wait3A_177 = arith.constant 0 : i32
          %dma_wait3A_178 = tpu.memref_slice %arg7[%add3A_103, %dma_wait3A_177] : memref<64x64xi32, #tpu.memory_space<vmem>> -> memref<1x64xi32, #tpu.memory_space<vmem>>
          %dma_wait3A_179 = tpu.memref_squeeze %dma_wait3A_178 : memref<1x64xi32, #tpu.memory_space<vmem>> -> memref<64xi32, #tpu.memory_space<vmem>>
          %dma_wait3A_180 = arith.constant 0 : i32
          %dma_wait3A_181 = arith.constant 0 : i32
          %dma_wait3A_182 = tpu.memref_slice %arg12[%dma_wait3A_180, %dma_wait3A_181] : memref<10240x64xf32, #tpu.memory_space<vmem_shared>> -> memref<10240x64xf32, #tpu.memory_space<vmem_shared>>
          tpu.wait_indirect_dma semaphore(%run_scoped3A : memref<!tpu.dma_semaphore, #tpu.memory_space<semaphore_mem>>) src(%arg8 : memref<64x64xf32, #tpu.memory_space<vmem>>) dst(%dma_wait3A_182 : memref<10240x64xf32, #tpu.memory_space<vmem_shared>>)
          tpu.yield
        }) : () -> ()
        %mul3A_114 = arith.constant 4 : i32
        %mul3A_115 = arith.muli %mul3A_114, %scan3A_99 : i32
        %add3A_116 = arith.constant 1 : i32
        %add3A_117 = arith.addi %mul3A_115, %add3A_116 : i32
        %dma_wait3A_118 = arith.constant 0 : i32
        %dma_wait3A_119 = tpu.memref_slice %arg6[%add3A_117, %dma_wait3A_118] : memref<64x64xi32, #tpu.memory_space<vmem>> -> memref<1x64xi32, #tpu.memory_space<vmem>>
        %dma_wait3A_120 = tpu.memref_squeeze %dma_wait3A_119 : memref<1x64xi32, #tpu.memory_space<vmem>> -> memref<64xi32, #tpu.memory_space<vmem>>
        %dma_wait3A_121 = arith.constant 0 : i32
        %dma_wait3A_122 = arith.constant 0 : i32
        %dma_wait3A_123 = tpu.memref_slice %arg2[%dma_wait3A_121, %dma_wait3A_122] : memref<10240x64xf32, #tpu.memory_space<hbm>> -> memref<10240x64xf32, #tpu.memory_space<hbm>>
        tpu.wait_indirect_dma semaphore(%arg14 : memref<!tpu.dma_semaphore, #tpu.memory_space<semaphore_mem>>) src(%dma_wait3A_123 : memref<10240x64xf32, #tpu.memory_space<hbm>>) dst(%arg9 : memref<64x64xf32, #tpu.memory_space<vmem>>)
        %add3A_124 = arith.constant 4 : i32
        %add3A_125 = arith.addi %add3A_117, %add3A_124 : i32
        %sub3A_126 = arith.constant 1 : i32
        %sub3A_127 = arith.subi %add3A_125, %sub3A_126 : i32
        %lt3A_128 = arith.constant 64 : i32
        %lt3A_129 = arith.cmpi slt, %sub3A_127, %lt3A_128 : i32
        %convert_element_type3A_130 = arith.extui %lt3A_129 : i1 to i32
        %cond3A_131 = arith.constant 0 : i32
        %cond3A_132 = arith.cmpi ne, %convert_element_type3A_130, %cond3A_131 : i32
        scf.if %cond3A_132 {
          %add3A_171 = arith.constant 4 : i32
          %add3A_172 = arith.addi %add3A_117, %add3A_171 : i32
          %sub3A_173 = arith.constant 1 : i32
          %sub3A_174 = arith.subi %add3A_172, %sub3A_173 : i32
          %dma_start3A_175 = arith.constant 0 : i32
          %dma_start3A_176 = tpu.memref_slice %arg6[%sub3A_174, %dma_start3A_175] : memref<64x64xi32, #tpu.memory_space<vmem>> -> memref<1x64xi32, #tpu.memory_space<vmem>>
          %dma_start3A_177 = tpu.memref_squeeze %dma_start3A_176 : memref<1x64xi32, #tpu.memory_space<vmem>> -> memref<64xi32, #tpu.memory_space<vmem>>
          %dma_start3A_178 = arith.constant 0 : i32
          %dma_start3A_179 = arith.constant 0 : i32
          %dma_start3A_180 = tpu.memref_slice %arg2[%dma_start3A_178, %dma_start3A_179] : memref<10240x64xf32, #tpu.memory_space<hbm>> -> memref<10240x64xf32, #tpu.memory_space<hbm>>
          tpu.enqueue_indirect_dma source(%dma_start3A_180 : memref<10240x64xf32, #tpu.memory_space<hbm>>) target(%arg8 : memref<64x64xf32, #tpu.memory_space<vmem>>) offsets(%dma_start3A_177 : memref<64xi32, #tpu.memory_space<vmem>>) semaphore(%arg13 : memref<!tpu.dma_semaphore, #tpu.memory_space<semaphore_mem>>)
        } else {
        }
        "tpu.region"() ({
          %run_scoped3A = tpu.sem_alloc : memref<!tpu.dma_semaphore, #tpu.memory_space<semaphore_mem>>
          %dma_start3A_171 = arith.constant 0 : i32
          %dma_start3A_172 = tpu.memref_slice %arg7[%add3A_117, %dma_start3A_171] : memref<64x64xi32, #tpu.memory_space<vmem>> -> memref<1x64xi32, #tpu.memory_space<vmem>>
          %dma_start3A_173 = tpu.memref_squeeze %dma_start3A_172 : memref<1x64xi32, #tpu.memory_space<vmem>> -> memref<64xi32, #tpu.memory_space<vmem>>
          %dma_start3A_174 = arith.constant 0 : i32
          %dma_start3A_175 = arith.constant 0 : i32
          %dma_start3A_176 = tpu.memref_slice %arg12[%dma_start3A_174, %dma_start3A_175] : memref<10240x64xf32, #tpu.memory_space<vmem_shared>> -> memref<10240x64xf32, #tpu.memory_space<vmem_shared>>
          tpu.enqueue_indirect_dma source(%arg9 : memref<64x64xf32, #tpu.memory_space<vmem>>) target(%dma_start3A_176 : memref<10240x64xf32, #tpu.memory_space<vmem_shared>>) offsets(%dma_start3A_173 : memref<64xi32, #tpu.memory_space<vmem>>) semaphore(%run_scoped3A : memref<!tpu.dma_semaphore, #tpu.memory_space<semaphore_mem>>) {add = true}
          %dma_wait3A_177 = arith.constant 0 : i32
          %dma_wait3A_178 = tpu.memref_slice %arg7[%add3A_117, %dma_wait3A_177] : memref<64x64xi32, #tpu.memory_space<vmem>> -> memref<1x64xi32, #tpu.memory_space<vmem>>
          %dma_wait3A_179 = tpu.memref_squeeze %dma_wait3A_178 : memref<1x64xi32, #tpu.memory_space<vmem>> -> memref<64xi32, #tpu.memory_space<vmem>>
          %dma_wait3A_180 = arith.constant 0 : i32
          %dma_wait3A_181 = arith.constant 0 : i32
          %dma_wait3A_182 = tpu.memref_slice %arg12[%dma_wait3A_180, %dma_wait3A_181] : memref<10240x64xf32, #tpu.memory_space<vmem_shared>> -> memref<10240x64xf32, #tpu.memory_space<vmem_shared>>
          tpu.wait_indirect_dma semaphore(%run_scoped3A : memref<!tpu.dma_semaphore, #tpu.memory_space<semaphore_mem>>) src(%arg9 : memref<64x64xf32, #tpu.memory_space<vmem>>) dst(%dma_wait3A_182 : memref<10240x64xf32, #tpu.memory_space<vmem_shared>>)
          tpu.yield
        }) : () -> ()
        %mul3A_133 = arith.constant 4 : i32
        %mul3A_134 = arith.muli %mul3A_133, %scan3A_99 : i32
        %add3A_135 = arith.constant 2 : i32
        %add3A_136 = arith.addi %mul3A_134, %add3A_135 : i32
        %dma_wait3A_137 = arith.constant 0 : i32
        %dma_wait3A_138 = tpu.memref_slice %arg6[%add3A_136, %dma_wait3A_137] : memref<64x64xi32, #tpu.memory_space<vmem>> -> memref<1x64xi32, #tpu.memory_space<vmem>>
        %dma_wait3A_139 = tpu.memref_squeeze %dma_wait3A_138 : memref<1x64xi32, #tpu.memory_space<vmem>> -> memref<64xi32, #tpu.memory_space<vmem>>
        %dma_wait3A_140 = arith.constant 0 : i32
        %dma_wait3A_141 = arith.constant 0 : i32
        %dma_wait3A_142 = tpu.memref_slice %arg2[%dma_wait3A_140, %dma_wait3A_141] : memref<10240x64xf32, #tpu.memory_space<hbm>> -> memref<10240x64xf32, #tpu.memory_space<hbm>>
        tpu.wait_indirect_dma semaphore(%arg15 : memref<!tpu.dma_semaphore, #tpu.memory_space<semaphore_mem>>) src(%dma_wait3A_142 : memref<10240x64xf32, #tpu.memory_space<hbm>>) dst(%arg10 : memref<64x64xf32, #tpu.memory_space<vmem>>)
        %add3A_143 = arith.constant 4 : i32
        %add3A_144 = arith.addi %add3A_136, %add3A_143 : i32
        %sub3A_145 = arith.constant 1 : i32
        %sub3A_146 = arith.subi %add3A_144, %sub3A_145 : i32
        %lt3A_147 = arith.constant 64 : i32
        %lt3A_148 = arith.cmpi slt, %sub3A_146, %lt3A_147 : i32
        %convert_element_type3A_149 = arith.extui %lt3A_148 : i1 to i32
        %cond3A_150 = arith.constant 0 : i32
        %cond3A_151 = arith.cmpi ne, %convert_element_type3A_149, %cond3A_150 : i32
        scf.if %cond3A_151 {
          %add3A_171 = arith.constant 4 : i32
          %add3A_172 = arith.addi %add3A_136, %add3A_171 : i32
          %sub3A_173 = arith.constant 1 : i32
          %sub3A_174 = arith.subi %add3A_172, %sub3A_173 : i32
          %dma_start3A_175 = arith.constant 0 : i32
          %dma_start3A_176 = tpu.memref_slice %arg6[%sub3A_174, %dma_start3A_175] : memref<64x64xi32, #tpu.memory_space<vmem>> -> memref<1x64xi32, #tpu.memory_space<vmem>>
          %dma_start3A_177 = tpu.memref_squeeze %dma_start3A_176 : memref<1x64xi32, #tpu.memory_space<vmem>> -> memref<64xi32, #tpu.memory_space<vmem>>
          %dma_start3A_178 = arith.constant 0 : i32
          %dma_start3A_179 = arith.constant 0 : i32
          %dma_start3A_180 = tpu.memref_slice %arg2[%dma_start3A_178, %dma_start3A_179] : memref<10240x64xf32, #tpu.memory_space<hbm>> -> memref<10240x64xf32, #tpu.memory_space<hbm>>
          tpu.enqueue_indirect_dma source(%dma_start3A_180 : memref<10240x64xf32, #tpu.memory_space<hbm>>) target(%arg9 : memref<64x64xf32, #tpu.memory_space<vmem>>) offsets(%dma_start3A_177 : memref<64xi32, #tpu.memory_space<vmem>>) semaphore(%arg14 : memref<!tpu.dma_semaphore, #tpu.memory_space<semaphore_mem>>)
        } else {
        }
        "tpu.region"() ({
          %run_scoped3A = tpu.sem_alloc : memref<!tpu.dma_semaphore, #tpu.memory_space<semaphore_mem>>
          %dma_start3A_171 = arith.constant 0 : i32
          %dma_start3A_172 = tpu.memref_slice %arg7[%add3A_136, %dma_start3A_171] : memref<64x64xi32, #tpu.memory_space<vmem>> -> memref<1x64xi32, #tpu.memory_space<vmem>>
          %dma_start3A_173 = tpu.memref_squeeze %dma_start3A_172 : memref<1x64xi32, #tpu.memory_space<vmem>> -> memref<64xi32, #tpu.memory_space<vmem>>
          %dma_start3A_174 = arith.constant 0 : i32
          %dma_start3A_175 = arith.constant 0 : i32
          %dma_start3A_176 = tpu.memref_slice %arg12[%dma_start3A_174, %dma_start3A_175] : memref<10240x64xf32, #tpu.memory_space<vmem_shared>> -> memref<10240x64xf32, #tpu.memory_space<vmem_shared>>
          tpu.enqueue_indirect_dma source(%arg10 : memref<64x64xf32, #tpu.memory_space<vmem>>) target(%dma_start3A_176 : memref<10240x64xf32, #tpu.memory_space<vmem_shared>>) offsets(%dma_start3A_173 : memref<64xi32, #tpu.memory_space<vmem>>) semaphore(%run_scoped3A : memref<!tpu.dma_semaphore, #tpu.memory_space<semaphore_mem>>) {add = true}
          %dma_wait3A_177 = arith.constant 0 : i32
          %dma_wait3A_178 = tpu.memref_slice %arg7[%add3A_136, %dma_wait3A_177] : memref<64x64xi32, #tpu.memory_space<vmem>> -> memref<1x64xi32, #tpu.memory_space<vmem>>
          %dma_wait3A_179 = tpu.memref_squeeze %dma_wait3A_178 : memref<1x64xi32, #tpu.memory_space<vmem>> -> memref<64xi32, #tpu.memory_space<vmem>>
          %dma_wait3A_180 = arith.constant 0 : i32
          %dma_wait3A_181 = arith.constant 0 : i32
          %dma_wait3A_182 = tpu.memref_slice %arg12[%dma_wait3A_180, %dma_wait3A_181] : memref<10240x64xf32, #tpu.memory_space<vmem_shared>> -> memref<10240x64xf32, #tpu.memory_space<vmem_shared>>
          tpu.wait_indirect_dma semaphore(%run_scoped3A : memref<!tpu.dma_semaphore, #tpu.memory_space<semaphore_mem>>) src(%arg10 : memref<64x64xf32, #tpu.memory_space<vmem>>) dst(%dma_wait3A_182 : memref<10240x64xf32, #tpu.memory_space<vmem_shared>>)
          tpu.yield
        }) : () -> ()
        %mul3A_152 = arith.constant 4 : i32
        %mul3A_153 = arith.muli %mul3A_152, %scan3A_99 : i32
        %add3A_154 = arith.constant 3 : i32
        %add3A_155 = arith.addi %mul3A_153, %add3A_154 : i32
        %dma_wait3A_156 = arith.constant 0 : i32
        %dma_wait3A_157 = tpu.memref_slice %arg6[%add3A_155, %dma_wait3A_156] : memref<64x64xi32, #tpu.memory_space<vmem>> -> memref<1x64xi32, #tpu.memory_space<vmem>>
        %dma_wait3A_158 = tpu.memref_squeeze %dma_wait3A_157 : memref<1x64xi32, #tpu.memory_space<vmem>> -> memref<64xi32, #tpu.memory_space<vmem>>
        %dma_wait3A_159 = arith.constant 0 : i32
        %dma_wait3A_160 = arith.constant 0 : i32
        %dma_wait3A_161 = tpu.memref_slice %arg2[%dma_wait3A_159, %dma_wait3A_160] : memref<10240x64xf32, #tpu.memory_space<hbm>> -> memref<10240x64xf32, #tpu.memory_space<hbm>>
        tpu.wait_indirect_dma semaphore(%arg16 : memref<!tpu.dma_semaphore, #tpu.memory_space<semaphore_mem>>) src(%dma_wait3A_161 : memref<10240x64xf32, #tpu.memory_space<hbm>>) dst(%arg11 : memref<64x64xf32, #tpu.memory_space<vmem>>)
        %add3A_162 = arith.constant 4 : i32
        %add3A_163 = arith.addi %add3A_155, %add3A_162 : i32
        %sub3A_164 = arith.constant 1 : i32
        %sub3A_165 = arith.subi %add3A_163, %sub3A_164 : i32
        %lt3A_166 = arith.constant 64 : i32
        %lt3A_167 = arith.cmpi slt, %sub3A_165, %lt3A_166 : i32
        %convert_element_type3A_168 = arith.extui %lt3A_167 : i1 to i32
        %cond3A_169 = arith.constant 0 : i32
        %cond3A_170 = arith.cmpi ne, %convert_element_type3A_168, %cond3A_169 : i32
        scf.if %cond3A_170 {
          %add3A_171 = arith.constant 4 : i32
          %add3A_172 = arith.addi %add3A_155, %add3A_171 : i32
          %sub3A_173 = arith.constant 1 : i32
          %sub3A_174 = arith.subi %add3A_172, %sub3A_173 : i32
          %dma_start3A_175 = arith.constant 0 : i32
          %dma_start3A_176 = tpu.memref_slice %arg6[%sub3A_174, %dma_start3A_175] : memref<64x64xi32, #tpu.memory_space<vmem>> -> memref<1x64xi32, #tpu.memory_space<vmem>>
          %dma_start3A_177 = tpu.memref_squeeze %dma_start3A_176 : memref<1x64xi32, #tpu.memory_space<vmem>> -> memref<64xi32, #tpu.memory_space<vmem>>
          %dma_start3A_178 = arith.constant 0 : i32
          %dma_start3A_179 = arith.constant 0 : i32
          %dma_start3A_180 = tpu.memref_slice %arg2[%dma_start3A_178, %dma_start3A_179] : memref<10240x64xf32, #tpu.memory_space<hbm>> -> memref<10240x64xf32, #tpu.memory_space<hbm>>
          tpu.enqueue_indirect_dma source(%dma_start3A_180 : memref<10240x64xf32, #tpu.memory_space<hbm>>) target(%arg10 : memref<64x64xf32, #tpu.memory_space<vmem>>) offsets(%dma_start3A_177 : memref<64xi32, #tpu.memory_space<vmem>>) semaphore(%arg15 : memref<!tpu.dma_semaphore, #tpu.memory_space<semaphore_mem>>)
        } else {
        }
        "tpu.region"() ({
          %run_scoped3A = tpu.sem_alloc : memref<!tpu.dma_semaphore, #tpu.memory_space<semaphore_mem>>
          %dma_start3A_171 = arith.constant 0 : i32
          %dma_start3A_172 = tpu.memref_slice %arg7[%add3A_155, %dma_start3A_171] : memref<64x64xi32, #tpu.memory_space<vmem>> -> memref<1x64xi32, #tpu.memory_space<vmem>>
          %dma_start3A_173 = tpu.memref_squeeze %dma_start3A_172 : memref<1x64xi32, #tpu.memory_space<vmem>> -> memref<64xi32, #tpu.memory_space<vmem>>
          %dma_start3A_174 = arith.constant 0 : i32
          %dma_start3A_175 = arith.constant 0 : i32
          %dma_start3A_176 = tpu.memref_slice %arg12[%dma_start3A_174, %dma_start3A_175] : memref<10240x64xf32, #tpu.memory_space<vmem_shared>> -> memref<10240x64xf32, #tpu.memory_space<vmem_shared>>
          tpu.enqueue_indirect_dma source(%arg11 : memref<64x64xf32, #tpu.memory_space<vmem>>) target(%dma_start3A_176 : memref<10240x64xf32, #tpu.memory_space<vmem_shared>>) offsets(%dma_start3A_173 : memref<64xi32, #tpu.memory_space<vmem>>) semaphore(%run_scoped3A : memref<!tpu.dma_semaphore, #tpu.memory_space<semaphore_mem>>) {add = true}
          %dma_wait3A_177 = arith.constant 0 : i32
          %dma_wait3A_178 = tpu.memref_slice %arg7[%add3A_155, %dma_wait3A_177] : memref<64x64xi32, #tpu.memory_space<vmem>> -> memref<1x64xi32, #tpu.memory_space<vmem>>
          %dma_wait3A_179 = tpu.memref_squeeze %dma_wait3A_178 : memref<1x64xi32, #tpu.memory_space<vmem>> -> memref<64xi32, #tpu.memory_space<vmem>>
          %dma_wait3A_180 = arith.constant 0 : i32
          %dma_wait3A_181 = arith.constant 0 : i32
          %dma_wait3A_182 = tpu.memref_slice %arg12[%dma_wait3A_180, %dma_wait3A_181] : memref<10240x64xf32, #tpu.memory_space<vmem_shared>> -> memref<10240x64xf32, #tpu.memory_space<vmem_shared>>
          tpu.wait_indirect_dma semaphore(%run_scoped3A : memref<!tpu.dma_semaphore, #tpu.memory_space<semaphore_mem>>) src(%arg11 : memref<64x64xf32, #tpu.memory_space<vmem>>) dst(%dma_wait3A_182 : memref<10240x64xf32, #tpu.memory_space<vmem_shared>>)
          tpu.yield
        }) : () -> ()
      }
      %scan3A_98 = arith.constant 16 : i32
    }
    %while3A_61 = arith.constant 1 : i32
    scf.for %while3A_67 = %while3A_59 to %while3A_55 step %while3A_61  : i32 {
      %mul3A_68 = arith.constant 64 : i32
      %mul3A_69 = arith.muli %while3A_67, %mul3A_68 : i32
      %add3A_70 = arith.addi %select_n3A_53, %mul3A_69 : i32
      "tpu.region"() ({
        %run_scoped3A = tpu.sem_alloc : memref<!tpu.dma_semaphore, #tpu.memory_space<semaphore_mem>>
        %dma_start3A_99 = arith.constant 0 : i32
        %dma_start3A_100 = tpu.memref_slice %arg3[%add3A_70, %dma_start3A_99] : memref<5120x64xi32, #tpu.memory_space<hbm>> -> memref<64x64xi32, #tpu.memory_space<hbm>>
        %dma_start3A_101 = arith.constant 0 : i32
        %dma_start3A_102 = tpu.memref_slice %arg3[%add3A_70, %dma_start3A_101] : memref<5120x64xi32, #tpu.memory_space<hbm>> -> memref<64x64xi32, #tpu.memory_space<hbm>>
        tpu.enqueue_dma source(%dma_start3A_102 : memref<64x64xi32, #tpu.memory_space<hbm>>) target(%arg6 : memref<64x64xi32, #tpu.memory_space<vmem>>) target_semaphore(%run_scoped3A : memref<!tpu.dma_semaphore, #tpu.memory_space<semaphore_mem>>)
        %dma_wait3A = arith.constant 0 : i32
        %dma_wait3A_103 = tpu.memref_slice %arg3[%add3A_70, %dma_wait3A] : memref<5120x64xi32, #tpu.memory_space<hbm>> -> memref<64x64xi32, #tpu.memory_space<hbm>>
        %dma_wait3A_104 = arith.constant 0 : i32
        %dma_wait3A_105 = tpu.memref_slice %arg3[%add3A_70, %dma_wait3A_104] : memref<5120x64xi32, #tpu.memory_space<hbm>> -> memref<64x64xi32, #tpu.memory_space<hbm>>
        tpu.wait_dma2 semaphore(%run_scoped3A : memref<!tpu.dma_semaphore, #tpu.memory_space<semaphore_mem>>) src(%dma_wait3A_105 : memref<64x64xi32, #tpu.memory_space<hbm>>) dst(%arg6 : memref<64x64xi32, #tpu.memory_space<vmem>>)
        tpu.yield
      }) : () -> ()
      %mul3A_71 = arith.constant 64 : i32
      %mul3A_72 = arith.muli %while3A_67, %mul3A_71 : i32
      %add3A_73 = arith.addi %select_n3A_53, %mul3A_72 : i32
      "tpu.region"() ({
        %run_scoped3A = tpu.sem_alloc : memref<!tpu.dma_semaphore, #tpu.memory_space<semaphore_mem>>
        %dma_start3A_99 = arith.constant 0 : i32
        %dma_start3A_100 = tpu.memref_slice %arg4[%add3A_73, %dma_start3A_99] : memref<5120x64xi32, #tpu.memory_space<hbm>> -> memref<64x64xi32, #tpu.memory_space<hbm>>
        %dma_start3A_101 = arith.constant 0 : i32
        %dma_start3A_102 = tpu.memref_slice %arg4[%add3A_73, %dma_start3A_101] : memref<5120x64xi32, #tpu.memory_space<hbm>> -> memref<64x64xi32, #tpu.memory_space<hbm>>
        tpu.enqueue_dma source(%dma_start3A_102 : memref<64x64xi32, #tpu.memory_space<hbm>>) target(%arg7 : memref<64x64xi32, #tpu.memory_space<vmem>>) target_semaphore(%run_scoped3A : memref<!tpu.dma_semaphore, #tpu.memory_space<semaphore_mem>>)
        %dma_wait3A = arith.constant 0 : i32
        %dma_wait3A_103 = tpu.memref_slice %arg4[%add3A_73, %dma_wait3A] : memref<5120x64xi32, #tpu.memory_space<hbm>> -> memref<64x64xi32, #tpu.memory_space<hbm>>
        %dma_wait3A_104 = arith.constant 0 : i32
        %dma_wait3A_105 = tpu.memref_slice %arg4[%add3A_73, %dma_wait3A_104] : memref<5120x64xi32, #tpu.memory_space<hbm>> -> memref<64x64xi32, #tpu.memory_space<hbm>>
        tpu.wait_dma2 semaphore(%run_scoped3A : memref<!tpu.dma_semaphore, #tpu.memory_space<semaphore_mem>>) src(%dma_wait3A_105 : memref<64x64xi32, #tpu.memory_space<hbm>>) dst(%arg7 : memref<64x64xi32, #tpu.memory_space<vmem>>)
        tpu.yield
      }) : () -> ()
      %dma_start3A = arith.constant 0 : i32
      %dma_start3A_74 = arith.constant 0 : i32
      %dma_start3A_75 = tpu.memref_slice %arg6[%dma_start3A, %dma_start3A_74] : memref<64x64xi32, #tpu.memory_space<vmem>> -> memref<1x64xi32, #tpu.memory_space<vmem>>
      %dma_start3A_76 = tpu.memref_squeeze %dma_start3A_75 : memref<1x64xi32, #tpu.memory_space<vmem>> -> memref<64xi32, #tpu.memory_space<vmem>>
      %dma_start3A_77 = arith.constant 0 : i32
      %dma_start3A_78 = arith.constant 0 : i32
      %dma_start3A_79 = tpu.memref_slice %arg2[%dma_start3A_77, %dma_start3A_78] : memref<10240x64xf32, #tpu.memory_space<hbm>> -> memref<10240x64xf32, #tpu.memory_space<hbm>>
      tpu.enqueue_indirect_dma source(%dma_start3A_79 : memref<10240x64xf32, #tpu.memory_space<hbm>>) target(%arg8 : memref<64x64xf32, #tpu.memory_space<vmem>>) offsets(%dma_start3A_76 : memref<64xi32, #tpu.memory_space<vmem>>) semaphore(%arg13 : memref<!tpu.dma_semaphore, #tpu.memory_space<semaphore_mem>>)
      %dma_start3A_80 = arith.constant 1 : i32
      %dma_start3A_81 = arith.constant 0 : i32
      %dma_start3A_82 = tpu.memref_slice %arg6[%dma_start3A_80, %dma_start3A_81] : memref<64x64xi32, #tpu.memory_space<vmem>> -> memref<1x64xi32, #tpu.memory_space<vmem>>
      %dma_start3A_83 = tpu.memref_squeeze %dma_start3A_82 : memref<1x64xi32, #tpu.memory_space<vmem>> -> memref<64xi32, #tpu.memory_space<vmem>>
      %dma_start3A_84 = arith.constant 0 : i32
      %dma_start3A_85 = arith.constant 0 : i32
      %dma_start3A_86 = tpu.memref_slice %arg2[%dma_start3A_84, %dma_start3A_85] : memref<10240x64xf32, #tpu.memory_space<hbm>> -> memref<10240x64xf32, #tpu.memory_space<hbm>>
      tpu.enqueue_indirect_dma source(%dma_start3A_86 : memref<10240x64xf32, #tpu.memory_space<hbm>>) target(%arg9 : memref<64x64xf32, #tpu.memory_space<vmem>>) offsets(%dma_start3A_83 : memref<64xi32, #tpu.memory_space<vmem>>) semaphore(%arg14 : memref<!tpu.dma_semaphore, #tpu.memory_space<semaphore_mem>>)
      %dma_start3A_87 = arith.constant 2 : i32
      %dma_start3A_88 = arith.constant 0 : i32
      %dma_start3A_89 = tpu.memref_slice %arg6[%dma_start3A_87, %dma_start3A_88] : memref<64x64xi32, #tpu.memory_space<vmem>> -> memref<1x64xi32, #tpu.memory_space<vmem>>
      %dma_start3A_90 = tpu.memref_squeeze %dma_start3A_89 : memref<1x64xi32, #tpu.memory_space<vmem>> -> memref<64xi32, #tpu.memory_space<vmem>>
      %dma_start3A_91 = arith.constant 0 : i32
      %dma_start3A_92 = arith.constant 0 : i32
      %dma_start3A_93 = tpu.memref_slice %arg2[%dma_start3A_91, %dma_start3A_92] : memref<10240x64xf32, #tpu.memory_space<hbm>> -> memref<10240x64xf32, #tpu.memory_space<hbm>>
      tpu.enqueue_indirect_dma source(%dma_start3A_93 : memref<10240x64xf32, #tpu.memory_space<hbm>>) target(%arg10 : memref<64x64xf32, #tpu.memory_space<vmem>>) offsets(%dma_start3A_90 : memref<64xi32, #tpu.memory_space<vmem>>) semaphore(%arg15 : memref<!tpu.dma_semaphore, #tpu.memory_space<semaphore_mem>>)
      %scan3A_94 = arith.constant 0 : i32
      %scan3A_95 = arith.constant 16 : i32
      %scan3A_96 = arith.addi %scan3A_94, %scan3A_95 : i32
      %scan3A_97 = arith.constant 1 : i32
      scf.for %scan3A_99 = %scan3A_94 to %scan3A_96 step %scan3A_97  : i32 {
        %mul3A_100 = arith.constant 4 : i32
        %mul3A_101 = arith.muli %mul3A_100, %scan3A_99 : i32
        %add3A_102 = arith.constant 0 : i32
        %add3A_103 = arith.addi %mul3A_101, %add3A_102 : i32
        %dma_wait3A = arith.constant 0 : i32
        %dma_wait3A_104 = tpu.memref_slice %arg6[%add3A_103, %dma_wait3A] : memref<64x64xi32, #tpu.memory_space<vmem>> -> memref<1x64xi32, #tpu.memory_space<vmem>>
        %dma_wait3A_105 = tpu.memref_squeeze %dma_wait3A_104 : memref<1x64xi32, #tpu.memory_space<vmem>> -> memref<64xi32, #tpu.memory_space<vmem>>
        %dma_wait3A_106 = arith.constant 0 : i32
        %dma_wait3A_107 = arith.constant 0 : i32
        %dma_wait3A_108 = tpu.memref_slice %arg2[%dma_wait3A_106, %dma_wait3A_107] : memref<10240x64xf32, #tpu.memory_space<hbm>> -> memref<10240x64xf32, #tpu.memory_space<hbm>>
        tpu.wait_indirect_dma semaphore(%arg13 : memref<!tpu.dma_semaphore, #tpu.memory_space<semaphore_mem>>) src(%dma_wait3A_108 : memref<10240x64xf32, #tpu.memory_space<hbm>>) dst(%arg8 : memref<64x64xf32, #tpu.memory_space<vmem>>)
        %add3A_109 = arith.constant 4 : i32
        %add3A_110 = arith.addi %add3A_103, %add3A_109 : i32
        %sub3A = arith.constant 1 : i32
        %sub3A_111 = arith.subi %add3A_110, %sub3A : i32
        %lt3A = arith.constant 64 : i32
        %lt3A_112 = arith.cmpi slt, %sub3A_111, %lt3A : i32
        %convert_element_type3A = arith.extui %lt3A_112 : i1 to i32
        %cond3A = arith.constant 0 : i32
        %cond3A_113 = arith.cmpi ne, %convert_element_type3A, %cond3A : i32
        scf.if %cond3A_113 {
          %add3A_171 = arith.constant 4 : i32
          %add3A_172 = arith.addi %add3A_103, %add3A_171 : i32
          %sub3A_173 = arith.constant 1 : i32
          %sub3A_174 = arith.subi %add3A_172, %sub3A_173 : i32
          %dma_start3A_175 = arith.constant 0 : i32
          %dma_start3A_176 = tpu.memref_slice %arg6[%sub3A_174, %dma_start3A_175] : memref<64x64xi32, #tpu.memory_space<vmem>> -> memref<1x64xi32, #tpu.memory_space<vmem>>
          %dma_start3A_177 = tpu.memref_squeeze %dma_start3A_176 : memref<1x64xi32, #tpu.memory_space<vmem>> -> memref<64xi32, #tpu.memory_space<vmem>>
          %dma_start3A_178 = arith.constant 0 : i32
          %dma_start3A_179 = arith.constant 0 : i32
          %dma_start3A_180 = tpu.memref_slice %arg2[%dma_start3A_178, %dma_start3A_179] : memref<10240x64xf32, #tpu.memory_space<hbm>> -> memref<10240x64xf32, #tpu.memory_space<hbm>>
          tpu.enqueue_indirect_dma source(%dma_start3A_180 : memref<10240x64xf32, #tpu.memory_space<hbm>>) target(%arg11 : memref<64x64xf32, #tpu.memory_space<vmem>>) offsets(%dma_start3A_177 : memref<64xi32, #tpu.memory_space<vmem>>) semaphore(%arg16 : memref<!tpu.dma_semaphore, #tpu.memory_space<semaphore_mem>>)
        } else {
        }
        "tpu.region"() ({
          %run_scoped3A = tpu.sem_alloc : memref<!tpu.dma_semaphore, #tpu.memory_space<semaphore_mem>>
          %dma_start3A_171 = arith.constant 0 : i32
          %dma_start3A_172 = tpu.memref_slice %arg7[%add3A_103, %dma_start3A_171] : memref<64x64xi32, #tpu.memory_space<vmem>> -> memref<1x64xi32, #tpu.memory_space<vmem>>
          %dma_start3A_173 = tpu.memref_squeeze %dma_start3A_172 : memref<1x64xi32, #tpu.memory_space<vmem>> -> memref<64xi32, #tpu.memory_space<vmem>>
          %dma_start3A_174 = arith.constant 0 : i32
          %dma_start3A_175 = arith.constant 0 : i32
          %dma_start3A_176 = tpu.memref_slice %arg12[%dma_start3A_174, %dma_start3A_175] : memref<10240x64xf32, #tpu.memory_space<vmem_shared>> -> memref<10240x64xf32, #tpu.memory_space<vmem_shared>>
          tpu.enqueue_indirect_dma source(%arg8 : memref<64x64xf32, #tpu.memory_space<vmem>>) target(%dma_start3A_176 : memref<10240x64xf32, #tpu.memory_space<vmem_shared>>) offsets(%dma_start3A_173 : memref<64xi32, #tpu.memory_space<vmem>>) semaphore(%run_scoped3A : memref<!tpu.dma_semaphore, #tpu.memory_space<semaphore_mem>>) {add = true}
          %dma_wait3A_177 = arith.constant 0 : i32
          %dma_wait3A_178 = tpu.memref_slice %arg7[%add3A_103, %dma_wait3A_177] : memref<64x64xi32, #tpu.memory_space<vmem>> -> memref<1x64xi32, #tpu.memory_space<vmem>>
          %dma_wait3A_179 = tpu.memref_squeeze %dma_wait3A_178 : memref<1x64xi32, #tpu.memory_space<vmem>> -> memref<64xi32, #tpu.memory_space<vmem>>
          %dma_wait3A_180 = arith.constant 0 : i32
          %dma_wait3A_181 = arith.constant 0 : i32
          %dma_wait3A_182 = tpu.memref_slice %arg12[%dma_wait3A_180, %dma_wait3A_181] : memref<10240x64xf32, #tpu.memory_space<vmem_shared>> -> memref<10240x64xf32, #tpu.memory_space<vmem_shared>>
          tpu.wait_indirect_dma semaphore(%run_scoped3A : memref<!tpu.dma_semaphore, #tpu.memory_space<semaphore_mem>>) src(%arg8 : memref<64x64xf32, #tpu.memory_space<vmem>>) dst(%dma_wait3A_182 : memref<10240x64xf32, #tpu.memory_space<vmem_shared>>)
          tpu.yield
        }) : () -> ()
        %mul3A_114 = arith.constant 4 : i32
        %mul3A_115 = arith.muli %mul3A_114, %scan3A_99 : i32
        %add3A_116 = arith.constant 1 : i32
        %add3A_117 = arith.addi %mul3A_115, %add3A_116 : i32
        %dma_wait3A_118 = arith.constant 0 : i32
        %dma_wait3A_119 = tpu.memref_slice %arg6[%add3A_117, %dma_wait3A_118] : memref<64x64xi32, #tpu.memory_space<vmem>> -> memref<1x64xi32, #tpu.memory_space<vmem>>
        %dma_wait3A_120 = tpu.memref_squeeze %dma_wait3A_119 : memref<1x64xi32, #tpu.memory_space<vmem>> -> memref<64xi32, #tpu.memory_space<vmem>>
        %dma_wait3A_121 = arith.constant 0 : i32
        %dma_wait3A_122 = arith.constant 0 : i32
        %dma_wait3A_123 = tpu.memref_slice %arg2[%dma_wait3A_121, %dma_wait3A_122] : memref<10240x64xf32, #tpu.memory_space<hbm>> -> memref<10240x64xf32, #tpu.memory_space<hbm>>
        tpu.wait_indirect_dma semaphore(%arg14 : memref<!tpu.dma_semaphore, #tpu.memory_space<semaphore_mem>>) src(%dma_wait3A_123 : memref<10240x64xf32, #tpu.memory_space<hbm>>) dst(%arg9 : memref<64x64xf32, #tpu.memory_space<vmem>>)
        %add3A_124 = arith.constant 4 : i32
        %add3A_125 = arith.addi %add3A_117, %add3A_124 : i32
        %sub3A_126 = arith.constant 1 : i32
        %sub3A_127 = arith.subi %add3A_125, %sub3A_126 : i32
        %lt3A_128 = arith.constant 64 : i32
        %lt3A_129 = arith.cmpi slt, %sub3A_127, %lt3A_128 : i32
        %convert_element_type3A_130 = arith.extui %lt3A_129 : i1 to i32
        %cond3A_131 = arith.constant 0 : i32
        %cond3A_132 = arith.cmpi ne, %convert_element_type3A_130, %cond3A_131 : i32
        scf.if %cond3A_132 {
          %add3A_171 = arith.constant 4 : i32
          %add3A_172 = arith.addi %add3A_117, %add3A_171 : i32
          %sub3A_173 = arith.constant 1 : i32
          %sub3A_174 = arith.subi %add3A_172, %sub3A_173 : i32
          %dma_start3A_175 = arith.constant 0 : i32
          %dma_start3A_176 = tpu.memref_slice %arg6[%sub3A_174, %dma_start3A_175] : memref<64x64xi32, #tpu.memory_space<vmem>> -> memref<1x64xi32, #tpu.memory_space<vmem>>
          %dma_start3A_177 = tpu.memref_squeeze %dma_start3A_176 : memref<1x64xi32, #tpu.memory_space<vmem>> -> memref<64xi32, #tpu.memory_space<vmem>>
          %dma_start3A_178 = arith.constant 0 : i32
          %dma_start3A_179 = arith.constant 0 : i32
          %dma_start3A_180 = tpu.memref_slice %arg2[%dma_start3A_178, %dma_start3A_179] : memref<10240x64xf32, #tpu.memory_space<hbm>> -> memref<10240x64xf32, #tpu.memory_space<hbm>>
          tpu.enqueue_indirect_dma source(%dma_start3A_180 : memref<10240x64xf32, #tpu.memory_space<hbm>>) target(%arg8 : memref<64x64xf32, #tpu.memory_space<vmem>>) offsets(%dma_start3A_177 : memref<64xi32, #tpu.memory_space<vmem>>) semaphore(%arg13 : memref<!tpu.dma_semaphore, #tpu.memory_space<semaphore_mem>>)
        } else {
        }
        "tpu.region"() ({
          %run_scoped3A = tpu.sem_alloc : memref<!tpu.dma_semaphore, #tpu.memory_space<semaphore_mem>>
          %dma_start3A_171 = arith.constant 0 : i32
          %dma_start3A_172 = tpu.memref_slice %arg7[%add3A_117, %dma_start3A_171] : memref<64x64xi32, #tpu.memory_space<vmem>> -> memref<1x64xi32, #tpu.memory_space<vmem>>
          %dma_start3A_173 = tpu.memref_squeeze %dma_start3A_172 : memref<1x64xi32, #tpu.memory_space<vmem>> -> memref<64xi32, #tpu.memory_space<vmem>>
          %dma_start3A_174 = arith.constant 0 : i32
          %dma_start3A_175 = arith.constant 0 : i32
          %dma_start3A_176 = tpu.memref_slice %arg12[%dma_start3A_174, %dma_start3A_175] : memref<10240x64xf32, #tpu.memory_space<vmem_shared>> -> memref<10240x64xf32, #tpu.memory_space<vmem_shared>>
          tpu.enqueue_indirect_dma source(%arg9 : memref<64x64xf32, #tpu.memory_space<vmem>>) target(%dma_start3A_176 : memref<10240x64xf32, #tpu.memory_space<vmem_shared>>) offsets(%dma_start3A_173 : memref<64xi32, #tpu.memory_space<vmem>>) semaphore(%run_scoped3A : memref<!tpu.dma_semaphore, #tpu.memory_space<semaphore_mem>>) {add = true}
          %dma_wait3A_177 = arith.constant 0 : i32
          %dma_wait3A_178 = tpu.memref_slice %arg7[%add3A_117, %dma_wait3A_177] : memref<64x64xi32, #tpu.memory_space<vmem>> -> memref<1x64xi32, #tpu.memory_space<vmem>>
          %dma_wait3A_179 = tpu.memref_squeeze %dma_wait3A_178 : memref<1x64xi32, #tpu.memory_space<vmem>> -> memref<64xi32, #tpu.memory_space<vmem>>
          %dma_wait3A_180 = arith.constant 0 : i32
          %dma_wait3A_181 = arith.constant 0 : i32
          %dma_wait3A_182 = tpu.memref_slice %arg12[%dma_wait3A_180, %dma_wait3A_181] : memref<10240x64xf32, #tpu.memory_space<vmem_shared>> -> memref<10240x64xf32, #tpu.memory_space<vmem_shared>>
          tpu.wait_indirect_dma semaphore(%run_scoped3A : memref<!tpu.dma_semaphore, #tpu.memory_space<semaphore_mem>>) src(%arg9 : memref<64x64xf32, #tpu.memory_space<vmem>>) dst(%dma_wait3A_182 : memref<10240x64xf32, #tpu.memory_space<vmem_shared>>)
          tpu.yield
        }) : () -> ()
        %mul3A_133 = arith.constant 4 : i32
        %mul3A_134 = arith.muli %mul3A_133, %scan3A_99 : i32
        %add3A_135 = arith.constant 2 : i32
        %add3A_136 = arith.addi %mul3A_134, %add3A_135 : i32
        %dma_wait3A_137 = arith.constant 0 : i32
        %dma_wait3A_138 = tpu.memref_slice %arg6[%add3A_136, %dma_wait3A_137] : memref<64x64xi32, #tpu.memory_space<vmem>> -> memref<1x64xi32, #tpu.memory_space<vmem>>
        %dma_wait3A_139 = tpu.memref_squeeze %dma_wait3A_138 : memref<1x64xi32, #tpu.memory_space<vmem>> -> memref<64xi32, #tpu.memory_space<vmem>>
        %dma_wait3A_140 = arith.constant 0 : i32
        %dma_wait3A_141 = arith.constant 0 : i32
        %dma_wait3A_142 = tpu.memref_slice %arg2[%dma_wait3A_140, %dma_wait3A_141] : memref<10240x64xf32, #tpu.memory_space<hbm>> -> memref<10240x64xf32, #tpu.memory_space<hbm>>
        tpu.wait_indirect_dma semaphore(%arg15 : memref<!tpu.dma_semaphore, #tpu.memory_space<semaphore_mem>>) src(%dma_wait3A_142 : memref<10240x64xf32, #tpu.memory_space<hbm>>) dst(%arg10 : memref<64x64xf32, #tpu.memory_space<vmem>>)
        %add3A_143 = arith.constant 4 : i32
        %add3A_144 = arith.addi %add3A_136, %add3A_143 : i32
        %sub3A_145 = arith.constant 1 : i32
        %sub3A_146 = arith.subi %add3A_144, %sub3A_145 : i32
        %lt3A_147 = arith.constant 64 : i32
        %lt3A_148 = arith.cmpi slt, %sub3A_146, %lt3A_147 : i32
        %convert_element_type3A_149 = arith.extui %lt3A_148 : i1 to i32
        %cond3A_150 = arith.constant 0 : i32
        %cond3A_151 = arith.cmpi ne, %convert_element_type3A_149, %cond3A_150 : i32
        scf.if %cond3A_151 {
          %add3A_171 = arith.constant 4 : i32
          %add3A_172 = arith.addi %add3A_136, %add3A_171 : i32
          %sub3A_173 = arith.constant 1 : i32
          %sub3A_174 = arith.subi %add3A_172, %sub3A_173 : i32
          %dma_start3A_175 = arith.constant 0 : i32
          %dma_start3A_176 = tpu.memref_slice %arg6[%sub3A_174, %dma_start3A_175] : memref<64x64xi32, #tpu.memory_space<vmem>> -> memref<1x64xi32, #tpu.memory_space<vmem>>
          %dma_start3A_177 = tpu.memref_squeeze %dma_start3A_176 : memref<1x64xi32, #tpu.memory_space<vmem>> -> memref<64xi32, #tpu.memory_space<vmem>>
          %dma_start3A_178 = arith.constant 0 : i32
          %dma_start3A_179 = arith.constant 0 : i32
          %dma_start3A_180 = tpu.memref_slice %arg2[%dma_start3A_178, %dma_start3A_179] : memref<10240x64xf32, #tpu.memory_space<hbm>> -> memref<10240x64xf32, #tpu.memory_space<hbm>>
          tpu.enqueue_indirect_dma source(%dma_start3A_180 : memref<10240x64xf32, #tpu.memory_space<hbm>>) target(%arg9 : memref<64x64xf32, #tpu.memory_space<vmem>>) offsets(%dma_start3A_177 : memref<64xi32, #tpu.memory_space<vmem>>) semaphore(%arg14 : memref<!tpu.dma_semaphore, #tpu.memory_space<semaphore_mem>>)
        } else {
        }
        "tpu.region"() ({
          %run_scoped3A = tpu.sem_alloc : memref<!tpu.dma_semaphore, #tpu.memory_space<semaphore_mem>>
          %dma_start3A_171 = arith.constant 0 : i32
          %dma_start3A_172 = tpu.memref_slice %arg7[%add3A_136, %dma_start3A_171] : memref<64x64xi32, #tpu.memory_space<vmem>> -> memref<1x64xi32, #tpu.memory_space<vmem>>
          %dma_start3A_173 = tpu.memref_squeeze %dma_start3A_172 : memref<1x64xi32, #tpu.memory_space<vmem>> -> memref<64xi32, #tpu.memory_space<vmem>>
          %dma_start3A_174 = arith.constant 0 : i32
          %dma_start3A_175 = arith.constant 0 : i32
          %dma_start3A_176 = tpu.memref_slice %arg12[%dma_start3A_174, %dma_start3A_175] : memref<10240x64xf32, #tpu.memory_space<vmem_shared>> -> memref<10240x64xf32, #tpu.memory_space<vmem_shared>>
          tpu.enqueue_indirect_dma source(%arg10 : memref<64x64xf32, #tpu.memory_space<vmem>>) target(%dma_start3A_176 : memref<10240x64xf32, #tpu.memory_space<vmem_shared>>) offsets(%dma_start3A_173 : memref<64xi32, #tpu.memory_space<vmem>>) semaphore(%run_scoped3A : memref<!tpu.dma_semaphore, #tpu.memory_space<semaphore_mem>>) {add = true}
          %dma_wait3A_177 = arith.constant 0 : i32
          %dma_wait3A_178 = tpu.memref_slice %arg7[%add3A_136, %dma_wait3A_177] : memref<64x64xi32, #tpu.memory_space<vmem>> -> memref<1x64xi32, #tpu.memory_space<vmem>>
          %dma_wait3A_179 = tpu.memref_squeeze %dma_wait3A_178 : memref<1x64xi32, #tpu.memory_space<vmem>> -> memref<64xi32, #tpu.memory_space<vmem>>
          %dma_wait3A_180 = arith.constant 0 : i32
          %dma_wait3A_181 = arith.constant 0 : i32
          %dma_wait3A_182 = tpu.memref_slice %arg12[%dma_wait3A_180, %dma_wait3A_181] : memref<10240x64xf32, #tpu.memory_space<vmem_shared>> -> memref<10240x64xf32, #tpu.memory_space<vmem_shared>>
          tpu.wait_indirect_dma semaphore(%run_scoped3A : memref<!tpu.dma_semaphore, #tpu.memory_space<semaphore_mem>>) src(%arg10 : memref<64x64xf32, #tpu.memory_space<vmem>>) dst(%dma_wait3A_182 : memref<10240x64xf32, #tpu.memory_space<vmem_shared>>)
          tpu.yield
        }) : () -> ()
        %mul3A_152 = arith.constant 4 : i32
        %mul3A_153 = arith.muli %mul3A_152, %scan3A_99 : i32
        %add3A_154 = arith.constant 3 : i32
        %add3A_155 = arith.addi %mul3A_153, %add3A_154 : i32
        %dma_wait3A_156 = arith.constant 0 : i32
        %dma_wait3A_157 = tpu.memref_slice %arg6[%add3A_155, %dma_wait3A_156] : memref<64x64xi32, #tpu.memory_space<vmem>> -> memref<1x64xi32, #tpu.memory_space<vmem>>
        %dma_wait3A_158 = tpu.memref_squeeze %dma_wait3A_157 : memref<1x64xi32, #tpu.memory_space<vmem>> -> memref<64xi32, #tpu.memory_space<vmem>>
        %dma_wait3A_159 = arith.constant 0 : i32
        %dma_wait3A_160 = arith.constant 0 : i32
        %dma_wait3A_161 = tpu.memref_slice %arg2[%dma_wait3A_159, %dma_wait3A_160] : memref<10240x64xf32, #tpu.memory_space<hbm>> -> memref<10240x64xf32, #tpu.memory_space<hbm>>
        tpu.wait_indirect_dma semaphore(%arg16 : memref<!tpu.dma_semaphore, #tpu.memory_space<semaphore_mem>>) src(%dma_wait3A_161 : memref<10240x64xf32, #tpu.memory_space<hbm>>) dst(%arg11 : memref<64x64xf32, #tpu.memory_space<vmem>>)
        %add3A_162 = arith.constant 4 : i32
        %add3A_163 = arith.addi %add3A_155, %add3A_162 : i32
        %sub3A_164 = arith.constant 1 : i32
        %sub3A_165 = arith.subi %add3A_163, %sub3A_164 : i32
        %lt3A_166 = arith.constant 64 : i32
        %lt3A_167 = arith.cmpi slt, %sub3A_165, %lt3A_166 : i32
        %convert_element_type3A_168 = arith.extui %lt3A_167 : i1 to i32
        %cond3A_169 = arith.constant 0 : i32
        %cond3A_170 = arith.cmpi ne, %convert_element_type3A_168, %cond3A_169 : i32
        scf.if %cond3A_170 {
          %add3A_171 = arith.constant 4 : i32
          %add3A_172 = arith.addi %add3A_155, %add3A_171 : i32
          %sub3A_173 = arith.constant 1 : i32
          %sub3A_174 = arith.subi %add3A_172, %sub3A_173 : i32
          %dma_start3A_175 = arith.constant 0 : i32
          %dma_start3A_176 = tpu.memref_slice %arg6[%sub3A_174, %dma_start3A_175] : memref<64x64xi32, #tpu.memory_space<vmem>> -> memref<1x64xi32, #tpu.memory_space<vmem>>
          %dma_start3A_177 = tpu.memref_squeeze %dma_start3A_176 : memref<1x64xi32, #tpu.memory_space<vmem>> -> memref<64xi32, #tpu.memory_space<vmem>>
          %dma_start3A_178 = arith.constant 0 : i32
          %dma_start3A_179 = arith.constant 0 : i32
          %dma_start3A_180 = tpu.memref_slice %arg2[%dma_start3A_178, %dma_start3A_179] : memref<10240x64xf32, #tpu.memory_space<hbm>> -> memref<10240x64xf32, #tpu.memory_space<hbm>>
          tpu.enqueue_indirect_dma source(%dma_start3A_180 : memref<10240x64xf32, #tpu.memory_space<hbm>>) target(%arg10 : memref<64x64xf32, #tpu.memory_space<vmem>>) offsets(%dma_start3A_177 : memref<64xi32, #tpu.memory_space<vmem>>) semaphore(%arg15 : memref<!tpu.dma_semaphore, #tpu.memory_space<semaphore_mem>>)
        } else {
        }
        "tpu.region"() ({
          %run_scoped3A = tpu.sem_alloc : memref<!tpu.dma_semaphore, #tpu.memory_space<semaphore_mem>>
          %dma_start3A_171 = arith.constant 0 : i32
          %dma_start3A_172 = tpu.memref_slice %arg7[%add3A_155, %dma_start3A_171] : memref<64x64xi32, #tpu.memory_space<vmem>> -> memref<1x64xi32, #tpu.memory_space<vmem>>
          %dma_start3A_173 = tpu.memref_squeeze %dma_start3A_172 : memref<1x64xi32, #tpu.memory_space<vmem>> -> memref<64xi32, #tpu.memory_space<vmem>>
          %dma_start3A_174 = arith.constant 0 : i32
          %dma_start3A_175 = arith.constant 0 : i32
          %dma_start3A_176 = tpu.memref_slice %arg12[%dma_start3A_174, %dma_start3A_175] : memref<10240x64xf32, #tpu.memory_space<vmem_shared>> -> memref<10240x64xf32, #tpu.memory_space<vmem_shared>>
          tpu.enqueue_indirect_dma source(%arg11 : memref<64x64xf32, #tpu.memory_space<vmem>>) target(%dma_start3A_176 : memref<10240x64xf32, #tpu.memory_space<vmem_shared>>) offsets(%dma_start3A_173 : memref<64xi32, #tpu.memory_space<vmem>>) semaphore(%run_scoped3A : memref<!tpu.dma_semaphore, #tpu.memory_space<semaphore_mem>>) {add = true}
          %dma_wait3A_177 = arith.constant 0 : i32
          %dma_wait3A_178 = tpu.memref_slice %arg7[%add3A_155, %dma_wait3A_177] : memref<64x64xi32, #tpu.memory_space<vmem>> -> memref<1x64xi32, #tpu.memory_space<vmem>>
          %dma_wait3A_179 = tpu.memref_squeeze %dma_wait3A_178 : memref<1x64xi32, #tpu.memory_space<vmem>> -> memref<64xi32, #tpu.memory_space<vmem>>
          %dma_wait3A_180 = arith.constant 0 : i32
          %dma_wait3A_181 = arith.constant 0 : i32
          %dma_wait3A_182 = tpu.memref_slice %arg12[%dma_wait3A_180, %dma_wait3A_181] : memref<10240x64xf32, #tpu.memory_space<vmem_shared>> -> memref<10240x64xf32, #tpu.memory_space<vmem_shared>>
          tpu.wait_indirect_dma semaphore(%run_scoped3A : memref<!tpu.dma_semaphore, #tpu.memory_space<semaphore_mem>>) src(%arg11 : memref<64x64xf32, #tpu.memory_space<vmem>>) dst(%dma_wait3A_182 : memref<10240x64xf32, #tpu.memory_space<vmem_shared>>)
          tpu.yield
        }) : () -> ()
      }
      %scan3A_98 = arith.constant 16 : i32
    }
    %barrier3A_62 = arith.constant 0 : index
    tpu.barrier barrier_id(%barrier3A_62)
    %mul3A_63 = arith.constant 640 : i32
    %mul3A_64 = arith.muli %arg1, %mul3A_63 : i32
    %mul3A_65 = arith.constant 640 : i32
    %mul3A_66 = arith.muli %arg1, %mul3A_65 : i32
    "tpu.region"() ({
      %run_scoped3A = tpu.sem_alloc : memref<!tpu.dma_semaphore, #tpu.memory_space<semaphore_mem>>
      %dma_start3A = arith.constant 0 : i32
      %dma_start3A_67 = tpu.memref_slice %arg5[%arg0, %mul3A_66, %dma_start3A] : memref<2x10240x64xf32, #tpu.memory_space<hbm>> -> memref<1x640x64xf32, #tpu.memory_space<hbm>>
      %dma_start3A_68 = tpu.memref_squeeze %dma_start3A_67 : memref<1x640x64xf32, #tpu.memory_space<hbm>> -> memref<640x64xf32, #tpu.memory_space<hbm>>
      %dma_start3A_69 = arith.constant 0 : i32
      %dma_start3A_70 = tpu.memref_slice %arg12[%mul3A_64, %dma_start3A_69] : memref<10240x64xf32, #tpu.memory_space<vmem_shared>> -> memref<640x64xf32, #tpu.memory_space<vmem_shared>>
      tpu.enqueue_dma source(%dma_start3A_70 : memref<640x64xf32, #tpu.memory_space<vmem_shared>>) target(%dma_start3A_68 : memref<640x64xf32, #tpu.memory_space<hbm>>) target_semaphore(%run_scoped3A : memref<!tpu.dma_semaphore, #tpu.memory_space<semaphore_mem>>)
      %dma_wait3A = arith.constant 0 : i32
      %dma_wait3A_71 = tpu.memref_slice %arg5[%arg0, %mul3A_66, %dma_wait3A] : memref<2x10240x64xf32, #tpu.memory_space<hbm>> -> memref<1x640x64xf32, #tpu.memory_space<hbm>>
      %dma_wait3A_72 = tpu.memref_squeeze %dma_wait3A_71 : memref<1x640x64xf32, #tpu.memory_space<hbm>> -> memref<640x64xf32, #tpu.memory_space<hbm>>
      %dma_wait3A_73 = arith.constant 0 : i32
      %dma_wait3A_74 = tpu.memref_slice %arg12[%mul3A_64, %dma_wait3A_73] : memref<10240x64xf32, #tpu.memory_space<vmem_shared>> -> memref<640x64xf32, #tpu.memory_space<vmem_shared>>
      tpu.wait_dma2 semaphore(%run_scoped3A : memref<!tpu.dma_semaphore, #tpu.memory_space<semaphore_mem>>) src(%dma_wait3A_74 : memref<640x64xf32, #tpu.memory_space<vmem_shared>>) dst(%dma_wait3A_72 : memref<640x64xf32, #tpu.memory_space<hbm>>)
      tpu.yield
    }) : () -> ()
    return
  }
}

module attributes {stable_mosaic.version = 14 : i64} {
  func.func @_mm1_body(%arg0: i32, %arg1: memref<256x128xf32, #tpu.memory_space<vmem>>, %arg2: memref<128x128xf32, #tpu.memory_space<vmem>>, %arg3: memref<8x128xf32, #tpu.memory_space<vmem>>, %arg4: memref<256x16xf32, #tpu.memory_space<vmem>>, %arg5: memref<256x16xf32, #tpu.memory_space<vmem>>, %arg6: memref<256x128xf32, #tpu.memory_space<vmem>>, %arg7: memref<256x128xf32, #tpu.memory_space<vmem>>) attributes {dimension_semantics = [#tpu.dimension_semantics<arbitrary>], iteration_bounds = array<i64: 40>, scalar_prefetch = 0 : i64, scratch_operands = 0 : i64, tpu.core_type = #tpu.core_type<tc>, window_params = [{transform_indices = @transform_0, window_bounds = array<i64: 256, 128>}, {pipeline_mode = #tpu.pipeline_mode<synchronous>, transform_indices = @transform_1, window_bounds = array<i64: 128, 128>}, {pipeline_mode = #tpu.pipeline_mode<synchronous>, transform_indices = @transform_2, window_bounds = array<i64: 8, 128>}, {transform_indices = @transform_3, window_bounds = array<i64: 256, 16>}, {transform_indices = @transform_4, window_bounds = array<i64: 256, 16>}, {transform_indices = @transform_5, window_bounds = array<i64: 256, 128>}, {transform_indices = @transform_6, window_bounds = array<i64: 256, 128>}]} {
    %get3A = arith.constant 0 : index
    %get3A_0 = arith.constant 0 : index
    %get3A_1 = vector.load %arg4[%get3A, %get3A_0] : memref<256x16xf32, #tpu.memory_space<vmem>>, vector<256x1xf32>
    %get3A_2 = arith.constant 0 : index
    %get3A_3 = arith.constant 0 : index
    %get3A_4 = vector.load %arg5[%get3A_2, %get3A_3] : memref<256x16xf32, #tpu.memory_space<vmem>>, vector<256x1xf32>
    %add3A = arith.addf %get3A_1, %get3A_4 : vector<256x1xf32>
    %mul3A = arith.constant 256 : i32
    %mul3A_5 = arith.muli %arg0, %mul3A : i32
    %iota3A = tpu.iota {dimensions = array<i32: 0>} : vector<256x1xi32>
    %add3A_6 = vector.broadcast %mul3A_5 : i32 to vector<256x1xi32>
    %add3A_7 = arith.addi %add3A_6, %iota3A : vector<256x1xi32>
    %lt3A = arith.constant 10000 : i32
    %lt3A_8 = vector.broadcast %lt3A : i32 to vector<256x1xi32>
    %lt3A_9 = arith.cmpi slt, %add3A_7, %lt3A_8 : vector<256x1xi32>
    %sub3A = arith.constant 1.000000e+00 : f32
    %sub3A_10 = vector.broadcast %sub3A : f32 to vector<256x1xf32>
    %sub3A_11 = arith.subf %add3A, %sub3A_10 : vector<256x1xf32>
    %rsqrt3A = math.rsqrt %sub3A_11 : vector<256x1xf32>
    %jit3A = arith.constant 0.000000e+00 : f32
    %broadcast_in_dim3A = vector.broadcast %jit3A : f32 to vector<256x1xf32>
    %select_n3A = arith.select %lt3A_9, %rsqrt3A, %broadcast_in_dim3A : vector<256x1xi1>, vector<256x1xf32>
    %broadcast_in_dim3A_12 = vector.shape_cast %select_n3A : vector<256x1xf32> to vector<256x1xf32>
    %broadcast_in_dim3A_13 = vector.broadcast %broadcast_in_dim3A_12 : vector<256x1xf32> to vector<256x128xf32>
    %swap3A = arith.constant 0 : index
    %swap3A_14 = arith.constant 0 : index
    %swap3A_15 = vector.load %arg7[%swap3A, %swap3A_14] : memref<256x128xf32, #tpu.memory_space<vmem>>, vector<256x128xf32>
    tpu.vector_store %arg7[%swap3A, %swap3A_14], %broadcast_in_dim3A_13 {strides = array<i32>} : memref<256x128xf32, #tpu.memory_space<vmem>>, vector<256x128xf32>,
    %get3A_16 = arith.constant 0 : index
    %get3A_17 = arith.constant 0 : index
    %get3A_18 = vector.load %arg1[%get3A_16, %get3A_17] : memref<256x128xf32, #tpu.memory_space<vmem>>, vector<256x128xf32>
    %get3A_19 = arith.constant 0 : index
    %get3A_20 = arith.constant 0 : index
    %get3A_21 = vector.load %arg2[%get3A_19, %get3A_20] : memref<128x128xf32, #tpu.memory_space<vmem>>, vector<128x128xf32>
    %dot_general3A = arith.constant dense<0.000000e+00> : vector<256x128xf32>
    %dot_general3A_22 = tpu.matmul %get3A_18, %get3A_21, %dot_general3A {dimension_numbers = #tpu.dot_dimension_numbers<[1], [0], [0], [1], [0, 0, 1, 1], [], []>, transpose_lhs_hint = false} : vector<256x128xf32>, vector<128x128xf32>, vector<256x128xf32> -> vector<256x128xf32>
    %get3A_23 = arith.constant 0 : index
    %get3A_24 = arith.constant 0 : index
    %get3A_25 = vector.load %arg3[%get3A_23, %get3A_24] : memref<8x128xf32, #tpu.memory_space<vmem>>, vector<1x128xf32>
    %add3A_26 = vector.broadcast %get3A_25 : vector<1x128xf32> to vector<256x128xf32>
    %add3A_27 = arith.addf %dot_general3A_22, %add3A_26 : vector<256x128xf32>
    %mul3A_28 = arith.mulf %add3A_27, %broadcast_in_dim3A_13 : vector<256x128xf32>
    %swap3A_29 = arith.constant 0 : index
    %swap3A_30 = arith.constant 0 : index
    %swap3A_31 = vector.load %arg6[%swap3A_29, %swap3A_30] : memref<256x128xf32, #tpu.memory_space<vmem>>, vector<256x128xf32>
    tpu.vector_store %arg6[%swap3A_29, %swap3A_30], %mul3A_28 {strides = array<i32>} : memref<256x128xf32, #tpu.memory_space<vmem>>, vector<256x128xf32>,
    return
  }
  func.func @transform_0(%arg0: i32) -> (i32, i32) {
    %c0_i32 = arith.constant 0 : i32
    %c0_i32_0 = arith.constant 0 : i32
    return %arg0, %c0_i32 : i32, i32
  }
  func.func @transform_1(%arg0: i32) -> (i32, i32) {
    %c0_i32 = arith.constant 0 : i32
    %c0_i32_0 = arith.constant 0 : i32
    %c0_i32_1 = arith.constant 0 : i32
    return %c0_i32, %c0_i32_0 : i32, i32
  }
  func.func @transform_2(%arg0: i32) -> (i32, i32) {
    %c0_i32 = arith.constant 0 : i32
    %c0_i32_0 = arith.constant 0 : i32
    %c0_i32_1 = arith.constant 0 : i32
    return %c0_i32, %c0_i32_0 : i32, i32
  }
  func.func @transform_3(%arg0: i32) -> (i32, i32) {
    %c0_i32 = arith.constant 0 : i32
    %c0_i32_0 = arith.constant 0 : i32
    return %arg0, %c0_i32 : i32, i32
  }
  func.func @transform_4(%arg0: i32) -> (i32, i32) {
    %c0_i32 = arith.constant 0 : i32
    %c0_i32_0 = arith.constant 0 : i32
    return %arg0, %c0_i32 : i32, i32
  }
  func.func @transform_5(%arg0: i32) -> (i32, i32) {
    %c0_i32 = arith.constant 0 : i32
    %c0_i32_0 = arith.constant 0 : i32
    return %arg0, %c0_i32 : i32, i32
  }
  func.func @transform_6(%arg0: i32) -> (i32, i32) {
    %c0_i32 = arith.constant 0 : i32
    %c0_i32_0 = arith.constant 0 : i32
    return %arg0, %c0_i32 : i32, i32
  }
}

module attributes {stable_mosaic.version = 14 : i64} {
  func.func @_mm2_body(%arg0: i32, %arg1: memref<256x128xf32, #tpu.memory_space<vmem>>, %arg2: memref<256x128xf32, #tpu.memory_space<vmem>>, %arg3: memref<256x128xf32, #tpu.memory_space<vmem>>, %arg4: memref<128x64xf32, #tpu.memory_space<vmem>>, %arg5: memref<8x64xf32, #tpu.memory_space<vmem>>, %arg6: memref<256x128xf32, #tpu.memory_space<vmem>>, %arg7: memref<256x64xf32, #tpu.memory_space<vmem>>) attributes {dimension_semantics = [#tpu.dimension_semantics<arbitrary>], iteration_bounds = array<i64: 40>, scalar_prefetch = 0 : i64, scratch_operands = 0 : i64, tpu.core_type = #tpu.core_type<tc>, window_params = [{transform_indices = @transform_0, window_bounds = array<i64: 256, 128>}, {transform_indices = @transform_1, window_bounds = array<i64: 256, 128>}, {transform_indices = @transform_2, window_bounds = array<i64: 256, 128>}, {pipeline_mode = #tpu.pipeline_mode<synchronous>, transform_indices = @transform_3, window_bounds = array<i64: 128, 64>}, {pipeline_mode = #tpu.pipeline_mode<synchronous>, transform_indices = @transform_4, window_bounds = array<i64: 8, 64>}, {transform_indices = @transform_5, window_bounds = array<i64: 256, 128>}, {transform_indices = @transform_6, window_bounds = array<i64: 256, 64>}]} {
    %get3A = arith.constant 0 : index
    %get3A_0 = arith.constant 0 : index
    %get3A_1 = vector.load %arg6[%get3A, %get3A_0] : memref<256x128xf32, #tpu.memory_space<vmem>>, vector<256x128xf32>
    %get3A_2 = arith.constant 0 : index
    %get3A_3 = arith.constant 0 : index
    %get3A_4 = vector.load %arg1[%get3A_2, %get3A_3] : memref<256x128xf32, #tpu.memory_space<vmem>>, vector<256x128xf32>
    %get3A_5 = arith.constant 0 : index
    %get3A_6 = arith.constant 0 : index
    %get3A_7 = vector.load %arg2[%get3A_5, %get3A_6] : memref<256x128xf32, #tpu.memory_space<vmem>>, vector<256x128xf32>
    %add3A = arith.addf %get3A_4, %get3A_7 : vector<256x128xf32>
    %get3A_8 = arith.constant 0 : index
    %get3A_9 = arith.constant 0 : index
    %get3A_10 = vector.load %arg3[%get3A_8, %get3A_9] : memref<256x128xf32, #tpu.memory_space<vmem>>, vector<256x128xf32>
    %add3A_11 = arith.addf %add3A, %get3A_10 : vector<256x128xf32>
    %mul3A = arith.mulf %add3A_11, %get3A_1 : vector<256x128xf32>
    %max3A = arith.constant 0.000000e+00 : f32
    %max3A_12 = vector.broadcast %max3A : f32 to vector<256x128xf32>
    %max3A_13 = arith.maximumf %mul3A, %max3A_12 : vector<256x128xf32>
    %get3A_14 = arith.constant 0 : index
    %get3A_15 = arith.constant 0 : index
    %get3A_16 = vector.load %arg4[%get3A_14, %get3A_15] : memref<128x64xf32, #tpu.memory_space<vmem>>, vector<128x64xf32>
    %dot_general3A = arith.constant dense<0.000000e+00> : vector<256x64xf32>
    %dot_general3A_17 = tpu.matmul %max3A_13, %get3A_16, %dot_general3A {dimension_numbers = #tpu.dot_dimension_numbers<[1], [0], [0], [1], [0, 0, 1, 1], [], []>, transpose_lhs_hint = false} : vector<256x128xf32>, vector<128x64xf32>, vector<256x64xf32> -> vector<256x64xf32>
    %get3A_18 = arith.constant 0 : index
    %get3A_19 = arith.constant 0 : index
    %get3A_20 = vector.load %arg5[%get3A_18, %get3A_19] : memref<8x64xf32, #tpu.memory_space<vmem>>, vector<1x64xf32>
    %add3A_21 = vector.broadcast %get3A_20 : vector<1x64xf32> to vector<256x64xf32>
    %add3A_22 = arith.addf %dot_general3A_17, %add3A_21 : vector<256x64xf32>
    %slice3A = vector.extract_strided_slice %get3A_1 {offsets = [0, 0], sizes = [256, 64], strides = [1, 1]} : vector<256x128xf32> to vector<256x64xf32>
    %mul3A_23 = arith.mulf %add3A_22, %slice3A : vector<256x64xf32>
    %swap3A = arith.constant 0 : index
    %swap3A_24 = arith.constant 0 : index
    %swap3A_25 = vector.load %arg7[%swap3A, %swap3A_24] : memref<256x64xf32, #tpu.memory_space<vmem>>, vector<256x64xf32>
    tpu.vector_store %arg7[%swap3A, %swap3A_24], %mul3A_23 {strides = array<i32>} : memref<256x64xf32, #tpu.memory_space<vmem>>, vector<256x64xf32>,
    return
  }
  func.func @transform_0(%arg0: i32) -> (i32, i32) {
    %c0_i32 = arith.constant 0 : i32
    %c0_i32_0 = arith.constant 0 : i32
    return %arg0, %c0_i32 : i32, i32
  }
  func.func @transform_1(%arg0: i32) -> (i32, i32) {
    %c0_i32 = arith.constant 0 : i32
    %c0_i32_0 = arith.constant 0 : i32
    return %arg0, %c0_i32 : i32, i32
  }
  func.func @transform_2(%arg0: i32) -> (i32, i32) {
    %c0_i32 = arith.constant 0 : i32
    %c0_i32_0 = arith.constant 0 : i32
    return %arg0, %c0_i32 : i32, i32
  }
  func.func @transform_3(%arg0: i32) -> (i32, i32) {
    %c0_i32 = arith.constant 0 : i32
    %c0_i32_0 = arith.constant 0 : i32
    %c0_i32_1 = arith.constant 0 : i32
    return %c0_i32, %c0_i32_0 : i32, i32
  }
  func.func @transform_4(%arg0: i32) -> (i32, i32) {
    %c0_i32 = arith.constant 0 : i32
    %c0_i32_0 = arith.constant 0 : i32
    %c0_i32_1 = arith.constant 0 : i32
    return %c0_i32, %c0_i32_0 : i32, i32
  }
  func.func @transform_5(%arg0: i32) -> (i32, i32) {
    %c0_i32 = arith.constant 0 : i32
    %c0_i32_0 = arith.constant 0 : i32
    return %arg0, %c0_i32 : i32, i32
  }
  func.func @transform_6(%arg0: i32) -> (i32, i32) {
    %c0_i32 = arith.constant 0 : i32
    %c0_i32_0 = arith.constant 0 : i32
    return %arg0, %c0_i32 : i32, i32
  }
}

module attributes {stable_mosaic.version = 14 : i64} {
  func.func @_fin_body(%arg0: i32, %arg1: memref<200x64xf32, #tpu.memory_space<vmem>>, %arg2: memref<200x64xf32, #tpu.memory_space<vmem>>, %arg3: memref<200x64xf32, #tpu.memory_space<vmem>>, %arg4: memref<200x128xf32, #tpu.memory_space<vmem>>, %arg5: memref<200x64xf32, #tpu.memory_space<vmem>>) attributes {dimension_semantics = [#tpu.dimension_semantics<arbitrary>], iteration_bounds = array<i64: 50>, scalar_prefetch = 0 : i64, scratch_operands = 0 : i64, tpu.core_type = #tpu.core_type<tc>, window_params = [{transform_indices = @transform_0, window_bounds = array<i64: 200, 64>}, {transform_indices = @transform_1, window_bounds = array<i64: 200, 64>}, {transform_indices = @transform_2, window_bounds = array<i64: 200, 64>}, {transform_indices = @transform_3, window_bounds = array<i64: 200, 128>}, {transform_indices = @transform_4, window_bounds = array<i64: 200, 64>}]} {
    %get3A = arith.constant 0 : index
    %get3A_0 = arith.constant 0 : index
    %get3A_1 = vector.load %arg1[%get3A, %get3A_0] : memref<200x64xf32, #tpu.memory_space<vmem>>, vector<200x64xf32>
    %get3A_2 = arith.constant 0 : index
    %get3A_3 = arith.constant 0 : index
    %get3A_4 = vector.load %arg2[%get3A_2, %get3A_3] : memref<200x64xf32, #tpu.memory_space<vmem>>, vector<200x64xf32>
    %add3A = arith.addf %get3A_1, %get3A_4 : vector<200x64xf32>
    %get3A_5 = arith.constant 0 : index
    %get3A_6 = arith.constant 0 : index
    %get3A_7 = vector.load %arg3[%get3A_5, %get3A_6] : memref<200x64xf32, #tpu.memory_space<vmem>>, vector<200x64xf32>
    %add3A_8 = arith.addf %add3A, %get3A_7 : vector<200x64xf32>
    %get3A_9 = arith.constant 0 : index
    %get3A_10 = arith.constant 0 : index
    %get3A_11 = vector.load %arg4[%get3A_9, %get3A_10] : memref<200x128xf32, #tpu.memory_space<vmem>>, vector<200x64xf32>
    %mul3A = arith.mulf %add3A_8, %get3A_11 : vector<200x64xf32>
    %swap3A = arith.constant 0 : index
    %swap3A_12 = arith.constant 0 : index
    %swap3A_13 = vector.load %arg5[%swap3A, %swap3A_12] : memref<200x64xf32, #tpu.memory_space<vmem>>, vector<200x64xf32>
    tpu.vector_store %arg5[%swap3A, %swap3A_12], %mul3A {strides = array<i32>} : memref<200x64xf32, #tpu.memory_space<vmem>>, vector<200x64xf32>,
    return
  }
  func.func @transform_0(%arg0: i32) -> (i32, i32) {
    %c0_i32 = arith.constant 0 : i32
    %c0_i32_0 = arith.constant 0 : i32
    return %arg0, %c0_i32 : i32, i32
  }
  func.func @transform_1(%arg0: i32) -> (i32, i32) {
    %c0_i32 = arith.constant 0 : i32
    %c0_i32_0 = arith.constant 0 : i32
    return %arg0, %c0_i32 : i32, i32
  }
  func.func @transform_2(%arg0: i32) -> (i32, i32) {
    %c0_i32 = arith.constant 0 : i32
    %c0_i32_0 = arith.constant 0 : i32
    return %arg0, %c0_i32 : i32, i32
  }
  func.func @transform_3(%arg0: i32) -> (i32, i32) {
    %c0_i32 = arith.constant 0 : i32
    %c0_i32_0 = arith.constant 0 : i32
    return %arg0, %c0_i32 : i32, i32
  }
  func.func @transform_4(%arg0: i32) -> (i32, i32) {
    %c0_i32 = arith.constant 0 : i32
    %c0_i32_0 = arith.constant 0 : i32
    return %arg0, %c0_i32 : i32, i32
  }
}

</mosaic_0001>

<sc_bundles>
// kernel: kernel.11.cloned.1.call-start
scs
__scs_entry_jumppad:
0x0: {  	(pc) =	sbr.rel $0x88, $3  }
0x1: {  	(tag) =	ssettag $0x0;
	lr =	simm.s32 $0x1  }
0x2: {  	[smem:$0x3F9B] =	sst lr;
	_ =	strace $0xD0000000  }
0x3: {  	_ = 	snop  }
0x4: {  	_ = 	snop  }
0x5: {  	_ = 	snop  }
0x6: {  	_ = 	snop  }
0x7: {  	_ = 	snop  }
__scs_overlays_trampoline_lowered:
0x8: {  	[smem:$0x3FAA] =	sst s0  }
0x9: {  	[smem:$0x3FAB] =	sst s1  }
0xa: {  	[smem:$0x3FAC] =	sst s2  }
0xb: {  	[smem:$0x3FAD] =	sst s3  }
0xc: {  	[smem:$0x3FAE] =	sst s4  }
0xd: {  	[smem:$0x3FAF] =	sst s5  }
0xe: {  	[smem:$0x3FB0] =	sst s6  }
0xf: {  	[smem:$0x3FB1] =	sst s7  }
0x10: {  	[smem:$0x3FB2] =	sst s8  }
0x11: {  	[smem:$0x3FB3] =	sst s9;
	s0 =	simm.s32 @!p0 $0x0  }
0x12: {  	s1 =	sld [smem:$0x3F99];
	s0 =	simm.s32 @p0 $0x1  }
0x13: {  	[smem:$0x3FB4] =	sst s0;
	s0 =	simm.s32 @!p1 $0x0  }
0x14: {  	s2 =	sld [smem:$0x3F98];
	s0 =	simm.s32 @p1 $0x1  }
0x15: {  	[smem:$0x3FB5] =	sst s0;
	s0 =	simm.s32 @!p2 $0x0  }
0x16: {  	s3 =	sld [smem:$0x3FDB];
	s0 =	simm.s32 @p2 $0x1  }
0x17: {  	s4 =	simm.s32 $0x1BF5;
	[smem:$0x3FB7] =	sst s0  }
0x18: {  	s0 =	sld [smem:$0x3F9A];
	_ =	swait.ge [sflag:s4], $0x0  }
0x19: {  	s7 =	sld [smem:$0x3F9B]  }
0x1a: {  	s8 =	sadd.s32 $0xFFFFE003, lr  }
0x1b: {  	s9 =	sadd.s32 $0xFFFFFEF7, lr;
	s5 =	simm.s32 $0xFFFFFFFF;
	p2 =	slt.u32 s8, $0xFFFFF086  }
0x1c: {  	p1 =	slt.u32 s9, $0xF7A;
	s5 =	simm.s32 @!p2 $0x0  }
0x1d: {  	s5 =	simm.s32 @p1 $0x1;
	p0 =	seq.s32 s7, s2  }
0x1e: {  	s7 =	smul.u32 @!p0 $0xF7A, s2;
	p2 =	seq.s32 @!p0 s5, $0x0  }
0x1f: {  	s9 =	smul.u32 $0xF7A, s1;
	s8 =	simm.s32 @!p0 $0x1BF5;
	p2 =	por !p2, p0  }
0x20: {  	[sflag:s8] =	ssyncset.s32 @!p0 $0xFFFFF086;
	s6 =	sadd.s32 @!p0 s3, s7;
	s7 =	simm.s32 @!p0 $0x108  }
0x21: {  	s3 =	sadd.s32 s3, s9;
	s6 =	sadd.s32 @!p0 $0x88, s6;
	s7 =	simm.s32 @p2 $0x1082  }
0x22: {  	[simem:s7], [sflag:s8] =	dma.local @!p0 [hbm:s6], $0xF7A  }
0x23: {  	s9 =	sor.u32 $0xD0000000, s2;
	s6 =	simm.s32 $0x108;
	_ =	swait.ge @!p0 [sflag:s8], $0x0  }
0x24: {  	s3 =	sadd.s32 $0x88, s3;
	s6 =	simm.s32 @!p1 $0x1082;
	[sflag:s4] =	ssyncset.s32 $0xFFFFF086  }
0x25: {  	[simem:s6], [sflag:s4] =	dma.local [hbm:s3], $0xF7A  }
0x26: {  	[smem:$0x3F9B] =	sst s1;
	(tag) =	ssettag s2;
	_ =	strace s9  }
0x27: {  	s1 =	sld [smem:$0x3FAB]  }
0x28: {  	s2 =	sld [smem:$0x3FAC]  }
0x29: {  	s4 =	sld [smem:$0x3FAE]  }
0x2a: {  	p0 =	seq.s32 s5, $0x0;
	s5 =	sld [smem:$0x3FAF]  }
0x2b: {  	s6 =	sld [smem:$0x3FB0]  }
0x2c: {  	s7 =	sld [smem:$0x3FB1]  }
0x2d: {  	s3 =	simm.s32 $0x108;
	s8 =	sld [smem:$0x3FB2]  }
0x2e: {  	s3 =	simm.s32 @!p0 $0x1082;
	s9 =	sld [smem:$0x3FB3]  }
0x2f: {  	lr =	sadd.s32 s0, s3;
	s0 =	sld [smem:$0x3FAA]  }
0x30: {  	s3 =	sld [smem:$0x3FAD]  }
0x31: {  	[smem:$0x3FB6] =	sst s10  }
0x32: {  	s10 =	sld [smem:$0x3FB4];
	_ =	sdelay $0x3  }
0x33: {  	p0 =	seq.s32 s10, $0x1;
	s10 =	sld [smem:$0x3FB6];
	_ =	sdelay $0x3  }
0x34: {  	[smem:$0x3FB6] =	sst s10  }
0x35: {  	s10 =	sld [smem:$0x3FB5];
	_ =	sdelay $0x3  }
0x36: {  	p1 =	seq.s32 s10, $0x1;
	s10 =	sld [smem:$0x3FB6];
	_ =	sdelay $0x3  }
0x37: {  	[smem:$0x3FB6] =	sst s10  }
0x38: {  	s10 =	sld [smem:$0x3FB7]  }
0x39: {  	_ = 	snop;
	(pc) =	sbr.ind lr, $3  }
0x3a: {  	_ = 	snop  }
0x3b: {  	_ = 	snop  }
0x3c: {  	p2 =	seq.s32 s10, $0x1;
	s10 =	sld [smem:$0x3FB6]  }
0x3d: {  	_ =	shalt  }
0x3e: {  	_ =	shalt  }
0x3f: {  	_ =	shalt  }
0x40: {  	_ =	shalt  }
0x41: {  	_ =	shalt  }
0x42: {  	_ =	shalt  }
0x43: {  	_ =	shalt  }
0x44: {  	_ =	shalt  }
0x45: {  	_ =	shalt  }
0x46: {  	_ =	shalt  }
0x47: {  	_ =	shalt  }
0x48: {  	_ =	shalt  }
0x49: {  	_ =	shalt  }
0x4a: {  	_ =	shalt  }
0x4b: {  	_ =	shalt  }
0x4c: {  	_ =	shalt  }
0x4d: {  	_ =	shalt  }
0x4e: {  	_ =	shalt  }
0x4f: {  	_ =	shalt  }
0x50: {  	_ =	shalt  }
0x51: {  	_ =	shalt  }
0x52: {  	_ =	shalt  }
0x53: {  	_ =	shalt  }
0x54: {  	_ =	shalt  }
0x55: {  	_ =	shalt  }
0x56: {  	_ =	shalt  }
0x57: {  	_ =	shalt  }
0x58: {  	_ =	shalt  }
0x59: {  	_ =	shalt  }
0x5a: {  	_ =	shalt  }
0x5b: {  	_ =	shalt  }
0x5c: {  	_ =	shalt  }
0x5d: {  	_ =	shalt  }
0x5e: {  	_ =	shalt  }
0x5f: {  	_ =	shalt  }
0x60: {  	_ =	shalt  }
0x61: {  	_ =	shalt  }
0x62: {  	_ =	shalt  }
0x63: {  	_ =	shalt  }
0x64: {  	_ =	shalt  }
0x65: {  	_ =	shalt  }
0x66: {  	_ =	shalt  }
0x67: {  	_ =	shalt  }
0x68: {  	_ =	shalt  }
0x69: {  	_ =	shalt  }
0x6a: {  	_ =	shalt  }
0x6b: {  	_ =	shalt  }
0x6c: {  	_ =	shalt  }
0x6d: {  	_ =	shalt  }
0x6e: {  	_ =	shalt  }
0x6f: {  	_ =	shalt  }
0x70: {  	_ =	shalt  }
0x71: {  	_ =	shalt  }
0x72: {  	_ =	shalt  }
0x73: {  	_ =	shalt  }
0x74: {  	_ =	shalt  }
0x75: {  	_ =	shalt  }
0x76: {  	_ =	shalt  }
0x77: {  	_ =	shalt  }
0x78: {  	_ =	shalt  }
0x79: {  	_ =	shalt  }
0x7a: {  	_ =	shalt  }
0x7b: {  	_ =	shalt  }
0x7c: {  	_ =	shalt  }
0x7d: {  	_ =	shalt  }
0x7e: {  	_ =	shalt  }
0x7f: {  	_ =	shalt  }
0x80: {  	_ =	shalt  }
0x81: {  	_ =	shalt  }
0x82: {  	_ =	shalt  }
0x83: {  	_ =	shalt  }
0x84: {  	_ =	shalt  }
0x85: {  	_ =	shalt  }
0x86: {  	_ =	shalt  }
0x87: {  	_ =	shalt  }
.Lfunc_end0:
.L_simem_size_0:
called_computation.1_lowered:
.L_overlay_start_0:
0x88: {  	s2 =	sld [smem:$0x3FD9]  }
0x89: {  	s3 =	sld [smem:$0x3FFE];
	_ =	sdelay $0x1  }
0x8a: {  	s1 =	srdreg.scid  }
0x8b: {  	s0 =	sand.u32 $0x1, s1  }
0x8c: {  	s16 =	sshll.u32 s0, $0xA;
	s2 =	sadd.s32 s3, s2  }
0x8d: {  	s2 =	sadd.s32 s2, s16  }
0x8e: {  	[smem:$0x3FC2] =	sst s2  }
0x8f: {  	_ = 	snop  }
0x90: {  	(tm) =	ssettm $0x1  }
0x91: {  	s17 =	sld [smem:$0x3FFB];
	_ =	sdelay $0x3  }
0x92: {  	_ =	strace s17  }
0x93: {  	s2 =	sld [smem:$0x3FFC];
	_ =	sdelay $0x3  }
0x94: {  	_ =	strace s2  }
0x95: {  	s2 =	sld [smem:$0x3FFD];
	_ =	sdelay $0x3  }
0x96: {  	_ =	strace s2  }
0x97: {  	_ =	strace $0x8FFFFFFF  }
0x98: {  	s18 =	sld [smem:$0x3FDB];
	_ =	sdelay $0x1  }
0x99: {  	s19 =	simm.s32 $_scs_section_size  }
0x9a: {  	s4 =	simm.s32 $_size__tile_overlayer_lowered;
	s5 =	simm.s32 $_tile_overlayer_lowered  }
0x9b: {  	s22 =	simm.s32 $0x1BFF;
	s21 =	sshll.u32 s5, $0x1;
	s2 =	sadd.s32 s19, s18  }
0x9c: {  	s6 =	simm.s32 $0x0;
	s20 =	sshll.u32 s4, $0x1;
	s4 =	sadd.s32 s21, s2  }
0x9d: {  	[timem:s6], [sflag:s22] =	dma.local [hbm:s4], s20  }
0x9e: {  	_ =	swait.ge [sflag:s22], s20  }
0x9f: {  	s3 =	ssub.s32 $0x0, s20;
	[sflag:s22] =	ssyncset.done $0x0  }
0xa0: {  	[sflag:s22] =	ssyncadd.s32 s3;
	_ =	sdelay $0x1  }
0xa1: {  	s23 =	simm.s32 $0x1B8B  }
0xa2: {  	_ =	swait.ge [sflag:s23], $0x1  }
0xa3: {  	[sflag:s23] =	ssyncset.done $0x0  }
0xa4: {  	s25 =	simm.s32 $0x1B8E;
	s24 =	sld [smem:$0x3FFE];
	[sflag:s23] =	ssyncadd.s32 $0xFFFFFFFF  }
0xa5: {  	s26 =	simm.s32 $execute0_lowered;
	[smem:$0x3FD2] =	sst s25  }
0xa6: {  	s4 =	sshll.u32 s26, $0x1;
	_ =	strace $0x80000049;
	[dreg:$0x1] =	wrdreg $0xFFFFFFFF  }
0xa7: {  	s28 =	simm.s32 $_size_execute0_lowered;
	s2 =	sadd.s32 s2, s4;
	[dreg:$0x0] =	wrdreg $0x0  }
0xa8: {  	s4 =	sshll.u32 s28, $0x1;
	[dreg:$0x2] =	wrdreg s2  }
0xa9: {  	[dreg:$0x3] =	wrdreg s4  }
0xaa: {  	[dreg:$0x4] =	wrdreg $0xC0  }
0xab: {  	_ =	task [dreg:s6], $0x5FFFF  }
0xac: {  	[dreg:$0x1] =	wrdreg $0xFFFFFFFF  }
0xad: {  	[dreg:$0x0] =	wrdreg $0x60  }
0xae: {  	[dreg:$0x2] =	wrdreg s24  }
0xaf: {  	[dreg:$0x3] =	wrdreg $0xC0000  }
0xb0: {  	[dreg:$0x4] =	wrdreg $0x9  }
0xb1: {  	_ =	task.clear_ibuf [dreg:s6], $0x5FFFF;
	_ =	strace $0x90000049  }
0xb2: {  	s29 =	simm.s32 $0x9;
	_ =	strace $0x8000004B  }
0xb3: {  	_ =	swait.ge [sflag:s29], $0x1  }
0xb4: {  	[sflag:s29] =	ssyncadd.s32 $0xFFFFFFFF  }
0xb5: {  	_ =	strace $0x9000004B  }
0xb6: {  	_ =	sfence  }
0xb7: {  	s30 =	sld [smem:$0x0];
	_ =	sdelay $0x2  }
0xb8: {  	s31 =	sshll.u32 s1, $0xD;
	s1 =	sshrl.u32 s1, $0x2  }
0xb9: {  	s3 =	sand.u32 $0x4000, s31;
	s1 =	sadd.s32 s1, s30  }
0xba: {  	s0 =	sor.u32 s3, s0;
	s1 =	sshll.u32 s1, $0x11  }
0xbb: {  	s0 =	sor.u32 s1, s0  }
0xbc: {  	s0 =	sadd.s32 $0x8F2B, s0  }
0xbd: {  	[sflag:s0] =	ssyncadd.remote.s32 $0x1  }
0xbe: {  	_ =	sfence.sel $0xFFFF  }
0xbf: {  	[dreg:$0x0] =	wrdreg $0xFFFFFFFF;
	(pc) =	sbr.abs _section_cstart, $3  }
0xc0: {  	[dreg:$0x1] =	wrdreg $0xFFFFFFFF  }
0xc1: {  	_ =	task.clear_ibuf [dreg:s6], $0x2FFFF;
	_ =	strace $0x9FFFFFFF  }
0xc2: {  	(tm) =	ssettm $0x7FFFFFFF  }
0xc3: {  	_ =	shalt  }
tec
execute0_lowered:
.L_overlay_start_1:
0x0: {  	(tag) =	ssettag $0x1  }
0x1: {  	s0 =	rddreg [dreg:$0x0]  }
0x2: {  	s1 =	rddreg [dreg:$0x1]  }
0x3: {  	s2 =	srdreg.scid;
	s4 =	simm.s32 $0x0;
	s11 =	stileid.u32  }
0x4: {  	s28 =	simm.s32 $0x100;
	s29 =	simm.s32 $0x8000;
	s30 =	simm.s32 $0x1  }
0x5: {  	s31 =	simm.s32 $0xA000;
	s12 =	simm.s32 $0x3E80;
	s8 =	smul.u32 $0x14000, s11  }
0x6: {  	s13 =	simm.s32 $0x3F00;
	s3 =	sand.u32 $0x1, s2;
	s9 =	smul.u32 $0x50000, s11  }
0x7: {  	[smem:$0x7FF] =	sst s4;
	s5 =	sadd.s32 $0x2C00, s0;
	s2 =	smul.u32 $0x140000, s3  }
0x8: {  	s6 =	sadd.s32 $0x70C00, s0;
	s7 =	sadd.s32 $0x52C00, s0;
	s14 =	sshrl.u32 s9, $0x2  }
0x9: {  	s22 =	sshll.u32 s11, $0x7;
	s2 =	sadd.s32 s8, s2;
	s8 =	sadd.s32 s14, s1  }
0xa: {  	_ =	strace $0x8000004A;
	s10 =	ssub.s32 $0x2, s3;
	s16 =	sadd.s32 $0x2000, s8  }
0xb: {  	p0 =	seq.s32 s3, $0x0;
	s17 =	sadd.s32 $0x4000, s8;
	[dreg:$0x3] =	wrdreg s16  }
0xc: {  	s15 =	sshrl.u32 s10, $0x1;
	s18 =	sadd.s32 $0x6000, s8;
	[dreg:$0x4] =	wrdreg s17  }
0xd: {  	s9 =	smul.u32 $0xC0, s11;
	s19 =	sadd.s32 $0x8000, s8;
	[dreg:$0x5] =	wrdreg s18  }
0xe: {  	s11 =	simm.s32 $0x3E00;
	s20 =	sadd.s32 $0xA000, s8;
	[dreg:$0x6] =	wrdreg s19  }
0xf: {  	s14 =	simm.s32 $0x3F80;
	s21 =	sadd.s32 $0xC000, s8;
	[dreg:$0x7] =	wrdreg s20  }
0x10: {  	s2 =	sshrl.u32 s2, $0x3;
	s23 =	sadd.s32 $0xE000, s8;
	[dreg:$0x8] =	wrdreg s21  }
0x11: {  	s24 =	sadd.s32 $0x10000, s8;
	s25 =	sadd.s32 $0x12000, s8;
	[dreg:$0x9] =	wrdreg s23  }
0x12: {  	s0 =	sadd.s32 s2, s0;
	s2 =	ssub.s32 s10, s15;
	[dreg:$0xa] =	wrdreg s24  }
0x13: {  	s10 =	sadd.s32 $0xC00, s22;
	[dreg:$0xb] =	wrdreg s25;
	s21 =	simm.s32 $0x4000  }
0x14: {  	s22 =	simm.s32 $0x5;
	s23 =	simm.s32 $0x6000;
	s24 =	simm.s32 $0x2000  }
0x15: {  	s25 =	simm.s32 $0x40;
	s10 =	smov.u32 @p0 s9;
	s0 =	sadd.s32 $0x84C00, s0  }
0x16: {  	s26 =	smax.u32 s2, $0x1;
	s2 =	simm.s32 $0x3;
	[dreg:$0xc] =	wrdreg s0  }
0x17: {  	s9 =	simm.s32 $0x4;
	s18 =	sshll.u32 s10, $0x7;
	[dreg:$0xd] =	wrdreg s26  }
0x18: {  	v0 =	vimm.f32 $0.0e+00;
	s26 =	simm.s32 $0x80;
	s0 =	simm.s32 $0x2;
	s10 =	simm.s32 $0x1F80  }
.LBB2_1:
0x19: {  	s15 =	simm.s32 $0x0;
	s16 =	simm.s32 $0x200  }
.LBB2_2:
0x1a: {  	p0 =	sne.s32 s16, $0x7E00;
	[tilespmem:s15+$0x6070] =	vst v0  }
0x1b: {  	[tilespmem:s15+$0x4000] =	vst v0  }
0x1c: {  	[tilespmem:s15+$0x4010] =	vst v0  }
0x1d: {  	[tilespmem:s15+$0x4020] =	vst v0  }
0x1e: {  	[tilespmem:s15+$0x4030] =	vst v0  }
0x1f: {  	[tilespmem:s15+$0x4040] =	vst v0  }
0x20: {  	[tilespmem:s15+$0x4050] =	vst v0  }
0x21: {  	[tilespmem:s15+$0x4060] =	vst v0  }
0x22: {  	[tilespmem:s15+$0x4070] =	vst v0  }
0x23: {  	[tilespmem:s15+$0x6000] =	vst v0  }
0x24: {  	[tilespmem:s15+$0x6010] =	vst v0  }
.Ltmp0:
0x25: {  	[tilespmem:s15+$0x6020] =	vst v0;
	(pc) =	sbr.rel @p0 .LBB2_2-.Ltmp0, $4  }
0x26: {  	[tilespmem:s15+$0x6030] =	vst v0  }
0x27: {  	[tilespmem:s15+$0x6040] =	vst v0  }
0x28: {  	[tilespmem:s15+$0x6050] =	vst v0  }
0x29: {  	[tilespmem:s15+$0x6060] =	vst v0;
	s15 =	sshra.s32 s16, $0x2;
	s16 =	sadd.s32 $0x200, s16  }
0x2a: {  	[tilespmem:s15+$0x6070] =	vst v0  }
0x2b: {  	[tilespmem:s15+$0x4000] =	vst v0  }
0x2c: {  	[tilespmem:s15+$0x4010] =	vst v0  }
0x2d: {  	[tilespmem:s15+$0x4020] =	vst v0  }
0x2e: {  	[tilespmem:s15+$0x4030] =	vst v0  }
0x2f: {  	[tilespmem:s15+$0x4040] =	vst v0  }
0x30: {  	[tilespmem:s15+$0x4050] =	vst v0  }
0x31: {  	[tilespmem:s15+$0x4060] =	vst v0  }
0x32: {  	[tilespmem:s15+$0x4070] =	vst v0  }
0x33: {  	[tilespmem:s15+$0x6000] =	vst v0  }
0x34: {  	[tilespmem:s15+$0x6010] =	vst v0  }
0x35: {  	[tilespmem:s15+$0x6020] =	vst v0  }
0x36: {  	[tilespmem:s15+$0x6030] =	vst v0  }
0x37: {  	[tilespmem:s15+$0x6040] =	vst v0  }
0x38: {  	[tilespmem:s15+$0x6050] =	vst v0  }
0x39: {  	[tilespmem:s15+$0x6060] =	vst v0  }
0x3a: {  	[spmem:s8] =	stream.linear.scatter [tilespmem:s21], [sflag:$0x5], $0x2000, $0x38;
	v63 =	vld [tilespmem:$0x0]  }
0x3b: {  	_ =	swait.ge [sflag:s22], $0x2000  }
0x3c: {  	[sflag:s22] =	ssyncset.done $0x0  }
0x3d: {  	s20 =	rddreg [dreg:$0x3];
	[sflag:s22] =	ssyncadd.s32 $0xFFFFE000  }
0x3e: {  	[spmem:s20] =	stream.linear.scatter [tilespmem:s23], [sflag:$0x5], $0x2000, $0x38;
	v63 =	vld [tilespmem:$0x0]  }
0x3f: {  	_ =	swait.ge [sflag:s22], $0x2000  }
0x40: {  	[sflag:s22] =	ssyncset.done $0x0  }
0x41: {  	s16 =	rddreg [dreg:$0x4];
	[sflag:s22] =	ssyncadd.s32 $0xFFFFE000  }
0x42: {  	[spmem:s16] =	stream.linear.scatter [tilespmem:s21], [sflag:$0x5], $0x2000, $0x38;
	v63 =	vld [tilespmem:$0x0]  }
0x43: {  	_ =	swait.ge [sflag:s22], $0x2000  }
0x44: {  	[sflag:s22] =	ssyncset.done $0x0  }
0x45: {  	s17 =	rddreg [dreg:$0x5];
	[sflag:s22] =	ssyncadd.s32 $0xFFFFE000  }
0x46: {  	[spmem:s17] =	stream.linear.scatter [tilespmem:s23], [sflag:$0x5], $0x2000, $0x38;
	v63 =	vld [tilespmem:$0x0]  }
0x47: {  	_ =	swait.ge [sflag:s22], $0x2000  }
0x48: {  	[sflag:s22] =	ssyncset.done $0x0  }
0x49: {  	s19 =	rddreg [dreg:$0x6];
	[sflag:s22] =	ssyncadd.s32 $0xFFFFE000  }
0x4a: {  	[spmem:s19] =	stream.linear.scatter [tilespmem:s21], [sflag:$0x5], $0x2000, $0x38;
	v63 =	vld [tilespmem:$0x0]  }
0x4b: {  	_ =	swait.ge [sflag:s22], $0x2000  }
0x4c: {  	[sflag:s22] =	ssyncset.done $0x0  }
0x4d: {  	s20 =	rddreg [dreg:$0x7];
	[sflag:s22] =	ssyncadd.s32 $0xFFFFE000  }
0x4e: {  	[spmem:s20] =	stream.linear.scatter [tilespmem:s23], [sflag:$0x5], $0x2000, $0x38;
	v63 =	vld [tilespmem:$0x0]  }
0x4f: {  	_ =	swait.ge [sflag:s22], $0x2000  }
0x50: {  	[sflag:s22] =	ssyncset.done $0x0  }
0x51: {  	s16 =	rddreg [dreg:$0x8];
	[sflag:s22] =	ssyncadd.s32 $0xFFFFE000  }
0x52: {  	[spmem:s16] =	stream.linear.scatter [tilespmem:s21], [sflag:$0x5], $0x2000, $0x38;
	v63 =	vld [tilespmem:$0x0]  }
0x53: {  	_ =	swait.ge [sflag:s22], $0x2000  }
0x54: {  	[sflag:s22] =	ssyncset.done $0x0  }
0x55: {  	s17 =	rddreg [dreg:$0x9];
	[sflag:s22] =	ssyncadd.s32 $0xFFFFE000  }
0x56: {  	[spmem:s17] =	stream.linear.scatter [tilespmem:s23], [sflag:$0x5], $0x2000, $0x38;
	v63 =	vld [tilespmem:$0x0]  }
0x57: {  	_ =	swait.ge [sflag:s22], $0x2000  }
0x58: {  	[sflag:s22] =	ssyncset.done $0x0  }
0x59: {  	s19 =	rddreg [dreg:$0xa];
	[sflag:s22] =	ssyncadd.s32 $0xFFFFE000  }
0x5a: {  	[spmem:s19] =	stream.linear.scatter [tilespmem:s21], [sflag:$0x5], $0x2000, $0x38;
	v63 =	vld [tilespmem:$0x0]  }
0x5b: {  	_ =	swait.ge [sflag:s22], $0x2000  }
0x5c: {  	[sflag:s22] =	ssyncset.done $0x0  }
0x5d: {  	s20 =	rddreg [dreg:$0xb];
	[sflag:s22] =	ssyncadd.s32 $0xFFFFE000  }
0x5e: {  	[spmem:s20] =	stream.linear.scatter [tilespmem:s23], [sflag:$0x5], $0x2000, $0x38;
	v63 =	vld [tilespmem:$0x0]  }
0x5f: {  	_ =	swait.ge [sflag:s22], $0x2000  }
0x60: {  	[sflag:s22] =	ssyncset.done $0x0  }
0x61: {  	[sflag:s22] =	ssyncadd.s32 $0xFFFFE000  }
0x62: {  	s15 =	simm.s32 $0x0;
	s16 =	simm.s32 $0x0;
	[bflag:$0x0] =	sbarrier.arrive $0xFFFF  }
.LBB2_4:
0x63: {  	s17 =	sshll.u32 s16, $0xD  }
0x64: {  	s17 =	sadd.s32 s18, s17  }
0x65: {  	s17 =	sshrl.u32 s17, $0x3  }
0x66: {  	s19 =	sadd.s32 s6, s17  }
0x67: {  	[tilespmem:s15], [sflag:$0x5] =	stream.linear.gather [hbm4b:s19+s15], $0x2000, $0x38;
	v63 =	vld [tilespmem:$0x0]  }
0x68: {  	_ =	swait.ge [sflag:s22], $0x2000  }
0x69: {  	[sflag:s22] =	ssyncset.done $0x0  }
0x6a: {  	s17 =	sadd.s32 s7, s17;
	[sflag:s22] =	ssyncadd.s32 $0xFFFFE000  }
0x6b: {  	[tilespmem:s24], [sflag:$0x5] =	stream.linear.gather [hbm4b:s17+s15], $0x2000, $0x38;
	v63 =	vld [tilespmem:$0x0]  }
0x6c: {  	_ =	swait.ge [sflag:s22], $0x2000  }
0x6d: {  	[sflag:s22] =	ssyncset.done $0x0  }
0x6e: {  	[sflag:s22] =	ssyncadd.s32 $0xFFFFE000  }
0x6f: {  	[tilespmem:s21], [sflag:$0x1] =	stream.indirect.gather [hbm4b:s5+s25], $0x80, s15, s25, $0xb8;
	v63 =	vld [tilespmem:$0x0]  }
0x70: {  	_ = 	snop  }
0x71: {  	[tilespmem:s23], [sflag:$0x2] =	stream.indirect.gather [hbm4b:s5+s25], $0x80, s26, s25, $0xb8;
	v63 =	vld [tilespmem:$0x0]  }
0x72: {  	_ = 	snop  }
0x73: {  	[tilespmem:s29], [sflag:$0x3] =	stream.indirect.gather [hbm4b:s5+s25], $0x80, s28, s25, $0xb8;
	v63 =	vld [tilespmem:$0x0]  }
0x74: {  	_ =	swait.ge [sflag:s30], $0x2000  }
0x75: {  	[sflag:s30] =	ssyncset.done $0x0  }
0x76: {  	s19 =	simm.s32 $0x180;
	[sflag:s30] =	ssyncadd.s32 $0xFFFFE000  }
0x77: {  	[tilespmem:s31], [sflag:$0x4] =	stream.indirect.gather [hbm4b:s5+s25], $0x80, s19, s25, $0xb8;
	v63 =	vld [tilespmem:$0x0]  }
0x78: {  	s20 =	simm.s32 $0x2000  }
0x79: {  	[spmem:s1] =	stream.indirect.scatter.add.f32 [tilespmem:s21], [sflag:$0x5], $0x80, s20, s25, $0xb8;
	v63 =	vld [tilespmem:$0x0]  }
0x7a: {  	_ =	swait.ge [sflag:s22], $0x2000  }
0x7b: {  	[sflag:s22] =	ssyncset.done $0x0  }
0x7c: {  	[sflag:s22] =	ssyncadd.s32 $0xFFFFE000  }
0x7d: {  	_ =	swait.ge [sflag:s0], $0x2000  }
0x7e: {  	[sflag:s0] =	ssyncset.done $0x0  }
0x7f: {  	s19 =	simm.s32 $0x200;
	[sflag:s0] =	ssyncadd.s32 $0xFFFFE000  }
0x80: {  	[tilespmem:s21], [sflag:$0x1] =	stream.indirect.gather [hbm4b:s5+s25], $0x80, s19, s25, $0xb8;
	v63 =	vld [tilespmem:$0x0]  }
0x81: {  	s20 =	simm.s32 $0x2080  }
0x82: {  	[spmem:s1] =	stream.indirect.scatter.add.f32 [tilespmem:s23], [sflag:$0x5], $0x80, s20, s25, $0xb8;
	v63 =	vld [tilespmem:$0x0]  }
0x83: {  	_ =	swait.ge [sflag:s22], $0x2000  }
0x84: {  	[sflag:s22] =	ssyncset.done $0x0  }
0x85: {  	[sflag:s22] =	ssyncadd.s32 $0xFFFFE000  }
0x86: {  	_ =	swait.ge [sflag:s2], $0x2000  }
0x87: {  	[sflag:s2] =	ssyncset.done $0x0  }
0x88: {  	s19 =	simm.s32 $0x280;
	[sflag:s2] =	ssyncadd.s32 $0xFFFFE000  }
0x89: {  	[tilespmem:s23], [sflag:$0x2] =	stream.indirect.gather [hbm4b:s5+s25], $0x80, s19, s25, $0xb8;
	v63 =	vld [tilespmem:$0x0]  }
0x8a: {  	s20 =	simm.s32 $0x2100  }
0x8b: {  	[spmem:s1] =	stream.indirect.scatter.add.f32 [tilespmem:s29], [sflag:$0x5], $0x80, s20, s25, $0xb8;
	v63 =	vld [tilespmem:$0x0]  }
0x8c: {  	_ =	swait.ge [sflag:s22], $0x2000  }
0x8d: {  	[sflag:s22] =	ssyncset.done $0x0  }
0x8e: {  	[sflag:s22] =	ssyncadd.s32 $0xFFFFE000  }
0x8f: {  	_ =	swait.ge [sflag:s9], $0x2000  }
0x90: {  	[sflag:s9] =	ssyncset.done $0x0  }
0x91: {  	s19 =	simm.s32 $0x300;
	[sflag:s9] =	ssyncadd.s32 $0xFFFFE000  }
0x92: {  	[tilespmem:s29], [sflag:$0x3] =	stream.indirect.gather [hbm4b:s5+s25], $0x80, s19, s25, $0xb8;
	v63 =	vld [tilespmem:$0x0]  }
0x93: {  	s20 =	simm.s32 $0x2180  }
0x94: {  	[spmem:s1] =	stream.indirect.scatter.add.f32 [tilespmem:s31], [sflag:$0x5], $0x80, s20, s25, $0xb8;
	v63 =	vld [tilespmem:$0x0]  }
0x95: {  	_ =	swait.ge [sflag:s22], $0x2000  }
0x96: {  	s17 =	simm.s32 $0x800;
	[sflag:s22] =	ssyncset.done $0x0  }
.LBB2_5:
0x97: {  	p0 =	sne.s32 s17, $0x7000  }
0x98: {  	[sflag:s22] =	ssyncadd.s32 $0xFFFFE000;
	s19 =	smov.u32 s17;
	s17 =	sadd.s32 $0x800, s17  }
0x99: {  	_ = 	snop  }
0x9a: {  	_ =	swait.ge [sflag:s30], $0x2000  }
0x9b: {  	s19 =	sshra.s32 s19, $0x2;
	[sflag:s30] =	ssyncset.done $0x0  }
0x9c: {  	s20 =	sadd.s32 $0x180, s19;
	[sflag:s30] =	ssyncadd.s32 $0xFFFFE000  }
0x9d: {  	[tilespmem:s31], [sflag:$0x4] =	stream.indirect.gather [hbm4b:s5+s25], $0x80, s20, s25, $0xb8;
	v63 =	vld [tilespmem:$0x0]  }
0x9e: {  	s20 =	sadd.s32 $0x2000, s19  }
0x9f: {  	[spmem:s1] =	stream.indirect.scatter.add.f32 [tilespmem:s21], [sflag:$0x5], $0x80, s20, s25, $0xb8;
	v63 =	vld [tilespmem:$0x0]  }
0xa0: {  	_ =	swait.ge [sflag:s22], $0x2000  }
0xa1: {  	[sflag:s22] =	ssyncset.done $0x0  }
0xa2: {  	[sflag:s22] =	ssyncadd.s32 $0xFFFFE000  }
0xa3: {  	_ =	swait.ge [sflag:s0], $0x2000  }
0xa4: {  	[sflag:s0] =	ssyncset.done $0x0  }
0xa5: {  	s20 =	sadd.s32 $0x200, s19;
	[sflag:s0] =	ssyncadd.s32 $0xFFFFE000  }
0xa6: {  	[tilespmem:s21], [sflag:$0x1] =	stream.indirect.gather [hbm4b:s5+s25], $0x80, s20, s25, $0xb8;
	v63 =	vld [tilespmem:$0x0]  }
0xa7: {  	s20 =	sadd.s32 $0x2080, s19  }
0xa8: {  	[spmem:s1] =	stream.indirect.scatter.add.f32 [tilespmem:s23], [sflag:$0x5], $0x80, s20, s25, $0xb8;
	v63 =	vld [tilespmem:$0x0]  }
0xa9: {  	_ =	swait.ge [sflag:s22], $0x2000  }
0xaa: {  	[sflag:s22] =	ssyncset.done $0x0  }
0xab: {  	[sflag:s22] =	ssyncadd.s32 $0xFFFFE000  }
0xac: {  	_ =	swait.ge [sflag:s2], $0x2000  }
0xad: {  	[sflag:s2] =	ssyncset.done $0x0  }
0xae: {  	s20 =	sadd.s32 $0x280, s19;
	[sflag:s2] =	ssyncadd.s32 $0xFFFFE000  }
0xaf: {  	[tilespmem:s23], [sflag:$0x2] =	stream.indirect.gather [hbm4b:s5+s25], $0x80, s20, s25, $0xb8;
	v63 =	vld [tilespmem:$0x0]  }
0xb0: {  	s20 =	sadd.s32 $0x2100, s19  }
0xb1: {  	[spmem:s1] =	stream.indirect.scatter.add.f32 [tilespmem:s29], [sflag:$0x5], $0x80, s20, s25, $0xb8;
	v63 =	vld [tilespmem:$0x0]  }
0xb2: {  	_ =	swait.ge [sflag:s22], $0x2000  }
0xb3: {  	[sflag:s22] =	ssyncset.done $0x0  }
0xb4: {  	[sflag:s22] =	ssyncadd.s32 $0xFFFFE000  }
0xb5: {  	_ =	swait.ge [sflag:s9], $0x2000  }
0xb6: {  	[sflag:s9] =	ssyncset.done $0x0  }
0xb7: {  	s20 =	sadd.s32 $0x300, s19;
	[sflag:s9] =	ssyncadd.s32 $0xFFFFE000  }
0xb8: {  	[tilespmem:s29], [sflag:$0x3] =	stream.indirect.gather [hbm4b:s5+s25], $0x80, s20, s25, $0xb8;
	v63 =	vld [tilespmem:$0x0]  }
.Ltmp1:
0xb9: {  	_ = 	snop;
	(pc) =	sbr.rel @p0 .LBB2_5-.Ltmp1, $4  }
0xba: {  	s19 =	sadd.s32 $0x2180, s19  }
0xbb: {  	[spmem:s1] =	stream.indirect.scatter.add.f32 [tilespmem:s31], [sflag:$0x5], $0x80, s19, s25, $0xb8;
	v63 =	vld [tilespmem:$0x0]  }
0xbc: {  	_ =	swait.ge [sflag:s22], $0x2000  }
0xbd: {  	[sflag:s22] =	ssyncset.done $0x0  }
0xbe: {  	[sflag:s22] =	ssyncadd.s32 $0xFFFFE000  }
0xbf: {  	_ =	swait.ge [sflag:s30], $0x2000  }
0xc0: {  	[sflag:s30] =	ssyncset.done $0x0  }
0xc1: {  	[sflag:s30] =	ssyncadd.s32 $0xFFFFE000  }
0xc2: {  	[tilespmem:s31], [sflag:$0x4] =	stream.indirect.gather [hbm4b:s5+s25], $0x80, s10, s25, $0xb8;
	v63 =	vld [tilespmem:$0x0]  }
0xc3: {  	_ = 	snop  }
0xc4: {  	[spmem:s1] =	stream.indirect.scatter.add.f32 [tilespmem:s21], [sflag:$0x5], $0x80, s11, s25, $0xb8;
	v63 =	vld [tilespmem:$0x0]  }
0xc5: {  	_ =	swait.ge [sflag:s22], $0x2000  }
0xc6: {  	[sflag:s22] =	ssyncset.done $0x0  }
0xc7: {  	[sflag:s22] =	ssyncadd.s32 $0xFFFFE000  }
0xc8: {  	_ =	swait.ge [sflag:s0], $0x2000  }
0xc9: {  	[sflag:s0] =	ssyncset.done $0x0  }
0xca: {  	[sflag:s0] =	ssyncadd.s32 $0xFFFFE000  }
0xcb: {  	[spmem:s1] =	stream.indirect.scatter.add.f32 [tilespmem:s23], [sflag:$0x5], $0x80, s12, s25, $0xb8;
	v63 =	vld [tilespmem:$0x0]  }
0xcc: {  	_ =	swait.ge [sflag:s22], $0x2000  }
0xcd: {  	[sflag:s22] =	ssyncset.done $0x0  }
0xce: {  	[sflag:s22] =	ssyncadd.s32 $0xFFFFE000  }
0xcf: {  	_ =	swait.ge [sflag:s2], $0x2000  }
0xd0: {  	[sflag:s2] =	ssyncset.done $0x0  }
0xd1: {  	[sflag:s2] =	ssyncadd.s32 $0xFFFFE000  }
0xd2: {  	[spmem:s1] =	stream.indirect.scatter.add.f32 [tilespmem:s29], [sflag:$0x5], $0x80, s13, s25, $0xb8;
	v63 =	vld [tilespmem:$0x0]  }
0xd3: {  	_ =	swait.ge [sflag:s22], $0x2000  }
0xd4: {  	[sflag:s22] =	ssyncset.done $0x0  }
0xd5: {  	s16 =	sadd.s32 $0x1, s16;
	[sflag:s22] =	ssyncadd.s32 $0xFFFFE000  }
0xd6: {  	s17 =	sxor.u32 s16, s3;
	_ =	swait.ge [sflag:s9], $0x2000  }
0xd7: {  	p0 =	sne.s32 s17, $0x3;
	[sflag:s9] =	ssyncset.done $0x0  }
.Ltmp2:
0xd8: {  	[sflag:s9] =	ssyncadd.s32 $0xFFFFE000;
	(pc) =	sbr.rel @p0 .LBB2_4-.Ltmp2, $4  }
0xd9: {  	[spmem:s1] =	stream.indirect.scatter.add.f32 [tilespmem:s31], [sflag:$0x5], $0x80, s14, s25, $0xb8;
	v63 =	vld [tilespmem:$0x0]  }
0xda: {  	_ =	swait.ge [sflag:s22], $0x2000  }
0xdb: {  	[sflag:s22] =	ssyncset.done $0x0  }
0xdc: {  	[sflag:s22] =	ssyncadd.s32 $0xFFFFE000  }
0xdd: {  	s15 =	stileid.u32  }
0xde: {  	[bflag:$0x0] =	sbarrier.arrive $0xFFFF;
	s15 =	sshll.u32 s15, $0x6  }
0xdf: {  	s16 =	sshrl.u32 s8, $0x3;
	s17 =	rddreg [dreg:$0xc];
	s15 =	sor.u32 $0x1C05, s15  }
0xe0: {  	[hbm:s17], [sflag:s15] =	dma.local [spmem:s16], $0x2800  }
0xe1: {  	_ =	swait.ge [sflag:s22], $0x2800  }
0xe2: {  	s4 =	sadd.s32 $0x1, s4;
	s20 =	rddreg [dreg:$0xd]  }
0xe3: {  	p0 =	sne.s32 s4, s20  }
.Ltmp3:
0xe4: {  	_ = 	snop;
	(pc) =	sbr.rel @p0 .LBB2_1-.Ltmp3, $3  }
0xe5: {  	_ =	sdelay $0x1  }
0xe6: {  	[sflag:s22] =	ssyncset.done $0x0  }
0xe7: {  	[sflag:s22] =	ssyncadd.s32 $0xFFFFD800  }
0xe8: {  	_ =	sfence.sel $0x180000  }
0xe9: {  	[bflag:$0x0] =	sbarrier.arrive $0xFFFF  }
0xea: {  	_ =	strace $0x9000004A  }
0xeb: {  	s0 =	stileid.u32;
	[bflag:$0x2] =	sbarrier.arrive $0xFFFF  }
0xec: {  	p0 =	sne.s32 s0, $0x0;
	s0 =	rddreg [dreg:$0x2]  }
0xed: {  	s0 =	sadd.s32 @!p0 $0x100000, s0  }
0xee: {  	[sflag:s0] =	ssyncadd.tile.s32 @!p0 $0x1;
	_ =	shalt  }
.Lfunc_end2:
_tile_overlayer_lowered:
.L_overlay_start_2:
0xef: {  	(tag) =	ssettag $0x2  }
0xf0: {  	s0 =	rddreg [dreg:$0x0];
	s2 =	stileid.u32  }
0xf1: {  	s1 =	rddreg [dreg:$0x1];
	p0 =	sne.s32 s2, $0x0  }
0xf2: {  	s3 =	rddreg [dreg:$0x2];
	[bflag:$0x3] =	sbarrier.arrive $0xFFFF;
	s2 =	simm.s32 @!p0 $0x1C05  }
0xf3: {  	[timem:s3], [sflag:s2] =	dma.local @!p0 [hbm:s0], s1  }
0xf4: {  	s0 =	simm.s32 @!p0 $0x5  }
0xf5: {  	_ =	swait.ge @!p0 [sflag:s0], s1  }
0xf6: {  	s1 =	ssub.s32 @!p0 $0x0, s1;
	[sflag:s0] =	ssyncset.done @!p0 $0x0  }
0xf7: {  	[sflag:s0] =	ssyncadd.s32 @!p0 s1  }
0xf8: {  	[bflag:$0x3] =	sbarrier.arrive $0xFFFF  }
0xf9: {  	_ =	shalt  }

// kernel: kernel.14.cloned.1.call-start
scs
__scs_entry_jumppad:
0x0: {  	(pc) =	sbr.rel $0x88, $3  }
0x1: {  	(tag) =	ssettag $0x0;
	lr =	simm.s32 $0x1  }
0x2: {  	[smem:$0x3F9B] =	sst lr;
	_ =	strace $0xD0000000  }
0x3: {  	_ = 	snop  }
0x4: {  	_ = 	snop  }
0x5: {  	_ = 	snop  }
0x6: {  	_ = 	snop  }
0x7: {  	_ = 	snop  }
__scs_overlays_trampoline_lowered:
0x8: {  	[smem:$0x3FAA] =	sst s0  }
0x9: {  	[smem:$0x3FAB] =	sst s1  }
0xa: {  	[smem:$0x3FAC] =	sst s2  }
0xb: {  	[smem:$0x3FAD] =	sst s3  }
0xc: {  	[smem:$0x3FAE] =	sst s4  }
0xd: {  	[smem:$0x3FAF] =	sst s5  }
0xe: {  	[smem:$0x3FB0] =	sst s6  }
0xf: {  	[smem:$0x3FB1] =	sst s7  }
0x10: {  	[smem:$0x3FB2] =	sst s8  }
0x11: {  	[smem:$0x3FB3] =	sst s9;
	s0 =	simm.s32 @!p0 $0x0  }
0x12: {  	s1 =	sld [smem:$0x3F99];
	s0 =	simm.s32 @p0 $0x1  }
0x13: {  	[smem:$0x3FB4] =	sst s0;
	s0 =	simm.s32 @!p1 $0x0  }
0x14: {  	s2 =	sld [smem:$0x3F98];
	s0 =	simm.s32 @p1 $0x1  }
0x15: {  	[smem:$0x3FB5] =	sst s0;
	s0 =	simm.s32 @!p2 $0x0  }
0x16: {  	s3 =	sld [smem:$0x3FDB];
	s0 =	simm.s32 @p2 $0x1  }
0x17: {  	s4 =	simm.s32 $0x1BF5;
	[smem:$0x3FB7] =	sst s0  }
0x18: {  	s0 =	sld [smem:$0x3F9A];
	_ =	swait.ge [sflag:s4], $0x0  }
0x19: {  	s7 =	sld [smem:$0x3F9B]  }
0x1a: {  	s8 =	sadd.s32 $0xFFFFE003, lr  }
0x1b: {  	s9 =	sadd.s32 $0xFFFFFEF7, lr;
	s5 =	simm.s32 $0xFFFFFFFF;
	p2 =	slt.u32 s8, $0xFFFFF086  }
0x1c: {  	p1 =	slt.u32 s9, $0xF7A;
	s5 =	simm.s32 @!p2 $0x0  }
0x1d: {  	s5 =	simm.s32 @p1 $0x1;
	p0 =	seq.s32 s7, s2  }
0x1e: {  	s7 =	smul.u32 @!p0 $0xF7A, s2;
	p2 =	seq.s32 @!p0 s5, $0x0  }
0x1f: {  	s9 =	smul.u32 $0xF7A, s1;
	s8 =	simm.s32 @!p0 $0x1BF5;
	p2 =	por !p2, p0  }
0x20: {  	[sflag:s8] =	ssyncset.s32 @!p0 $0xFFFFF086;
	s6 =	sadd.s32 @!p0 s3, s7;
	s7 =	simm.s32 @!p0 $0x108  }
0x21: {  	s3 =	sadd.s32 s3, s9;
	s6 =	sadd.s32 @!p0 $0x88, s6;
	s7 =	simm.s32 @p2 $0x1082  }
0x22: {  	[simem:s7], [sflag:s8] =	dma.local @!p0 [hbm:s6], $0xF7A  }
0x23: {  	s9 =	sor.u32 $0xD0000000, s2;
	s6 =	simm.s32 $0x108;
	_ =	swait.ge @!p0 [sflag:s8], $0x0  }
0x24: {  	s3 =	sadd.s32 $0x88, s3;
	s6 =	simm.s32 @!p1 $0x1082;
	[sflag:s4] =	ssyncset.s32 $0xFFFFF086  }
0x25: {  	[simem:s6], [sflag:s4] =	dma.local [hbm:s3], $0xF7A  }
0x26: {  	[smem:$0x3F9B] =	sst s1;
	(tag) =	ssettag s2;
	_ =	strace s9  }
0x27: {  	s1 =	sld [smem:$0x3FAB]  }
0x28: {  	s2 =	sld [smem:$0x3FAC]  }
0x29: {  	s4 =	sld [smem:$0x3FAE]  }
0x2a: {  	p0 =	seq.s32 s5, $0x0;
	s5 =	sld [smem:$0x3FAF]  }
0x2b: {  	s6 =	sld [smem:$0x3FB0]  }
0x2c: {  	s7 =	sld [smem:$0x3FB1]  }
0x2d: {  	s3 =	simm.s32 $0x108;
	s8 =	sld [smem:$0x3FB2]  }
0x2e: {  	s3 =	simm.s32 @!p0 $0x1082;
	s9 =	sld [smem:$0x3FB3]  }
0x2f: {  	lr =	sadd.s32 s0, s3;
	s0 =	sld [smem:$0x3FAA]  }
0x30: {  	s3 =	sld [smem:$0x3FAD]  }
0x31: {  	[smem:$0x3FB6] =	sst s10  }
0x32: {  	s10 =	sld [smem:$0x3FB4];
	_ =	sdelay $0x3  }
0x33: {  	p0 =	seq.s32 s10, $0x1;
	s10 =	sld [smem:$0x3FB6];
	_ =	sdelay $0x3  }
0x34: {  	[smem:$0x3FB6] =	sst s10  }
0x35: {  	s10 =	sld [smem:$0x3FB5];
	_ =	sdelay $0x3  }
0x36: {  	p1 =	seq.s32 s10, $0x1;
	s10 =	sld [smem:$0x3FB6];
	_ =	sdelay $0x3  }
0x37: {  	[smem:$0x3FB6] =	sst s10  }
0x38: {  	s10 =	sld [smem:$0x3FB7]  }
0x39: {  	_ = 	snop;
	(pc) =	sbr.ind lr, $3  }
0x3a: {  	_ = 	snop  }
0x3b: {  	_ = 	snop  }
0x3c: {  	p2 =	seq.s32 s10, $0x1;
	s10 =	sld [smem:$0x3FB6]  }
0x3d: {  	_ =	shalt  }
0x3e: {  	_ =	shalt  }
0x3f: {  	_ =	shalt  }
0x40: {  	_ =	shalt  }
0x41: {  	_ =	shalt  }
0x42: {  	_ =	shalt  }
0x43: {  	_ =	shalt  }
0x44: {  	_ =	shalt  }
0x45: {  	_ =	shalt  }
0x46: {  	_ =	shalt  }
0x47: {  	_ =	shalt  }
0x48: {  	_ =	shalt  }
0x49: {  	_ =	shalt  }
0x4a: {  	_ =	shalt  }
0x4b: {  	_ =	shalt  }
0x4c: {  	_ =	shalt  }
0x4d: {  	_ =	shalt  }
0x4e: {  	_ =	shalt  }
0x4f: {  	_ =	shalt  }
0x50: {  	_ =	shalt  }
0x51: {  	_ =	shalt  }
0x52: {  	_ =	shalt  }
0x53: {  	_ =	shalt  }
0x54: {  	_ =	shalt  }
0x55: {  	_ =	shalt  }
0x56: {  	_ =	shalt  }
0x57: {  	_ =	shalt  }
0x58: {  	_ =	shalt  }
0x59: {  	_ =	shalt  }
0x5a: {  	_ =	shalt  }
0x5b: {  	_ =	shalt  }
0x5c: {  	_ =	shalt  }
0x5d: {  	_ =	shalt  }
0x5e: {  	_ =	shalt  }
0x5f: {  	_ =	shalt  }
0x60: {  	_ =	shalt  }
0x61: {  	_ =	shalt  }
0x62: {  	_ =	shalt  }
0x63: {  	_ =	shalt  }
0x64: {  	_ =	shalt  }
0x65: {  	_ =	shalt  }
0x66: {  	_ =	shalt  }
0x67: {  	_ =	shalt  }
0x68: {  	_ =	shalt  }
0x69: {  	_ =	shalt  }
0x6a: {  	_ =	shalt  }
0x6b: {  	_ =	shalt  }
0x6c: {  	_ =	shalt  }
0x6d: {  	_ =	shalt  }
0x6e: {  	_ =	shalt  }
0x6f: {  	_ =	shalt  }
0x70: {  	_ =	shalt  }
0x71: {  	_ =	shalt  }
0x72: {  	_ =	shalt  }
0x73: {  	_ =	shalt  }
0x74: {  	_ =	shalt  }
0x75: {  	_ =	shalt  }
0x76: {  	_ =	shalt  }
0x77: {  	_ =	shalt  }
0x78: {  	_ =	shalt  }
0x79: {  	_ =	shalt  }
0x7a: {  	_ =	shalt  }
0x7b: {  	_ =	shalt  }
0x7c: {  	_ =	shalt  }
0x7d: {  	_ =	shalt  }
0x7e: {  	_ =	shalt  }
0x7f: {  	_ =	shalt  }
0x80: {  	_ =	shalt  }
0x81: {  	_ =	shalt  }
0x82: {  	_ =	shalt  }
0x83: {  	_ =	shalt  }
0x84: {  	_ =	shalt  }
0x85: {  	_ =	shalt  }
0x86: {  	_ =	shalt  }
0x87: {  	_ =	shalt  }
.Lfunc_end0:
.L_simem_size_0:
called_computation.2_lowered:
.L_overlay_start_0:
0x88: {  	s2 =	sld [smem:$0x3FD9]  }
0x89: {  	s3 =	sld [smem:$0x3FFE];
	_ =	sdelay $0x1  }
0x8a: {  	s1 =	srdreg.scid  }
0x8b: {  	s0 =	sand.u32 $0x1, s1  }
0x8c: {  	s17 =	sshll.u32 s0, $0xA;
	s2 =	sadd.s32 s3, s2  }
0x8d: {  	s2 =	sadd.s32 s2, s17  }
0x8e: {  	[smem:$0x3FC2] =	sst s2  }
0x8f: {  	_ = 	snop  }
0x90: {  	s2 =	sld [smem:$0x3FD0];
	(tm) =	ssettm $0x1  }
0x91: {  	s18 =	sld [smem:$0x3FFB];
	_ =	sdelay $0x3  }
0x92: {  	_ =	strace s18  }
0x93: {  	s3 =	sld [smem:$0x3FFC];
	_ =	sdelay $0x3  }
0x94: {  	_ =	strace s3  }
0x95: {  	s3 =	sld [smem:$0x3FFD];
	_ =	sdelay $0x3  }
0x96: {  	_ =	strace s3  }
0x97: {  	_ =	strace $0x8FFFFFFF  }
0x98: {  	s19 =	sld [smem:$0x3FDB];
	_ =	sdelay $0x1  }
0x99: {  	s4 =	simm.s32 $_scs_section_size  }
0x9a: {  	s5 =	simm.s32 $_size__tile_overlayer_lowered;
	s6 =	simm.s32 $_tile_overlayer_lowered  }
0x9b: {  	s22 =	simm.s32 $0x1BFF;
	s21 =	sshll.u32 s6, $0x1;
	s3 =	sadd.s32 s4, s19  }
0x9c: {  	s7 =	simm.s32 $0x0;
	s20 =	sshll.u32 s5, $0x1;
	s5 =	sadd.s32 s21, s3  }
0x9d: {  	[timem:s7], [sflag:s22] =	dma.local [hbm:s5], s20  }
0x9e: {  	_ =	swait.ge [sflag:s22], s20  }
0x9f: {  	s4 =	ssub.s32 $0x0, s20;
	[sflag:s22] =	ssyncset.done $0x0  }
0xa0: {  	[sflag:s22] =	ssyncadd.s32 s4;
	_ =	sdelay $0x1  }
0xa1: {  	s23 =	simm.s32 $0x1B8B  }
0xa2: {  	_ =	swait.ge [sflag:s23], $0x1  }
0xa3: {  	[sflag:s23] =	ssyncset.done $0x0  }
0xa4: {  	s25 =	simm.s32 $0x1B8E;
	s24 =	sld [smem:$0x3FFE];
	[sflag:s23] =	ssyncadd.s32 $0xFFFFFFFF  }
0xa5: {  	s26 =	simm.s32 $execute0_lowered;
	[smem:$0x3FD2] =	sst s25  }
0xa6: {  	s5 =	sshll.u32 s26, $0x1;
	_ =	strace $0x8000004C;
	[dreg:$0x1] =	wrdreg $0xFFFFFFFF  }
0xa7: {  	s28 =	simm.s32 $_size_execute0_lowered;
	s3 =	sadd.s32 s3, s5;
	[dreg:$0x0] =	wrdreg $0x0  }
0xa8: {  	s5 =	sshll.u32 s28, $0x1;
	[dreg:$0x2] =	wrdreg s3  }
0xa9: {  	[dreg:$0x3] =	wrdreg s5  }
0xaa: {  	[dreg:$0x4] =	wrdreg $0xC0  }
0xab: {  	_ =	task [dreg:s7], $0x5FFFF  }
0xac: {  	[dreg:$0x1] =	wrdreg $0xFFFFFFFF  }
0xad: {  	[dreg:$0x0] =	wrdreg $0x60  }
0xae: {  	[dreg:$0x2] =	wrdreg s24  }
0xaf: {  	[dreg:$0x3] =	wrdreg s2  }
0xb0: {  	[dreg:$0x4] =	wrdreg $0x60000  }
0xb1: {  	[dreg:$0x5] =	wrdreg $0x9  }
0xb2: {  	_ =	task.clear_ibuf [dreg:s7], $0x6FFFF;
	_ =	strace $0x9000004C  }
0xb3: {  	s29 =	simm.s32 $0x9;
	_ =	strace $0x8000004E  }
0xb4: {  	_ =	swait.ge [sflag:s29], $0x1  }
0xb5: {  	[sflag:s29] =	ssyncadd.s32 $0xFFFFFFFF  }
0xb6: {  	_ =	strace $0x9000004E  }
0xb7: {  	_ =	sfence  }
0xb8: {  	s30 =	sld [smem:$0x0];
	_ =	sdelay $0x2  }
0xb9: {  	s31 =	sshll.u32 s1, $0xD;
	s1 =	sshrl.u32 s1, $0x2  }
0xba: {  	s3 =	sand.u32 $0x4000, s31;
	s1 =	sadd.s32 s1, s30  }
0xbb: {  	s0 =	sor.u32 s3, s0;
	s1 =	sshll.u32 s1, $0x11  }
0xbc: {  	s0 =	sor.u32 s1, s0  }
0xbd: {  	s0 =	sadd.s32 $0x8F2B, s0  }
0xbe: {  	[sflag:s0] =	ssyncadd.remote.s32 $0x1  }
0xbf: {  	_ =	sfence.sel $0xFFFF  }
0xc0: {  	[dreg:$0x0] =	wrdreg $0xFFFFFFFF;
	(pc) =	sbr.abs _section_cstart, $3  }
0xc1: {  	[dreg:$0x1] =	wrdreg $0xFFFFFFFF  }
0xc2: {  	_ =	task.clear_ibuf [dreg:s7], $0x2FFFF;
	_ =	strace $0x9FFFFFFF  }
0xc3: {  	(tm) =	ssettm $0x7FFFFFFF  }
tec
execute0_lowered:
.L_overlay_start_1:
0x0: {  	(tag) =	ssettag $0x1  }
0x1: {  	s0 =	rddreg [dreg:$0x0]  }
0x2: {  	s2 =	rddreg [dreg:$0x1]  }
0x3: {  	s3 =	rddreg [dreg:$0x2];
	s1 =	srdreg.scid  }
0x4: {  	s11 =	stileid.u32;
	s4 =	simm.s32 $0x0;
	s28 =	simm.s32 $0x4000  }
0x5: {  	s29 =	simm.s32 $0x1;
	s30 =	simm.s32 $0x5000;
	s31 =	simm.s32 $0x2  }
0x6: {  	s13 =	simm.s32 $0x1FC0;
	s5 =	sand.u32 $0x1, s1;
	s17 =	smul.u32 $0xA000, s11  }
0x7: {  	[smem:$0x7FF] =	sst s4;
	s9 =	smul.u32 $0x28000, s11;
	s6 =	sadd.s32 $0x52C00, s0  }
0x8: {  	s7 =	sadd.s32 $0x66C00, s0;
	s1 =	smul.u32 $0xC0, s11;
	s11 =	sshll.u32 s11, $0x7  }
0x9: {  	s8 =	smul.u32 $0xA0000, s5;
	_ =	strace $0x8000004D;
	s9 =	sshrl.u32 s9, $0x2  }
0xa: {  	s10 =	ssub.s32 $0x2, s5;
	p0 =	seq.s32 s5, $0x0;
	s9 =	sadd.s32 s9, s3  }
0xb: {  	s11 =	sadd.s32 $0xC00, s11;
	s18 =	sshrl.u32 s10, $0x1;
	s19 =	sadd.s32 $0x1000, s9  }
0xc: {  	s11 =	smov.u32 @p0 s1;
	s20 =	sadd.s32 $0x2000, s9;
	[dreg:$0x4] =	wrdreg s19  }
0xd: {  	s1 =	simm.s32 $0x4;
	s21 =	sadd.s32 $0x3000, s9;
	[dreg:$0x5] =	wrdreg s20  }
0xe: {  	s8 =	sadd.s32 s17, s8;
	s22 =	sadd.s32 $0x4000, s9;
	[dreg:$0x6] =	wrdreg s21  }
0xf: {  	s10 =	ssub.s32 s10, s18;
	s23 =	sadd.s32 $0x5000, s9;
	[dreg:$0x7] =	wrdreg s22  }
0x10: {  	s18 =	sshll.u32 s11, $0x6;
	s12 =	sadd.s32 $0x6000, s9;
	[dreg:$0x8] =	wrdreg s23  }
0x11: {  	s11 =	simm.s32 $0x1F40;
	s24 =	sadd.s32 $0x7000, s9;
	[dreg:$0x9] =	wrdreg s12  }
0x12: {  	s8 =	sshrl.u32 s8, $0x3;
	s25 =	sadd.s32 $0x8000, s9;
	[dreg:$0xa] =	wrdreg s24  }
0x13: {  	s26 =	sadd.s32 $0x9000, s9;
	s9 =	simm.s32 $0xFC0;
	[dreg:$0xb] =	wrdreg s25  }
0x14: {  	s0 =	sadd.s32 s8, s0;
	s8 =	sadd.s32 s17, s3;
	[dreg:$0xc] =	wrdreg s26  }
0x15: {  	s20 =	smax.u32 s10, $0x1;
	s21 =	simm.s32 $0x2000;
	s22 =	simm.s32 $0x5  }
0x16: {  	s23 =	simm.s32 $0x3000;
	s24 =	simm.s32 $0x1000;
	s25 =	simm.s32 $0x40  }
0x17: {  	s26 =	simm.s32 $0x80;
	s10 =	simm.s32 $0x1F00;
	s0 =	sadd.s32 $0x2C00, s0  }
0x18: {  	v0 =	vimm.f32 $0.0e+00;
	s12 =	simm.s32 $0x1F80;
	[dreg:$0xd] =	wrdreg s0;
	s0 =	simm.s32 $0x3  }
.LBB2_1:
0x19: {  	s14 =	simm.s32 $0x0;
	s15 =	simm.s32 $0x100  }
.LBB2_2:
0x1a: {  	p0 =	sne.s32 s15, $0x3F00;
	[tilespmem:s14+$0x3030] =	vst v0  }
0x1b: {  	[tilespmem:s14+$0x2000] =	vst v0  }
0x1c: {  	[tilespmem:s14+$0x2010] =	vst v0  }
.Ltmp0:
0x1d: {  	[tilespmem:s14+$0x2020] =	vst v0;
	(pc) =	sbr.rel @p0 .LBB2_2-.Ltmp0, $4  }
0x1e: {  	[tilespmem:s14+$0x2030] =	vst v0  }
0x1f: {  	[tilespmem:s14+$0x3000] =	vst v0  }
0x20: {  	[tilespmem:s14+$0x3010] =	vst v0  }
0x21: {  	[tilespmem:s14+$0x3020] =	vst v0;
	s14 =	sshra.s32 s15, $0x2;
	s15 =	sadd.s32 $0x100, s15  }
0x22: {  	[tilespmem:s14+$0x3030] =	vst v0  }
0x23: {  	[tilespmem:s14+$0x2000] =	vst v0  }
0x24: {  	[tilespmem:s14+$0x2010] =	vst v0  }
0x25: {  	[tilespmem:s14+$0x2020] =	vst v0  }
0x26: {  	[tilespmem:s14+$0x2030] =	vst v0  }
0x27: {  	[tilespmem:s14+$0x3000] =	vst v0  }
0x28: {  	[tilespmem:s14+$0x3010] =	vst v0  }
0x29: {  	[tilespmem:s14+$0x3020] =	vst v0  }
0x2a: {  	[spmem:s8] =	stream.linear.scatter [tilespmem:s21], [sflag:$0x5], $0x1000, $0x38;
	[tilespmem:$0x10000] =	vst v63  }
0x2b: {  	_ =	swait.ge [sflag:s22], $0x1000  }
0x2c: {  	[sflag:s22] =	ssyncset.done $0x0  }
0x2d: {  	s19 =	rddreg [dreg:$0x4];
	[sflag:s22] =	ssyncadd.s32 $0xFFFFF000  }
0x2e: {  	[spmem:s19] =	stream.linear.scatter [tilespmem:s23], [sflag:$0x5], $0x1000, $0x38;
	[tilespmem:$0x10000] =	vst v63  }
0x2f: {  	_ =	swait.ge [sflag:s22], $0x1000  }
0x30: {  	[sflag:s22] =	ssyncset.done $0x0  }
0x31: {  	s15 =	rddreg [dreg:$0x5];
	[sflag:s22] =	ssyncadd.s32 $0xFFFFF000  }
0x32: {  	[spmem:s15] =	stream.linear.scatter [tilespmem:s21], [sflag:$0x5], $0x1000, $0x38;
	[tilespmem:$0x10000] =	vst v63  }
0x33: {  	_ =	swait.ge [sflag:s22], $0x1000  }
0x34: {  	[sflag:s22] =	ssyncset.done $0x0  }
0x35: {  	s16 =	rddreg [dreg:$0x6];
	[sflag:s22] =	ssyncadd.s32 $0xFFFFF000  }
0x36: {  	[spmem:s16] =	stream.linear.scatter [tilespmem:s23], [sflag:$0x5], $0x1000, $0x38;
	[tilespmem:$0x10000] =	vst v63  }
0x37: {  	_ =	swait.ge [sflag:s22], $0x1000  }
0x38: {  	[sflag:s22] =	ssyncset.done $0x0  }
0x39: {  	s17 =	rddreg [dreg:$0x7];
	[sflag:s22] =	ssyncadd.s32 $0xFFFFF000  }
0x3a: {  	[spmem:s17] =	stream.linear.scatter [tilespmem:s21], [sflag:$0x5], $0x1000, $0x38;
	[tilespmem:$0x10000] =	vst v63  }
0x3b: {  	_ =	swait.ge [sflag:s22], $0x1000  }
0x3c: {  	[sflag:s22] =	ssyncset.done $0x0  }
0x3d: {  	s19 =	rddreg [dreg:$0x8];
	[sflag:s22] =	ssyncadd.s32 $0xFFFFF000  }
0x3e: {  	[spmem:s19] =	stream.linear.scatter [tilespmem:s23], [sflag:$0x5], $0x1000, $0x38;
	[tilespmem:$0x10000] =	vst v63  }
0x3f: {  	_ =	swait.ge [sflag:s22], $0x1000  }
0x40: {  	[sflag:s22] =	ssyncset.done $0x0  }
0x41: {  	s15 =	rddreg [dreg:$0x9];
	[sflag:s22] =	ssyncadd.s32 $0xFFFFF000  }
0x42: {  	[spmem:s15] =	stream.linear.scatter [tilespmem:s21], [sflag:$0x5], $0x1000, $0x38;
	[tilespmem:$0x10000] =	vst v63  }
0x43: {  	_ =	swait.ge [sflag:s22], $0x1000  }
0x44: {  	[sflag:s22] =	ssyncset.done $0x0  }
0x45: {  	s16 =	rddreg [dreg:$0xa];
	[sflag:s22] =	ssyncadd.s32 $0xFFFFF000  }
0x46: {  	[spmem:s16] =	stream.linear.scatter [tilespmem:s23], [sflag:$0x5], $0x1000, $0x38;
	[tilespmem:$0x10000] =	vst v63  }
0x47: {  	_ =	swait.ge [sflag:s22], $0x1000  }
0x48: {  	[sflag:s22] =	ssyncset.done $0x0  }
0x49: {  	s17 =	rddreg [dreg:$0xb];
	[sflag:s22] =	ssyncadd.s32 $0xFFFFF000  }
0x4a: {  	[spmem:s17] =	stream.linear.scatter [tilespmem:s21], [sflag:$0x5], $0x1000, $0x38;
	[tilespmem:$0x10000] =	vst v63  }
0x4b: {  	_ =	swait.ge [sflag:s22], $0x1000  }
0x4c: {  	[sflag:s22] =	ssyncset.done $0x0  }
0x4d: {  	s19 =	rddreg [dreg:$0xc];
	[sflag:s22] =	ssyncadd.s32 $0xFFFFF000  }
0x4e: {  	[spmem:s19] =	stream.linear.scatter [tilespmem:s23], [sflag:$0x5], $0x1000, $0x38;
	[tilespmem:$0x10000] =	vst v63  }
0x4f: {  	_ =	swait.ge [sflag:s22], $0x1000  }
0x50: {  	[sflag:s22] =	ssyncset.done $0x0  }
0x51: {  	[sflag:s22] =	ssyncadd.s32 $0xFFFFF000  }
0x52: {  	s14 =	simm.s32 $0x0;
	s15 =	simm.s32 $0x0;
	[bflag:$0x0] =	sbarrier.arrive $0xFFFF  }
.LBB2_4:
0x53: {  	s16 =	sshll.u32 s15, $0xC  }
0x54: {  	s16 =	sadd.s32 s18, s16  }
0x55: {  	s16 =	sshrl.u32 s16, $0x3  }
0x56: {  	s17 =	sadd.s32 s7, s16  }
0x57: {  	[tilespmem:s14], [sflag:$0x5] =	stream.linear.gather [hbm4b:s17+s14], $0x1000, $0x38;
	[tilespmem:$0x10000] =	vst v63  }
0x58: {  	_ =	swait.ge [sflag:s22], $0x1000  }
0x59: {  	[sflag:s22] =	ssyncset.done $0x0  }
0x5a: {  	s16 =	sadd.s32 s2, s16;
	[sflag:s22] =	ssyncadd.s32 $0xFFFFF000  }
0x5b: {  	[tilespmem:s24], [sflag:$0x5] =	stream.linear.gather [hbm4b:s16+s14], $0x1000, $0x38;
	[tilespmem:$0x10000] =	vst v63  }
0x5c: {  	_ =	swait.ge [sflag:s22], $0x1000  }
0x5d: {  	[sflag:s22] =	ssyncset.done $0x0  }
0x5e: {  	[sflag:s22] =	ssyncadd.s32 $0xFFFFF000  }
0x5f: {  	[tilespmem:s21], [sflag:$0x1] =	stream.indirect.gather [hbm4b:s6+s25], $0x40, s14, s25, $0xb8;
	[tilespmem:$0x10000] =	vst v63  }
0x60: {  	_ = 	snop  }
0x61: {  	[tilespmem:s23], [sflag:$0x2] =	stream.indirect.gather [hbm4b:s6+s25], $0x40, s25, s25, $0xb8;
	[tilespmem:$0x10000] =	vst v63  }
0x62: {  	_ = 	snop  }
0x63: {  	[tilespmem:s28], [sflag:$0x3] =	stream.indirect.gather [hbm4b:s6+s25], $0x40, s26, s25, $0xb8;
	[tilespmem:$0x10000] =	vst v63  }
0x64: {  	_ =	swait.ge [sflag:s29], $0x1000  }
0x65: {  	[sflag:s29] =	ssyncset.done $0x0  }
0x66: {  	s17 =	simm.s32 $0xC0;
	[sflag:s29] =	ssyncadd.s32 $0xFFFFF000  }
0x67: {  	[tilespmem:s30], [sflag:$0x4] =	stream.indirect.gather [hbm4b:s6+s25], $0x40, s17, s25, $0xb8;
	[tilespmem:$0x10000] =	vst v63  }
0x68: {  	s19 =	simm.s32 $0x1000  }
0x69: {  	[spmem:s3] =	stream.indirect.scatter.add.f32 [tilespmem:s21], [sflag:$0x5], $0x40, s19, s25, $0xb8;
	[tilespmem:$0x10000] =	vst v63  }
0x6a: {  	_ =	swait.ge [sflag:s22], $0x1000  }
0x6b: {  	[sflag:s22] =	ssyncset.done $0x0  }
0x6c: {  	[sflag:s22] =	ssyncadd.s32 $0xFFFFF000  }
0x6d: {  	_ =	swait.ge [sflag:s31], $0x1000  }
0x6e: {  	[sflag:s31] =	ssyncset.done $0x0  }
0x6f: {  	s17 =	simm.s32 $0x100;
	[sflag:s31] =	ssyncadd.s32 $0xFFFFF000  }
0x70: {  	[tilespmem:s21], [sflag:$0x1] =	stream.indirect.gather [hbm4b:s6+s25], $0x40, s17, s25, $0xb8;
	[tilespmem:$0x10000] =	vst v63  }
0x71: {  	s19 =	simm.s32 $0x1040  }
0x72: {  	[spmem:s3] =	stream.indirect.scatter.add.f32 [tilespmem:s23], [sflag:$0x5], $0x40, s19, s25, $0xb8;
	[tilespmem:$0x10000] =	vst v63  }
0x73: {  	_ =	swait.ge [sflag:s22], $0x1000  }
0x74: {  	[sflag:s22] =	ssyncset.done $0x0  }
0x75: {  	[sflag:s22] =	ssyncadd.s32 $0xFFFFF000  }
0x76: {  	_ =	swait.ge [sflag:s0], $0x1000  }
0x77: {  	[sflag:s0] =	ssyncset.done $0x0  }
0x78: {  	s17 =	simm.s32 $0x140;
	[sflag:s0] =	ssyncadd.s32 $0xFFFFF000  }
0x79: {  	[tilespmem:s23], [sflag:$0x2] =	stream.indirect.gather [hbm4b:s6+s25], $0x40, s17, s25, $0xb8;
	[tilespmem:$0x10000] =	vst v63  }
0x7a: {  	s19 =	simm.s32 $0x1080  }
0x7b: {  	[spmem:s3] =	stream.indirect.scatter.add.f32 [tilespmem:s28], [sflag:$0x5], $0x40, s19, s25, $0xb8;
	[tilespmem:$0x10000] =	vst v63  }
0x7c: {  	_ =	swait.ge [sflag:s22], $0x1000  }
0x7d: {  	[sflag:s22] =	ssyncset.done $0x0  }
0x7e: {  	[sflag:s22] =	ssyncadd.s32 $0xFFFFF000  }
0x7f: {  	_ =	swait.ge [sflag:s1], $0x1000  }
0x80: {  	[sflag:s1] =	ssyncset.done $0x0  }
0x81: {  	s17 =	simm.s32 $0x180;
	[sflag:s1] =	ssyncadd.s32 $0xFFFFF000  }
0x82: {  	[tilespmem:s28], [sflag:$0x3] =	stream.indirect.gather [hbm4b:s6+s25], $0x40, s17, s25, $0xb8;
	[tilespmem:$0x10000] =	vst v63  }
0x83: {  	s19 =	simm.s32 $0x10C0  }
0x84: {  	[spmem:s3] =	stream.indirect.scatter.add.f32 [tilespmem:s30], [sflag:$0x5], $0x40, s19, s25, $0xb8;
	[tilespmem:$0x10000] =	vst v63  }
0x85: {  	_ =	swait.ge [sflag:s22], $0x1000  }
0x86: {  	s16 =	simm.s32 $0x400;
	[sflag:s22] =	ssyncset.done $0x0  }
.LBB2_5:
0x87: {  	p0 =	sne.s32 s16, $0x3800  }
0x88: {  	[sflag:s22] =	ssyncadd.s32 $0xFFFFF000;
	s17 =	smov.u32 s16;
	s16 =	sadd.s32 $0x400, s16  }
0x89: {  	_ = 	snop  }
0x8a: {  	_ =	swait.ge [sflag:s29], $0x1000  }
0x8b: {  	s17 =	sshra.s32 s17, $0x2;
	[sflag:s29] =	ssyncset.done $0x0  }
0x8c: {  	s19 =	sadd.s32 $0xC0, s17;
	[sflag:s29] =	ssyncadd.s32 $0xFFFFF000  }
0x8d: {  	[tilespmem:s30], [sflag:$0x4] =	stream.indirect.gather [hbm4b:s6+s25], $0x40, s19, s25, $0xb8;
	[tilespmem:$0x10000] =	vst v63  }
0x8e: {  	s19 =	sadd.s32 $0x1000, s17  }
0x8f: {  	[spmem:s3] =	stream.indirect.scatter.add.f32 [tilespmem:s21], [sflag:$0x5], $0x40, s19, s25, $0xb8;
	[tilespmem:$0x10000] =	vst v63  }
0x90: {  	_ =	swait.ge [sflag:s22], $0x1000  }
0x91: {  	[sflag:s22] =	ssyncset.done $0x0  }
0x92: {  	[sflag:s22] =	ssyncadd.s32 $0xFFFFF000  }
0x93: {  	_ =	swait.ge [sflag:s31], $0x1000  }
0x94: {  	[sflag:s31] =	ssyncset.done $0x0  }
0x95: {  	s19 =	sadd.s32 $0x100, s17;
	[sflag:s31] =	ssyncadd.s32 $0xFFFFF000  }
0x96: {  	[tilespmem:s21], [sflag:$0x1] =	stream.indirect.gather [hbm4b:s6+s25], $0x40, s19, s25, $0xb8;
	[tilespmem:$0x10000] =	vst v63  }
0x97: {  	s19 =	sadd.s32 $0x1040, s17  }
0x98: {  	[spmem:s3] =	stream.indirect.scatter.add.f32 [tilespmem:s23], [sflag:$0x5], $0x40, s19, s25, $0xb8;
	[tilespmem:$0x10000] =	vst v63  }
0x99: {  	_ =	swait.ge [sflag:s22], $0x1000  }
0x9a: {  	[sflag:s22] =	ssyncset.done $0x0  }
0x9b: {  	[sflag:s22] =	ssyncadd.s32 $0xFFFFF000  }
0x9c: {  	_ =	swait.ge [sflag:s0], $0x1000  }
0x9d: {  	[sflag:s0] =	ssyncset.done $0x0  }
0x9e: {  	s19 =	sadd.s32 $0x140, s17;
	[sflag:s0] =	ssyncadd.s32 $0xFFFFF000  }
0x9f: {  	[tilespmem:s23], [sflag:$0x2] =	stream.indirect.gather [hbm4b:s6+s25], $0x40, s19, s25, $0xb8;
	[tilespmem:$0x10000] =	vst v63  }
0xa0: {  	s19 =	sadd.s32 $0x1080, s17  }
0xa1: {  	[spmem:s3] =	stream.indirect.scatter.add.f32 [tilespmem:s28], [sflag:$0x5], $0x40, s19, s25, $0xb8;
	[tilespmem:$0x10000] =	vst v63  }
0xa2: {  	_ =	swait.ge [sflag:s22], $0x1000  }
0xa3: {  	[sflag:s22] =	ssyncset.done $0x0  }
0xa4: {  	[sflag:s22] =	ssyncadd.s32 $0xFFFFF000  }
0xa5: {  	_ =	swait.ge [sflag:s1], $0x1000  }
0xa6: {  	[sflag:s1] =	ssyncset.done $0x0  }
0xa7: {  	s19 =	sadd.s32 $0x180, s17;
	[sflag:s1] =	ssyncadd.s32 $0xFFFFF000  }
0xa8: {  	[tilespmem:s28], [sflag:$0x3] =	stream.indirect.gather [hbm4b:s6+s25], $0x40, s19, s25, $0xb8;
	[tilespmem:$0x10000] =	vst v63  }
.Ltmp1:
0xa9: {  	_ = 	snop;
	(pc) =	sbr.rel @p0 .LBB2_5-.Ltmp1, $4  }
0xaa: {  	s17 =	sadd.s32 $0x10C0, s17  }
0xab: {  	[spmem:s3] =	stream.indirect.scatter.add.f32 [tilespmem:s30], [sflag:$0x5], $0x40, s17, s25, $0xb8;
	[tilespmem:$0x10000] =	vst v63  }
0xac: {  	_ =	swait.ge [sflag:s22], $0x1000  }
0xad: {  	[sflag:s22] =	ssyncset.done $0x0  }
0xae: {  	[sflag:s22] =	ssyncadd.s32 $0xFFFFF000  }
0xaf: {  	_ =	swait.ge [sflag:s29], $0x1000  }
0xb0: {  	[sflag:s29] =	ssyncset.done $0x0  }
0xb1: {  	[sflag:s29] =	ssyncadd.s32 $0xFFFFF000  }
0xb2: {  	[tilespmem:s30], [sflag:$0x4] =	stream.indirect.gather [hbm4b:s6+s25], $0x40, s9, s25, $0xb8;
	[tilespmem:$0x10000] =	vst v63  }
0xb3: {  	_ = 	snop  }
0xb4: {  	[spmem:s3] =	stream.indirect.scatter.add.f32 [tilespmem:s21], [sflag:$0x5], $0x40, s10, s25, $0xb8;
	[tilespmem:$0x10000] =	vst v63  }
0xb5: {  	_ =	swait.ge [sflag:s22], $0x1000  }
0xb6: {  	[sflag:s22] =	ssyncset.done $0x0  }
0xb7: {  	[sflag:s22] =	ssyncadd.s32 $0xFFFFF000  }
0xb8: {  	_ =	swait.ge [sflag:s31], $0x1000  }
0xb9: {  	[sflag:s31] =	ssyncset.done $0x0  }
0xba: {  	[sflag:s31] =	ssyncadd.s32 $0xFFFFF000  }
0xbb: {  	[spmem:s3] =	stream.indirect.scatter.add.f32 [tilespmem:s23], [sflag:$0x5], $0x40, s11, s25, $0xb8;
	[tilespmem:$0x10000] =	vst v63  }
0xbc: {  	_ =	swait.ge [sflag:s22], $0x1000  }
0xbd: {  	[sflag:s22] =	ssyncset.done $0x0  }
0xbe: {  	[sflag:s22] =	ssyncadd.s32 $0xFFFFF000  }
0xbf: {  	_ =	swait.ge [sflag:s0], $0x1000  }
0xc0: {  	[sflag:s0] =	ssyncset.done $0x0  }
0xc1: {  	[sflag:s0] =	ssyncadd.s32 $0xFFFFF000  }
0xc2: {  	[spmem:s3] =	stream.indirect.scatter.add.f32 [tilespmem:s28], [sflag:$0x5], $0x40, s12, s25, $0xb8;
	[tilespmem:$0x10000] =	vst v63  }
0xc3: {  	_ =	swait.ge [sflag:s22], $0x1000  }
0xc4: {  	[sflag:s22] =	ssyncset.done $0x0  }
0xc5: {  	s15 =	sadd.s32 $0x1, s15;
	[sflag:s22] =	ssyncadd.s32 $0xFFFFF000  }
0xc6: {  	s16 =	sxor.u32 s15, s5;
	_ =	swait.ge [sflag:s1], $0x1000  }
0xc7: {  	p0 =	sne.s32 s16, $0x3;
	[sflag:s1] =	ssyncset.done $0x0  }
.Ltmp2:
0xc8: {  	[sflag:s1] =	ssyncadd.s32 $0xFFFFF000;
	(pc) =	sbr.rel @p0 .LBB2_4-.Ltmp2, $4  }
0xc9: {  	[spmem:s3] =	stream.indirect.scatter.add.f32 [tilespmem:s30], [sflag:$0x5], $0x40, s13, s25, $0xb8;
	[tilespmem:$0x10000] =	vst v63  }
0xca: {  	_ =	swait.ge [sflag:s22], $0x1000  }
0xcb: {  	[sflag:s22] =	ssyncset.done $0x0  }
0xcc: {  	[sflag:s22] =	ssyncadd.s32 $0xFFFFF000  }
0xcd: {  	s14 =	stileid.u32;
	[bflag:$0x0] =	sbarrier.arrive $0xFFFF;
	s4 =	sadd.s32 $0x1, s4  }
0xce: {  	s15 =	sshrl.u32 s8, $0x3;
	s14 =	sshll.u32 s14, $0x6;
	p0 =	sne.s32 s4, s20  }
.Ltmp3:
0xcf: {  	s16 =	rddreg [dreg:$0xd];
	s14 =	sor.u32 $0x1C05, s14;
	(pc) =	sbr.rel @p0 .LBB2_1-.Ltmp3, $4  }
0xd0: {  	[hbm:s16], [sflag:s14] =	dma.local [spmem:s15], $0x1400  }
0xd1: {  	_ =	swait.ge [sflag:s22], $0x1400  }
0xd2: {  	[sflag:s22] =	ssyncset.done $0x0  }
0xd3: {  	[sflag:s22] =	ssyncadd.s32 $0xFFFFEC00  }
0xd4: {  	_ =	sfence.sel $0x180000  }
0xd5: {  	[bflag:$0x0] =	sbarrier.arrive $0xFFFF  }
0xd6: {  	_ =	strace $0x9000004D  }
0xd7: {  	s0 =	stileid.u32;
	[bflag:$0x2] =	sbarrier.arrive $0xFFFF  }
0xd8: {  	p0 =	sne.s32 s0, $0x0;
	s0 =	rddreg [dreg:$0x3]  }
0xd9: {  	s0 =	sadd.s32 @!p0 $0x100000, s0  }
0xda: {  	[sflag:s0] =	ssyncadd.tile.s32 @!p0 $0x1;
	_ =	shalt  }
.Lfunc_end2:
_tile_overlayer_lowered:
.L_overlay_start_2:
0xdb: {  	(tag) =	ssettag $0x2  }
0xdc: {  	s0 =	rddreg [dreg:$0x0];
	s2 =	stileid.u32  }
0xdd: {  	s1 =	rddreg [dreg:$0x1];
	p0 =	sne.s32 s2, $0x0  }
0xde: {  	s3 =	rddreg [dreg:$0x2];
	[bflag:$0x3] =	sbarrier.arrive $0xFFFF;
	s2 =	simm.s32 @!p0 $0x1C05  }
0xdf: {  	[timem:s3], [sflag:s2] =	dma.local @!p0 [hbm:s0], s1  }
0xe0: {  	s0 =	simm.s32 @!p0 $0x5  }
0xe1: {  	_ =	swait.ge @!p0 [sflag:s0], s1  }
0xe2: {  	s1 =	ssub.s32 @!p0 $0x0, s1;
	[sflag:s0] =	ssyncset.done @!p0 $0x0  }
0xe3: {  	[sflag:s0] =	ssyncadd.s32 @!p0 s1  }
0xe4: {  	[bflag:$0x3] =	sbarrier.arrive $0xFFFF  }
0xe5: {  	_ =	shalt  }

// kernel: kernel.8.cloned.1.call-start
scs
__scs_entry_jumppad:
0x0: {  	(pc) =	sbr.rel $0x88, $3  }
0x1: {  	(tag) =	ssettag $0x0;
	lr =	simm.s32 $0x1  }
0x2: {  	[smem:$0x3F9B] =	sst lr;
	_ =	strace $0xD0000000  }
0x3: {  	_ = 	snop  }
0x4: {  	_ = 	snop  }
0x5: {  	_ = 	snop  }
0x6: {  	_ = 	snop  }
0x7: {  	_ = 	snop  }
__scs_overlays_trampoline_lowered:
0x8: {  	[smem:$0x3FAA] =	sst s0  }
0x9: {  	[smem:$0x3FAB] =	sst s1  }
0xa: {  	[smem:$0x3FAC] =	sst s2  }
0xb: {  	[smem:$0x3FAD] =	sst s3  }
0xc: {  	[smem:$0x3FAE] =	sst s4  }
0xd: {  	[smem:$0x3FAF] =	sst s5  }
0xe: {  	[smem:$0x3FB0] =	sst s6  }
0xf: {  	[smem:$0x3FB1] =	sst s7  }
0x10: {  	[smem:$0x3FB2] =	sst s8  }
0x11: {  	[smem:$0x3FB3] =	sst s9;
	s0 =	simm.s32 @!p0 $0x0  }
0x12: {  	s1 =	sld [smem:$0x3F99];
	s0 =	simm.s32 @p0 $0x1  }
0x13: {  	[smem:$0x3FB4] =	sst s0;
	s0 =	simm.s32 @!p1 $0x0  }
0x14: {  	s2 =	sld [smem:$0x3F98];
	s0 =	simm.s32 @p1 $0x1  }
0x15: {  	[smem:$0x3FB5] =	sst s0;
	s0 =	simm.s32 @!p2 $0x0  }
0x16: {  	s3 =	sld [smem:$0x3FDB];
	s0 =	simm.s32 @p2 $0x1  }
0x17: {  	s4 =	simm.s32 $0x1BF5;
	[smem:$0x3FB7] =	sst s0  }
0x18: {  	s0 =	sld [smem:$0x3F9A];
	_ =	swait.ge [sflag:s4], $0x0  }
0x19: {  	s7 =	sld [smem:$0x3F9B]  }
0x1a: {  	s8 =	sadd.s32 $0xFFFFE003, lr  }
0x1b: {  	s9 =	sadd.s32 $0xFFFFFEF7, lr;
	s5 =	simm.s32 $0xFFFFFFFF;
	p2 =	slt.u32 s8, $0xFFFFF086  }
0x1c: {  	p1 =	slt.u32 s9, $0xF7A;
	s5 =	simm.s32 @!p2 $0x0  }
0x1d: {  	s5 =	simm.s32 @p1 $0x1;
	p0 =	seq.s32 s7, s2  }
0x1e: {  	s7 =	smul.u32 @!p0 $0xF7A, s2;
	p2 =	seq.s32 @!p0 s5, $0x0  }
0x1f: {  	s9 =	smul.u32 $0xF7A, s1;
	s8 =	simm.s32 @!p0 $0x1BF5;
	p2 =	por !p2, p0  }
0x20: {  	[sflag:s8] =	ssyncset.s32 @!p0 $0xFFFFF086;
	s6 =	sadd.s32 @!p0 s3, s7;
	s7 =	simm.s32 @!p0 $0x108  }
0x21: {  	s3 =	sadd.s32 s3, s9;
	s6 =	sadd.s32 @!p0 $0x88, s6;
	s7 =	simm.s32 @p2 $0x1082  }
0x22: {  	[simem:s7], [sflag:s8] =	dma.local @!p0 [hbm:s6], $0xF7A  }
0x23: {  	s9 =	sor.u32 $0xD0000000, s2;
	s6 =	simm.s32 $0x108;
	_ =	swait.ge @!p0 [sflag:s8], $0x0  }
0x24: {  	s3 =	sadd.s32 $0x88, s3;
	s6 =	simm.s32 @!p1 $0x1082;
	[sflag:s4] =	ssyncset.s32 $0xFFFFF086  }
0x25: {  	[simem:s6], [sflag:s4] =	dma.local [hbm:s3], $0xF7A  }
0x26: {  	[smem:$0x3F9B] =	sst s1;
	(tag) =	ssettag s2;
	_ =	strace s9  }
0x27: {  	s1 =	sld [smem:$0x3FAB]  }
0x28: {  	s2 =	sld [smem:$0x3FAC]  }
0x29: {  	s4 =	sld [smem:$0x3FAE]  }
0x2a: {  	p0 =	seq.s32 s5, $0x0;
	s5 =	sld [smem:$0x3FAF]  }
0x2b: {  	s6 =	sld [smem:$0x3FB0]  }
0x2c: {  	s7 =	sld [smem:$0x3FB1]  }
0x2d: {  	s3 =	simm.s32 $0x108;
	s8 =	sld [smem:$0x3FB2]  }
0x2e: {  	s3 =	simm.s32 @!p0 $0x1082;
	s9 =	sld [smem:$0x3FB3]  }
0x2f: {  	lr =	sadd.s32 s0, s3;
	s0 =	sld [smem:$0x3FAA]  }
0x30: {  	s3 =	sld [smem:$0x3FAD]  }
0x31: {  	[smem:$0x3FB6] =	sst s10  }
0x32: {  	s10 =	sld [smem:$0x3FB4];
	_ =	sdelay $0x3  }
0x33: {  	p0 =	seq.s32 s10, $0x1;
	s10 =	sld [smem:$0x3FB6];
	_ =	sdelay $0x3  }
0x34: {  	[smem:$0x3FB6] =	sst s10  }
0x35: {  	s10 =	sld [smem:$0x3FB5];
	_ =	sdelay $0x3  }
0x36: {  	p1 =	seq.s32 s10, $0x1;
	s10 =	sld [smem:$0x3FB6];
	_ =	sdelay $0x3  }
0x37: {  	[smem:$0x3FB6] =	sst s10  }
0x38: {  	s10 =	sld [smem:$0x3FB7]  }
0x39: {  	_ = 	snop;
	(pc) =	sbr.ind lr, $3  }
0x3a: {  	_ = 	snop  }
0x3b: {  	_ = 	snop  }
0x3c: {  	p2 =	seq.s32 s10, $0x1;
	s10 =	sld [smem:$0x3FB6]  }
0x3d: {  	_ =	shalt  }
0x3e: {  	_ =	shalt  }
0x3f: {  	_ =	shalt  }
0x40: {  	_ =	shalt  }
0x41: {  	_ =	shalt  }
0x42: {  	_ =	shalt  }
0x43: {  	_ =	shalt  }
0x44: {  	_ =	shalt  }
0x45: {  	_ =	shalt  }
0x46: {  	_ =	shalt  }
0x47: {  	_ =	shalt  }
0x48: {  	_ =	shalt  }
0x49: {  	_ =	shalt  }
0x4a: {  	_ =	shalt  }
0x4b: {  	_ =	shalt  }
0x4c: {  	_ =	shalt  }
0x4d: {  	_ =	shalt  }
0x4e: {  	_ =	shalt  }
0x4f: {  	_ =	shalt  }
0x50: {  	_ =	shalt  }
0x51: {  	_ =	shalt  }
0x52: {  	_ =	shalt  }
0x53: {  	_ =	shalt  }
0x54: {  	_ =	shalt  }
0x55: {  	_ =	shalt  }
0x56: {  	_ =	shalt  }
0x57: {  	_ =	shalt  }
0x58: {  	_ =	shalt  }
0x59: {  	_ =	shalt  }
0x5a: {  	_ =	shalt  }
0x5b: {  	_ =	shalt  }
0x5c: {  	_ =	shalt  }
0x5d: {  	_ =	shalt  }
0x5e: {  	_ =	shalt  }
0x5f: {  	_ =	shalt  }
0x60: {  	_ =	shalt  }
0x61: {  	_ =	shalt  }
0x62: {  	_ =	shalt  }
0x63: {  	_ =	shalt  }
0x64: {  	_ =	shalt  }
0x65: {  	_ =	shalt  }
0x66: {  	_ =	shalt  }
0x67: {  	_ =	shalt  }
0x68: {  	_ =	shalt  }
0x69: {  	_ =	shalt  }
0x6a: {  	_ =	shalt  }
0x6b: {  	_ =	shalt  }
0x6c: {  	_ =	shalt  }
0x6d: {  	_ =	shalt  }
0x6e: {  	_ =	shalt  }
0x6f: {  	_ =	shalt  }
0x70: {  	_ =	shalt  }
0x71: {  	_ =	shalt  }
0x72: {  	_ =	shalt  }
0x73: {  	_ =	shalt  }
0x74: {  	_ =	shalt  }
0x75: {  	_ =	shalt  }
0x76: {  	_ =	shalt  }
0x77: {  	_ =	shalt  }
0x78: {  	_ =	shalt  }
0x79: {  	_ =	shalt  }
0x7a: {  	_ =	shalt  }
0x7b: {  	_ =	shalt  }
0x7c: {  	_ =	shalt  }
0x7d: {  	_ =	shalt  }
0x7e: {  	_ =	shalt  }
0x7f: {  	_ =	shalt  }
0x80: {  	_ =	shalt  }
0x81: {  	_ =	shalt  }
0x82: {  	_ =	shalt  }
0x83: {  	_ =	shalt  }
0x84: {  	_ =	shalt  }
0x85: {  	_ =	shalt  }
0x86: {  	_ =	shalt  }
0x87: {  	_ =	shalt  }
.Lfunc_end0:
.L_simem_size_0:
called_computation_lowered:
.L_overlay_start_0:
0x88: {  	s2 =	sld [smem:$0x3FD9]  }
0x89: {  	s3 =	sld [smem:$0x3FFE];
	_ =	sdelay $0x1  }
0x8a: {  	s1 =	srdreg.scid  }
0x8b: {  	s0 =	sand.u32 $0x1, s1  }
0x8c: {  	s17 =	sshll.u32 s0, $0xA;
	s2 =	sadd.s32 s3, s2  }
0x8d: {  	s2 =	sadd.s32 s2, s17  }
0x8e: {  	[smem:$0x3FC2] =	sst s2  }
0x8f: {  	_ = 	snop  }
0x90: {  	s2 =	sld [smem:$0x3FD0];
	(tm) =	ssettm $0x1  }
0x91: {  	s18 =	sld [smem:$0x3FFB];
	_ =	sdelay $0x3  }
0x92: {  	_ =	strace s18  }
0x93: {  	s3 =	sld [smem:$0x3FFC];
	_ =	sdelay $0x3  }
0x94: {  	_ =	strace s3  }
0x95: {  	s3 =	sld [smem:$0x3FFD];
	_ =	sdelay $0x3  }
0x96: {  	_ =	strace s3  }
0x97: {  	_ =	strace $0x8FFFFFFF  }
0x98: {  	s19 =	sld [smem:$0x3FDB];
	_ =	sdelay $0x1  }
0x99: {  	s4 =	simm.s32 $_scs_section_size  }
0x9a: {  	s5 =	simm.s32 $_size__tile_overlayer_lowered;
	s6 =	simm.s32 $_tile_overlayer_lowered  }
0x9b: {  	s22 =	simm.s32 $0x1BFF;
	s21 =	sshll.u32 s6, $0x1;
	s3 =	sadd.s32 s4, s19  }
0x9c: {  	s7 =	simm.s32 $0x0;
	s20 =	sshll.u32 s5, $0x1;
	s5 =	sadd.s32 s21, s3  }
0x9d: {  	[timem:s7], [sflag:s22] =	dma.local [hbm:s5], s20  }
0x9e: {  	_ =	swait.ge [sflag:s22], s20  }
0x9f: {  	s4 =	ssub.s32 $0x0, s20;
	[sflag:s22] =	ssyncset.done $0x0  }
0xa0: {  	[sflag:s22] =	ssyncadd.s32 s4;
	_ =	sdelay $0x1  }
0xa1: {  	s23 =	simm.s32 $0x1B8B  }
0xa2: {  	_ =	swait.ge [sflag:s23], $0x1  }
0xa3: {  	[sflag:s23] =	ssyncset.done $0x0  }
0xa4: {  	s25 =	simm.s32 $0x1B8E;
	s24 =	sld [smem:$0x3FFE];
	[sflag:s23] =	ssyncadd.s32 $0xFFFFFFFF  }
0xa5: {  	s26 =	simm.s32 $execute0_lowered;
	[smem:$0x3FD2] =	sst s25  }
0xa6: {  	s5 =	sshll.u32 s26, $0x1;
	_ =	strace $0x80000046;
	[dreg:$0x1] =	wrdreg $0xFFFFFFFF  }
0xa7: {  	s28 =	simm.s32 $_size_execute0_lowered;
	s3 =	sadd.s32 s3, s5;
	[dreg:$0x0] =	wrdreg $0x0  }
0xa8: {  	s5 =	sshll.u32 s28, $0x1;
	[dreg:$0x2] =	wrdreg s3  }
0xa9: {  	[dreg:$0x3] =	wrdreg s5  }
0xaa: {  	[dreg:$0x4] =	wrdreg $0xC0  }
0xab: {  	_ =	task [dreg:s7], $0x5FFFF  }
0xac: {  	[dreg:$0x1] =	wrdreg $0xFFFFFFFF  }
0xad: {  	[dreg:$0x0] =	wrdreg $0x60  }
0xae: {  	[dreg:$0x2] =	wrdreg s2  }
0xaf: {  	[dreg:$0x3] =	wrdreg s24  }
0xb0: {  	[dreg:$0x4] =	wrdreg $0x68000  }
0xb1: {  	[dreg:$0x5] =	wrdreg $0x9  }
0xb2: {  	_ =	task.clear_ibuf [dreg:s7], $0x6FFFF;
	_ =	strace $0x90000046  }
0xb3: {  	s29 =	simm.s32 $0x9;
	_ =	strace $0x80000048  }
0xb4: {  	_ =	swait.ge [sflag:s29], $0x1  }
0xb5: {  	[sflag:s29] =	ssyncadd.s32 $0xFFFFFFFF  }
0xb6: {  	_ =	strace $0x90000048  }
0xb7: {  	_ =	sfence  }
0xb8: {  	s30 =	sld [smem:$0x0];
	_ =	sdelay $0x2  }
0xb9: {  	s31 =	sshll.u32 s1, $0xD;
	s1 =	sshrl.u32 s1, $0x2  }
0xba: {  	s3 =	sand.u32 $0x4000, s31;
	s1 =	sadd.s32 s1, s30  }
0xbb: {  	s0 =	sor.u32 s3, s0;
	s1 =	sshll.u32 s1, $0x11  }
0xbc: {  	s0 =	sor.u32 s1, s0  }
0xbd: {  	s0 =	sadd.s32 $0x8F2B, s0  }
0xbe: {  	[sflag:s0] =	ssyncadd.remote.s32 $0x1  }
0xbf: {  	_ =	sfence.sel $0xFFFF  }
0xc0: {  	[dreg:$0x0] =	wrdreg $0xFFFFFFFF;
	(pc) =	sbr.abs _section_cstart, $3  }
0xc1: {  	[dreg:$0x1] =	wrdreg $0xFFFFFFFF  }
0xc2: {  	_ =	task.clear_ibuf [dreg:s7], $0x2FFFF;
	_ =	strace $0x9FFFFFFF  }
0xc3: {  	(tm) =	ssettm $0x7FFFFFFF  }
tec
execute0_lowered:
.L_overlay_start_1:
0x0: {  	(tag) =	ssettag $0x1  }
0x1: {  	s9 =	rddreg [dreg:$0x0]  }
0x2: {  	s6 =	rddreg [dreg:$0x1]  }
0x3: {  	s0 =	srdreg.scid;
	s2 =	rddreg [dreg:$0x2]  }
0x4: {  	s1 =	rddreg [dreg:$0x3];
	s3 =	simm.s32 $0x0;
	s4 =	sand.u32 $0x1, s0  }
0x5: {  	s13 =	simm.s32 $0x1;
	s0 =	stileid.u32;
	s5 =	smul.u32 $0x140000, s4  }
0x6: {  	s14 =	simm.s32 $0x80;
	[smem:$0x7FF] =	sst s3;
	s7 =	smul.u32 $0x14000, s0  }
0x7: {  	s28 =	smul.u32 $0x50000, s0;
	_ =	strace $0x80000047;
	s29 =	ssub.s32 $0x2, s4  }
0x8: {  	s4 =	sshll.u32 s4, $0x4;
	s15 =	sshll.u32 s0, $0x6;
	s31 =	sshrl.u32 s29, $0x1  }
0x9: {  	s8 =	sor.u32 s0, s4;
	s15 =	sor.u32 $0x1C01, s15;
	s5 =	sadd.s32 s7, s5  }
0xa: {  	s30 =	sshrl.u32 s28, $0x2;
	s11 =	ssub.s32 s29, s31;
	s12 =	smul.u32 $0x500, s8  }
0xb: {  	s5 =	sshrl.u32 s5, $0x3;
	s4 =	sadd.s32 s30, s2;
	s11 =	smax.u32 s11, $0x1  }
0xc: {  	s10 =	sadd.s32 s5, s6;
	s5 =	sadd.s32 $0x4000, s4;
	s6 =	sadd.s32 $0x8000, s4  }
0xd: {  	s7 =	sadd.s32 $0xC000, s4;
	s8 =	sadd.s32 $0x10000, s4;
	s9 =	sadd.s32 s9, s12  }
0xe: {  	v0 =	vimm.f32 $1.000000000e+00;
	s12 =	simm.s32 $0x2800;
	s16 =	sshrl.u32 s4, $0x3;
	s10 =	sadd.s32 $0x2C00, s10  }
.LBB2_1:
0xf: {  	s17 =	simm.s32 $0x200;
	s18 =	simm.s32 $0x0  }
.LBB2_2:
0x10: {  	p0 =	sne.s32 s17, $0xFE00;
	[tilespmem:s18+$0x2800] =	vst v0;
	s18 =	smov.u32 s17;
	s17 =	sadd.s32 $0x200, s17  }
.Ltmp0:
0x11: {  	(pc) =	sbr.rel @p0 .LBB2_2-.Ltmp0, $2  }
0x12: {  	_ =	sdelay $0x2  }
0x13: {  	s18 =	sshra.s32 s18, $0x2  }
0x14: {  	[tilespmem:s18+$0x2800] =	vst v0  }
0x15: {  	[spmem:s4] =	stream.linear.scatter [tilespmem:s12], [sflag:$0x1], $0x4000, $0x38;
	[tilespmem:$0x9000] =	vst v63  }
0x16: {  	_ =	swait.ge [sflag:s13], $0x4000  }
0x17: {  	[sflag:s13] =	ssyncset.done $0x0  }
0x18: {  	[sflag:s13] =	ssyncadd.s32 $0xFFFFC000  }
0x19: {  	[spmem:s5] =	stream.linear.scatter [tilespmem:s12], [sflag:$0x1], $0x4000, $0x38;
	[tilespmem:$0x9000] =	vst v63  }
0x1a: {  	_ =	swait.ge [sflag:s13], $0x4000  }
0x1b: {  	[sflag:s13] =	ssyncset.done $0x0  }
0x1c: {  	[sflag:s13] =	ssyncadd.s32 $0xFFFFC000  }
0x1d: {  	[spmem:s6] =	stream.linear.scatter [tilespmem:s12], [sflag:$0x1], $0x4000, $0x38;
	[tilespmem:$0x9000] =	vst v63  }
0x1e: {  	_ =	swait.ge [sflag:s13], $0x4000  }
0x1f: {  	[sflag:s13] =	ssyncset.done $0x0  }
0x20: {  	[sflag:s13] =	ssyncadd.s32 $0xFFFFC000  }
0x21: {  	[spmem:s7] =	stream.linear.scatter [tilespmem:s12], [sflag:$0x1], $0x4000, $0x38;
	[tilespmem:$0x9000] =	vst v63  }
0x22: {  	_ =	swait.ge [sflag:s13], $0x4000  }
0x23: {  	[sflag:s13] =	ssyncset.done $0x0  }
0x24: {  	[sflag:s13] =	ssyncadd.s32 $0xFFFFC000  }
0x25: {  	[spmem:s8] =	stream.linear.scatter [tilespmem:s12], [sflag:$0x1], $0x4000, $0x38;
	[tilespmem:$0x9000] =	vst v63  }
0x26: {  	_ =	swait.ge [sflag:s13], $0x4000  }
0x27: {  	[sflag:s13] =	ssyncset.done $0x0  }
0x28: {  	s17 =	simm.s32 $0x0;
	[sflag:s13] =	ssyncadd.s32 $0xFFFFC000  }
0x29: {  	[tilespmem:s17], [sflag:$0x1] =	stream.linear.gather [hbm4b:s9+s17], $0x2800, $0x38;
	[tilespmem:$0x9000] =	vst v63  }
0x2a: {  	_ =	swait.ge [sflag:s13], $0x2800  }
0x2b: {  	[sflag:s13] =	ssyncset.done $0x0  }
0x2c: {  	[sflag:s13] =	ssyncadd.s32 $0xFFFFD800  }
0x2d: {  	s31 =	simm.s32 $0x0;
	[bflag:$0x0] =	sbarrier.arrive $0xFFFF  }
0x2e: {  	[spmem:s2] =	stream.indirect.scatter.add.f32 [tilespmem:s12], [sflag:$0x1], $0x10, s31, s14, $0xb8;
	[tilespmem:$0x9000] =	vst v63  }
0x2f: {  	_ =	swait.ge [sflag:s13], $0x800  }
0x30: {  	s17 =	simm.s32 $0x200;
	[sflag:s13] =	ssyncset.done $0x0  }
.LBB2_4:
0x31: {  	s18 =	sshra.s32 s17, $0x2;
	[sflag:s13] =	ssyncadd.s32 $0xFFFFF800;
	p0 =	sne.s32 s17, $0x9E00  }
0x32: {  	[spmem:s2] =	stream.indirect.scatter.add.f32 [tilespmem:s12], [sflag:$0x1], $0x10, s18, s14, $0xb8;
	[tilespmem:$0x9000] =	vst v63  }
.Ltmp1:
0x33: {  	_ = 	snop;
	(pc) =	sbr.rel @p0 .LBB2_4-.Ltmp1, $4  }
0x34: {  	_ = 	snop  }
0x35: {  	s17 =	sadd.s32 $0x200, s17  }
0x36: {  	_ =	swait.ge [sflag:s13], $0x800  }
0x37: {  	[sflag:s13] =	ssyncset.done $0x0  }
0x38: {  	s3 =	sadd.s32 $0x1, s3  }
0x39: {  	[sflag:s13] =	ssyncadd.s32 $0xFFFFF800;
	p0 =	sne.s32 s3, s11  }
.Ltmp2:
0x3a: {  	[bflag:$0x0] =	sbarrier.arrive $0xFFFF;
	(pc) =	sbr.rel @p0 .LBB2_1-.Ltmp2, $4  }
0x3b: {  	[hbm:s10], [sflag:s15] =	dma.local [spmem:s16], $0x2800  }
0x3c: {  	_ =	swait.ge [sflag:s13], $0x2800  }
0x3d: {  	[sflag:s13] =	ssyncset.done $0x0  }
0x3e: {  	[sflag:s13] =	ssyncadd.s32 $0xFFFFD800  }
0x3f: {  	_ =	sfence.sel $0x180000  }
0x40: {  	[bflag:$0x0] =	sbarrier.arrive $0xFFFF  }
0x41: {  	p0 =	sne.s32 s0, $0x0;
	_ =	strace $0x90000047  }
0x42: {  	s0 =	sadd.s32 @!p0 $0x100000, s1;
	[bflag:$0x2] =	sbarrier.arrive $0xFFFF  }
0x43: {  	[sflag:s0] =	ssyncadd.tile.s32 @!p0 $0x1;
	_ =	shalt  }
.Lfunc_end2:
_tile_overlayer_lowered:
.L_overlay_start_2:
0x44: {  	(tag) =	ssettag $0x2  }
0x45: {  	s0 =	rddreg [dreg:$0x0];
	s2 =	stileid.u32  }
0x46: {  	s1 =	rddreg [dreg:$0x1];
	p0 =	sne.s32 s2, $0x0  }
0x47: {  	s3 =	rddreg [dreg:$0x2];
	[bflag:$0x3] =	sbarrier.arrive $0xFFFF;
	s2 =	simm.s32 @!p0 $0x1C01  }
0x48: {  	[timem:s3], [sflag:s2] =	dma.local @!p0 [hbm:s0], s1  }
0x49: {  	s0 =	simm.s32 @!p0 $0x1  }
0x4a: {  	_ =	swait.ge @!p0 [sflag:s0], s1  }
0x4b: {  	s1 =	ssub.s32 @!p0 $0x0, s1;
	[sflag:s0] =	ssyncset.done @!p0 $0x0  }
0x4c: {  	[sflag:s0] =	ssyncadd.s32 @!p0 s1  }
0x4d: {  	[bflag:$0x3] =	sbarrier.arrive $0xFFFF  }
0x4e: {  	_ =	shalt  }

</sc_bundles>
